<compile_context>
chip_gen: v7x
topology: tpu7x:2x2x1
jax: 0.10.2.dev20260603
libtpu: 0.0.44.dev20260713+nightly
codegen_flags: <defaults>
</compile_context>

<pallas_src>
import functools

import jax
import jax.numpy as jnp
from jax import lax
from jax.experimental import pallas as pl
from jax.experimental.pallas import tpu as pltpu
from jax.experimental.pallas import tpu_sc as plsc

NC, NS, LANES = 2, 16, 16


def _deg_kernel(eidx, n_nodes):
    e = eidx.shape[1]
    nw = NC * NS
    ept = e // nw
    mesh = plsc.VectorSubcoreMesh(core_axis_name="c", subcore_axis_name="s")

    @functools.partial(
        pl.kernel,
        out_type=jax.ShapeDtypeStruct((nw, n_nodes), jnp.float32),
        mesh=mesh,
        scratch_types=[
            pltpu.VMEM((n_nodes,), jnp.float32),
            pltpu.VMEM((ept,), jnp.int32),
        ],
        compiler_params=pltpu.CompilerParams(needs_layout_passes=False),
    )
    def k(eidx_hbm, out_hbm, deg_l, dst_v):
        c = lax.axis_index("c")
        s = lax.axis_index("s")
        wid = c * NS + s

        def zero(i, _):
            deg_l[pl.ds(i * LANES, LANES)] = jnp.zeros((LANES,), jnp.float32)
            return 0

        lax.fori_loop(0, n_nodes // LANES, zero, 0)

        pltpu.sync_copy(eidx_hbm.at[1, pl.ds(wid * ept, ept)], dst_v)
        ones = jnp.ones((LANES,), jnp.float32)

        def acc(g, _):
            idx = dst_v[pl.ds(g * LANES, LANES)]
            plsc.addupdate_scatter(deg_l, [idx], ones)
            return 0

        lax.fori_loop(0, ept // LANES, acc, 0)
        pltpu.sync_copy(deg_l, out_hbm.at[wid])

    return k(eidx)


_TOP_BLOCKS = 3


def _xw_top_kernel(x, w):
    n, d_in = x.shape
    dh = w.shape[1]
    half = dh // 2
    blk = 1024
    base = n // blk - _TOP_BLOCKS

    def body(x_ref, w_ref, y_ref):
        y = jnp.dot(x_ref[...], w_ref[...], preferred_element_type=jnp.float32)
        y_ref[0] = y[:, :half]
        y_ref[1] = y[:, half:]

    return pl.pallas_call(
        body,
        grid=(_TOP_BLOCKS,),
        in_specs=[
            pl.BlockSpec((blk, d_in), lambda i: (base + i, 0)),
            pl.BlockSpec((d_in, dh), lambda i: (0, 0)),
        ],
        out_specs=pl.BlockSpec((2, blk, half), lambda i: (0, i, 0)),
        out_shape=jax.ShapeDtypeStruct((2, _TOP_BLOCKS * blk, half),
                                       jnp.float32),
    )(x, w)


def _xw_scale_kernel(x, w, degp, xwtop):
    n, d_in = x.shape
    dh = w.shape[1]
    half = dh // 2
    blk = 1024
    pt = _TOP_BLOCKS
    p = n // blk - pt
    nw = degp.shape[0]

    def body(x_ref, w_ref, degp_ref, xt_ref, y_ref):
        i = pl.program_id(0)
        deg = jnp.sum(degp_ref[...], axis=0) + 1.0
        dinv = lax.rsqrt(deg)[:, None]

        @pl.when(i < p)
        def _():
            y = jnp.dot(x_ref[...], w_ref[...],
                        preferred_element_type=jnp.float32)
            y_ref[0] = y[:, :half] * dinv
            y_ref[1] = y[:, half:] * dinv

        @pl.when(i >= p)
        def _():
            y_ref[0] = xt_ref[0] * dinv
            y_ref[1] = xt_ref[1] * dinv

    return pl.pallas_call(
        body,
        grid=(p + pt,),
        in_specs=[
            pl.BlockSpec((blk, d_in), lambda i: (jnp.minimum(i, p - 1), 0)),
            pl.BlockSpec((d_in, dh), lambda i: (0, 0)),
            pl.BlockSpec((nw, blk), lambda i: (0, i)),
            pl.BlockSpec((2, blk, half),
                         lambda i: (0, jnp.maximum(i - p, 0), 0)),
        ],
        out_specs=pl.BlockSpec((2, blk, half), lambda i: (0, i, 0)),
        out_shape=jax.ShapeDtypeStruct((2, n, half), jnp.float32),
    )(x, w, degp, xwtop)


def _scatter_kernel(ycat, eidx, n_nodes):
    nrows = eidx.shape[1] // 128
    rpt = nrows // NS
    stripe = n_nodes // NS
    mesh = plsc.VectorSubcoreMesh(core_axis_name="c", subcore_axis_name="s")

    @functools.partial(
        pl.kernel,
        out_type=jax.ShapeDtypeStruct((2 * n_nodes, 128), jnp.float32),
        mesh=mesh,
        scratch_types=[
            pltpu.VMEM((rpt, 128), jnp.int32),
            pltpu.VMEM((rpt, 128), jnp.int32),
            pltpu.VMEM((128, 128), jnp.float32),
            pltpu.VMEM((128, 128), jnp.float32),
            pltpu.VMEM((128, 128), jnp.float32),
            pltpu.SemaphoreType.DMA,
            pltpu.SemaphoreType.DMA,
            pltpu.SemaphoreType.DMA,
            pltpu.SemaphoreType.DMA,
            pltpu.VMEM_SHARED((n_nodes, 128), jnp.float32),
        ],
    )
    def k(y_hbm, eidx_hbm, a_hbm,
          src_v, dst_v, buf0, buf1, buf2,
          gsem0, gsem1, ssem, seedsem, acc_sh):
        c = lax.axis_index("c")
        s = lax.axis_index("s")
        bufs = [buf0, buf1, buf2]
        gsems = [gsem0, gsem1]
        cbase = c * n_nodes
        ebase = s * (rpt * 128)

        seed = pltpu.async_copy(y_hbm.at[pl.ds(cbase + s * stripe, stripe)],
                                acc_sh.at[pl.ds(s * stripe, stripe)], seedsem)

        idx_d = []
        for r in range(rpt):
            idx_d.append(pltpu.async_copy(
                eidx_hbm.at[0, pl.ds(ebase + r * 128, 128)], src_v.at[r],
                gsem0))
            idx_d.append(pltpu.async_copy(
                eidx_hbm.at[1, pl.ds(ebase + r * 128, 128)], dst_v.at[r],
                gsem1))
        for d in idx_d:
            d.wait()

        def off(t, _):
            sl = (t // 8, pl.ds((t % 8) * LANES, LANES))
            src_v[sl] = src_v[sl] + cbase
            return 0

        lax.fori_loop(0, rpt * 8, off, 0)

        gd = [None] * rpt
        sd = [None] * rpt
        gd[0] = pltpu.async_copy(y_hbm.at[src_v.at[0]], bufs[0], gsems[0])
        if rpt > 1:
            gd[1] = pltpu.async_copy(y_hbm.at[src_v.at[1]], bufs[1], gsems[1])
        seed.wait()
        plsc.subcore_barrier()
        for j in range(rpt):
            gd[j].wait()
            if j >= 1:
                sd[j - 1].wait()
            sd[j] = pltpu.async_copy(bufs[j % 3], acc_sh.at[dst_v.at[j]],
                                     ssem, add=True)
            if j + 2 < rpt:
                gd[j + 2] = pltpu.async_copy(
                    y_hbm.at[src_v.at[j + 2]], bufs[(j + 2) % 3],
                    gsems[j % 2])
        sd[rpt - 1].wait()
        plsc.subcore_barrier()
        pltpu.sync_copy(acc_sh.at[pl.ds(s * stripe, stripe)],
                        a_hbm.at[pl.ds(cbase + s * stripe, stripe)])

    return k(ycat, eidx)


def _bn_fc_kernel(acat, degp, bc2, gamma1, beta1, fc_w, fcb1):
    n2, half = acat.shape
    n = n2 // 2
    dh = 2 * half
    d4 = 4 * dh
    blk = 1024
    gblk = 512
    g_all = n // 4
    p1 = n // blk
    p2 = g_all // gblk
    nw = degp.shape[0]
    ncls = fc_w.shape[0]
    inv_n = 1.0 / float(n)

    def body(a0_ref, a1_ref, degp_ref, bc_ref, ga_ref, be_ref, fw_ref,
             fb_ref, out_ref, hg_s, st_s):
        i = pl.program_id(0)

        @pl.when(i == 0)
        def _():
            st_s[...] = jnp.zeros_like(st_s)

        @pl.when(i < p1)
        def _():
            deg = jnp.sum(degp_ref[...], axis=0) + 1.0
            dinv = lax.rsqrt(deg)[:, None]
            h0 = jnp.maximum(dinv * a0_ref[...] + bc_ref[0:1, :], 0.0)
            h1 = jnp.maximum(dinv * a1_ref[...] + bc_ref[1:2, :], 0.0)
            hcat = jnp.concatenate([h0, h1], axis=1)
            hg_s[pl.ds(i * (blk // 4), blk // 4), :] = hcat.reshape(
                blk // 4, d4)
            row_s = jnp.concatenate(
                [jnp.sum(h0, axis=0), jnp.sum(h1, axis=0)])
            row_q = jnp.concatenate(
                [jnp.sum(h0 * h0, axis=0), jnp.sum(h1 * h1, axis=0)])
            st_s[0:1, :] += row_s[None, :]
            st_s[1:2, :] += row_q[None, :]

        @pl.when(i >= p1)
        def _():
            j = i - p1
            mean = st_s[0:1, :] * inv_n
            ex2 = st_s[1:2, :] * inv_n
            var = ex2 - mean * mean
            rstd = lax.rsqrt(var + 1e-5)
            scale = ga_ref[0:1, :] * rstd
            off = be_ref[0:1, :] - mean * scale
            scale4 = jnp.concatenate([scale] * 4, axis=1)
            off4 = jnp.concatenate([off] * 4, axis=1)
            hgn = hg_s[pl.ds(j * gblk, gblk), :] * scale4 + off4
            ltT = lax.dot_general(
                fw_ref[...], hgn, (((1,), (1,)), ((), ())),
                preferred_element_type=jnp.float32) + fb_ref[...]
            m = jnp.max(ltT, axis=0, keepdims=True)
            lse = m + jnp.log(
                jnp.sum(jnp.exp(ltT - m), axis=0, keepdims=True))
            lsT = ltT - lse
            gsrc = lax.broadcasted_iota(jnp.int32, (gblk, 4 * gblk), 0)
            gdst = lax.broadcasted_iota(jnp.int32, (gblk, 4 * gblk), 1) // 4
            rep = (gsrc == gdst).astype(jnp.float32)
            out_ref[...] = lax.dot_general(
                lsT, rep, (((1,), (0,)), ((), ())),
                preferred_element_type=jnp.float32)

    return pl.pallas_call(
        body,
        grid=(p1 + p2,),
        in_specs=[
            pl.BlockSpec((blk, half), lambda i: (jnp.minimum(i, p1 - 1), 0)),
            pl.BlockSpec((blk, half),
                         lambda i: (p1 + jnp.minimum(i, p1 - 1), 0)),
            pl.BlockSpec((nw, blk), lambda i: (0, jnp.minimum(i, p1 - 1))),
            pl.BlockSpec((2, half), lambda i: (0, 0)),
            pl.BlockSpec((1, dh), lambda i: (0, 0)),
            pl.BlockSpec((1, dh), lambda i: (0, 0)),
            pl.BlockSpec((ncls, d4), lambda i: (0, 0)),
            pl.BlockSpec((ncls, 1), lambda i: (0, 0)),
        ],
        out_specs=pl.BlockSpec(
            (ncls, 4 * gblk), lambda i: (0, jnp.maximum(i - p1, 0))),
        out_shape=jax.ShapeDtypeStruct((ncls, n), jnp.float32),
        scratch_shapes=[
            pltpu.VMEM((g_all, d4), jnp.float32),
            pltpu.VMEM((8, dh), jnp.float32),
        ],
    )(acat, acat, degp, bc2, gamma1, beta1, fc_w, fcb1)


def kernel(x, edge_index, num_graphs, W, b_conv, gamma, beta, fc_W, fc_b):
    del num_graphs
    n, _ = x.shape
    dh = W.shape[1]
    degp = _deg_kernel(edge_index, n)
    xwtop = _xw_top_kernel(x, W)
    ycat = _xw_scale_kernel(x, W, degp, xwtop).reshape(2 * n, dh // 2)
    acat = _scatter_kernel(ycat, edge_index, n)
    bc2 = b_conv.reshape(2, dh // 2)
    outT = _bn_fc_kernel(acat, degp, bc2, gamma.reshape(1, dh),
                         beta.reshape(1, dh), fc_W, fc_b.reshape(-1, 1))
    return outT.T

# --- scband reference (transcript-rebuilt; emitter-appended) ---
"""Pipeline reference for scband-location-graph-net-16217796510181 (READ-ONLY COPY).

The authoritative reference and input builder live on the scoring server;
editing this copy changes nothing except your own understanding.
"""

import jax, jax.numpy as jnp
import numpy as np

N_NODES = 8192
E_EDGES = 32768
D_IN = 2048
D_HID = 256
N_GRAPHS = 2048
N_CLASSES = 394


def setup_inputs(seed: int = 0) -> dict:
    key = jax.random.key(seed)
    ks = jax.random.split(key, 8)
    x = jax.random.normal(ks[0], (N_NODES, D_IN), dtype=jnp.float32)
    edge_index = jax.random.randint(ks[1], (2, E_EDGES), 0, N_NODES, dtype=jnp.int32)
    # GCNConv(2048, 256) parameters (PyG: linear without bias, separate bias after aggregation)
    W = jax.random.normal(ks[2], (D_IN, D_HID), dtype=jnp.float32) * (1.0 / np.sqrt(D_IN))
    b_conv = jnp.zeros((D_HID,), dtype=jnp.float32)
    # BatchNorm1d(256) affine params
    gamma = jnp.ones((D_HID,), dtype=jnp.float32)
    beta = jnp.zeros((D_HID,), dtype=jnp.float32)
    # fc1: Linear(256*4, 394)
    fc_W = jax.random.normal(ks[3], (N_CLASSES, 4 * D_HID), dtype=jnp.float32) * (1.0 / np.sqrt(4 * D_HID))
    fc_b = jnp.zeros((N_CLASSES,), dtype=jnp.float32)
    return {
        "x": x,
        "edge_index": edge_index,
        "num_graphs": N_GRAPHS,
        "W": W,
        "b_conv": b_conv,
        "gamma": gamma,
        "beta": beta,
        "fc_W": fc_W,
        "fc_b": fc_b,
    }


def reference(x, edge_index, num_graphs, W, b_conv, gamma, beta, fc_W, fc_b):
    N = x.shape[0]
    # --- GCNConv: add self-loops, symmetric normalization, linear, scatter-add ---
    loop = jnp.arange(N, dtype=edge_index.dtype)
    src = jnp.concatenate([edge_index[0], loop])
    dst = jnp.concatenate([edge_index[1], loop])
    deg = jnp.zeros((N,), dtype=jnp.float32).at[dst].add(jnp.ones_like(dst, dtype=jnp.float32))
    dinv = jax.lax.rsqrt(jnp.maximum(deg, 1e-12))
    norm = dinv[src] * dinv[dst]
    xw = x @ W  # [N, 256]
    msg = norm[:, None] * jnp.take(xw, src, axis=0)
    h = jnp.zeros((N, xw.shape[1]), dtype=jnp.float32).at[dst].add(msg) + b_conv
    # --- relu ---
    h = jax.nn.relu(h)
    # --- BatchNorm1d (batch statistics, as in training mode; dropout is identity in eval) ---
    mean = jnp.mean(h, axis=0)
    var = jnp.var(h, axis=0)
    h = (h - mean) * jax.lax.rsqrt(var + 1e-5)
    h = h * gamma + beta
    # --- group 4 nodes per graph, flatten, fc1 ---
    num_graphs_static = h.shape[0] // 4
    hg = h.reshape(num_graphs_static, 4 * h.shape[1])  # [num_graphs, 1024]
    logits = hg @ fc_W.T + fc_b + (num_graphs - num_graphs)  # [num_graphs, 394]
    # --- repeat each graph's logits over its 4 nodes ---
    out = jnp.repeat(logits, 4, axis=0)  # [N, 394]
    # --- log_softmax ---
    out = out - jax.scipy.special.logsumexp(out, axis=1, keepdims=True)
    return out

if __name__ == "__main__":
    import jax
    _d = setup_inputs()
    print(jax.jit(kernel)(*tuple(_d.values())))

</pallas_src>

<mosaic_0001>
#map = affine_map<(d0, d1) -> (0, 0)>
module attributes {stable_mosaic.version = 14 : i64} {
  func.func @k(%arg0: i32, %arg1: i32, %arg2: memref<16384x128xf32, #tpu.memory_space<hbm>>, %arg3: memref<2x32768xi32, #tpu.memory_space<hbm>>, %arg4: memref<16384x128xf32, #tpu.memory_space<hbm>>, %arg5: memref<16x128xi32, #tpu.memory_space<vmem>>, %arg6: memref<16x128xi32, #tpu.memory_space<vmem>>, %arg7: memref<128x128xf32, #tpu.memory_space<vmem>>, %arg8: memref<128x128xf32, #tpu.memory_space<vmem>>, %arg9: memref<128x128xf32, #tpu.memory_space<vmem>>, %arg10: memref<!tpu.dma_semaphore, #tpu.memory_space<semaphore_mem>>, %arg11: memref<!tpu.dma_semaphore, #tpu.memory_space<semaphore_mem>>, %arg12: memref<!tpu.dma_semaphore, #tpu.memory_space<semaphore_mem>>, %arg13: memref<!tpu.dma_semaphore, #tpu.memory_space<semaphore_mem>>, %arg14: memref<8192x128xf32, #tpu.memory_space<vmem_shared>>) attributes {dimension_semantics = [#tpu.dimension_semantics<core_parallel>, #tpu.dimension_semantics<subcore_parallel>], iteration_bounds = array<i64: 2, 16>, scalar_prefetch = 0 : i64, scratch_operands = 10 : i64, tpu.core_type = #tpu.core_type<sc_vector_subcore>, window_params = [{transform_indices = #map}, {transform_indices = #map}, {transform_indices = #map}]} {
    %mul3A = arith.constant 8192 : i32
    %mul3A_0 = arith.muli %arg0, %mul3A : i32
    %mul3A_1 = arith.constant 2048 : i32
    %mul3A_2 = arith.muli %arg1, %mul3A_1 : i32
    %mul3A_3 = arith.constant 512 : i32
    %mul3A_4 = arith.muli %arg1, %mul3A_3 : i32
    %add3A = arith.addi %mul3A_0, %mul3A_4 : i32
    %mul3A_5 = arith.constant 512 : i32
    %mul3A_6 = arith.muli %arg1, %mul3A_5 : i32
    %dma_start3A = arith.constant 0 : i32
    %dma_start3A_7 = tpu.memref_slice %arg14[%mul3A_6, %dma_start3A] : memref<8192x128xf32, #tpu.memory_space<vmem_shared>> -> memref<512x128xf32, #tpu.memory_space<vmem_shared>>
    %dma_start3A_8 = arith.constant 0 : i32
    %dma_start3A_9 = tpu.memref_slice %arg2[%add3A, %dma_start3A_8] : memref<16384x128xf32, #tpu.memory_space<hbm>> -> memref<512x128xf32, #tpu.memory_space<hbm>>
    tpu.enqueue_dma source(%dma_start3A_9 : memref<512x128xf32, #tpu.memory_space<hbm>>) target(%dma_start3A_7 : memref<512x128xf32, #tpu.memory_space<vmem_shared>>) target_semaphore(%arg13 : memref<!tpu.dma_semaphore, #tpu.memory_space<semaphore_mem>>)
    %add3A_10 = arith.constant 0 : i32
    %add3A_11 = arith.addi %mul3A_2, %add3A_10 : i32
    %dma_start3A_12 = arith.constant 0 : i32
    %dma_start3A_13 = arith.constant 0 : i32
    %dma_start3A_14 = arith.constant 0 : i32
    %dma_start3A_15 = tpu.memref_slice %arg5[%dma_start3A_13, %dma_start3A_14] : memref<16x128xi32, #tpu.memory_space<vmem>> -> memref<1x128xi32, #tpu.memory_space<vmem>>
    %dma_start3A_16 = tpu.memref_squeeze %dma_start3A_15 : memref<1x128xi32, #tpu.memory_space<vmem>> -> memref<128xi32, #tpu.memory_space<vmem>>
    %dma_start3A_17 = tpu.memref_slice %arg3[%dma_start3A_12, %add3A_11] : memref<2x32768xi32, #tpu.memory_space<hbm>> -> memref<1x128xi32, #tpu.memory_space<hbm>>
    %dma_start3A_18 = tpu.memref_squeeze %dma_start3A_17 : memref<1x128xi32, #tpu.memory_space<hbm>> -> memref<128xi32, #tpu.memory_space<hbm>>
    %dma_start3A_19 = arith.constant 0 : i32
    %dma_start3A_20 = tpu.memref_slice %arg5[%dma_start3A_13, %dma_start3A_19] : memref<16x128xi32, #tpu.memory_space<vmem>> -> memref<1x128xi32, #tpu.memory_space<vmem>>
    %dma_start3A_21 = tpu.memref_squeeze %dma_start3A_20 : memref<1x128xi32, #tpu.memory_space<vmem>> -> memref<128xi32, #tpu.memory_space<vmem>>
    %dma_start3A_22 = tpu.memref_slice %arg3[%dma_start3A_12, %add3A_11] : memref<2x32768xi32, #tpu.memory_space<hbm>> -> memref<1x128xi32, #tpu.memory_space<hbm>>
    %dma_start3A_23 = tpu.memref_squeeze %dma_start3A_22 : memref<1x128xi32, #tpu.memory_space<hbm>> -> memref<128xi32, #tpu.memory_space<hbm>>
    tpu.enqueue_dma source(%dma_start3A_23 : memref<128xi32, #tpu.memory_space<hbm>>) target(%dma_start3A_21 : memref<128xi32, #tpu.memory_space<vmem>>) target_semaphore(%arg10 : memref<!tpu.dma_semaphore, #tpu.memory_space<semaphore_mem>>)
    %add3A_24 = arith.constant 0 : i32
    %add3A_25 = arith.addi %mul3A_2, %add3A_24 : i32
    %dma_start3A_26 = arith.constant 1 : i32
    %dma_start3A_27 = arith.constant 0 : i32
    %dma_start3A_28 = arith.constant 0 : i32
    %dma_start3A_29 = tpu.memref_slice %arg6[%dma_start3A_27, %dma_start3A_28] : memref<16x128xi32, #tpu.memory_space<vmem>> -> memref<1x128xi32, #tpu.memory_space<vmem>>
    %dma_start3A_30 = tpu.memref_squeeze %dma_start3A_29 : memref<1x128xi32, #tpu.memory_space<vmem>> -> memref<128xi32, #tpu.memory_space<vmem>>
    %dma_start3A_31 = tpu.memref_slice %arg3[%dma_start3A_26, %add3A_25] : memref<2x32768xi32, #tpu.memory_space<hbm>> -> memref<1x128xi32, #tpu.memory_space<hbm>>
    %dma_start3A_32 = tpu.memref_squeeze %dma_start3A_31 : memref<1x128xi32, #tpu.memory_space<hbm>> -> memref<128xi32, #tpu.memory_space<hbm>>
    %dma_start3A_33 = arith.constant 0 : i32
    %dma_start3A_34 = tpu.memref_slice %arg6[%dma_start3A_27, %dma_start3A_33] : memref<16x128xi32, #tpu.memory_space<vmem>> -> memref<1x128xi32, #tpu.memory_space<vmem>>
    %dma_start3A_35 = tpu.memref_squeeze %dma_start3A_34 : memref<1x128xi32, #tpu.memory_space<vmem>> -> memref<128xi32, #tpu.memory_space<vmem>>
    %dma_start3A_36 = tpu.memref_slice %arg3[%dma_start3A_26, %add3A_25] : memref<2x32768xi32, #tpu.memory_space<hbm>> -> memref<1x128xi32, #tpu.memory_space<hbm>>
    %dma_start3A_37 = tpu.memref_squeeze %dma_start3A_36 : memref<1x128xi32, #tpu.memory_space<hbm>> -> memref<128xi32, #tpu.memory_space<hbm>>
    tpu.enqueue_dma source(%dma_start3A_37 : memref<128xi32, #tpu.memory_space<hbm>>) target(%dma_start3A_35 : memref<128xi32, #tpu.memory_space<vmem>>) target_semaphore(%arg11 : memref<!tpu.dma_semaphore, #tpu.memory_space<semaphore_mem>>)
    %add3A_38 = arith.constant 128 : i32
    %add3A_39 = arith.addi %mul3A_2, %add3A_38 : i32
    %dma_start3A_40 = arith.constant 0 : i32
    %dma_start3A_41 = arith.constant 1 : i32
    %dma_start3A_42 = arith.constant 0 : i32
    %dma_start3A_43 = tpu.memref_slice %arg5[%dma_start3A_41, %dma_start3A_42] : memref<16x128xi32, #tpu.memory_space<vmem>> -> memref<1x128xi32, #tpu.memory_space<vmem>>
    %dma_start3A_44 = tpu.memref_squeeze %dma_start3A_43 : memref<1x128xi32, #tpu.memory_space<vmem>> -> memref<128xi32, #tpu.memory_space<vmem>>
    %dma_start3A_45 = tpu.memref_slice %arg3[%dma_start3A_40, %add3A_39] : memref<2x32768xi32, #tpu.memory_space<hbm>> -> memref<1x128xi32, #tpu.memory_space<hbm>>
    %dma_start3A_46 = tpu.memref_squeeze %dma_start3A_45 : memref<1x128xi32, #tpu.memory_space<hbm>> -> memref<128xi32, #tpu.memory_space<hbm>>
    %dma_start3A_47 = arith.constant 0 : i32
    %dma_start3A_48 = tpu.memref_slice %arg5[%dma_start3A_41, %dma_start3A_47] : memref<16x128xi32, #tpu.memory_space<vmem>> -> memref<1x128xi32, #tpu.memory_space<vmem>>
    %dma_start3A_49 = tpu.memref_squeeze %dma_start3A_48 : memref<1x128xi32, #tpu.memory_space<vmem>> -> memref<128xi32, #tpu.memory_space<vmem>>
    %dma_start3A_50 = tpu.memref_slice %arg3[%dma_start3A_40, %add3A_39] : memref<2x32768xi32, #tpu.memory_space<hbm>> -> memref<1x128xi32, #tpu.memory_space<hbm>>
    %dma_start3A_51 = tpu.memref_squeeze %dma_start3A_50 : memref<1x128xi32, #tpu.memory_space<hbm>> -> memref<128xi32, #tpu.memory_space<hbm>>
    tpu.enqueue_dma source(%dma_start3A_51 : memref<128xi32, #tpu.memory_space<hbm>>) target(%dma_start3A_49 : memref<128xi32, #tpu.memory_space<vmem>>) target_semaphore(%arg10 : memref<!tpu.dma_semaphore, #tpu.memory_space<semaphore_mem>>)
    %add3A_52 = arith.constant 128 : i32
    %add3A_53 = arith.addi %mul3A_2, %add3A_52 : i32
    %dma_start3A_54 = arith.constant 1 : i32
    %dma_start3A_55 = arith.constant 1 : i32
    %dma_start3A_56 = arith.constant 0 : i32
    %dma_start3A_57 = tpu.memref_slice %arg6[%dma_start3A_55, %dma_start3A_56] : memref<16x128xi32, #tpu.memory_space<vmem>> -> memref<1x128xi32, #tpu.memory_space<vmem>>
    %dma_start3A_58 = tpu.memref_squeeze %dma_start3A_57 : memref<1x128xi32, #tpu.memory_space<vmem>> -> memref<128xi32, #tpu.memory_space<vmem>>
    %dma_start3A_59 = tpu.memref_slice %arg3[%dma_start3A_54, %add3A_53] : memref<2x32768xi32, #tpu.memory_space<hbm>> -> memref<1x128xi32, #tpu.memory_space<hbm>>
    %dma_start3A_60 = tpu.memref_squeeze %dma_start3A_59 : memref<1x128xi32, #tpu.memory_space<hbm>> -> memref<128xi32, #tpu.memory_space<hbm>>
    %dma_start3A_61 = arith.constant 0 : i32
    %dma_start3A_62 = tpu.memref_slice %arg6[%dma_start3A_55, %dma_start3A_61] : memref<16x128xi32, #tpu.memory_space<vmem>> -> memref<1x128xi32, #tpu.memory_space<vmem>>
    %dma_start3A_63 = tpu.memref_squeeze %dma_start3A_62 : memref<1x128xi32, #tpu.memory_space<vmem>> -> memref<128xi32, #tpu.memory_space<vmem>>
    %dma_start3A_64 = tpu.memref_slice %arg3[%dma_start3A_54, %add3A_53] : memref<2x32768xi32, #tpu.memory_space<hbm>> -> memref<1x128xi32, #tpu.memory_space<hbm>>
    %dma_start3A_65 = tpu.memref_squeeze %dma_start3A_64 : memref<1x128xi32, #tpu.memory_space<hbm>> -> memref<128xi32, #tpu.memory_space<hbm>>
    tpu.enqueue_dma source(%dma_start3A_65 : memref<128xi32, #tpu.memory_space<hbm>>) target(%dma_start3A_63 : memref<128xi32, #tpu.memory_space<vmem>>) target_semaphore(%arg11 : memref<!tpu.dma_semaphore, #tpu.memory_space<semaphore_mem>>)
    %add3A_66 = arith.constant 256 : i32
    %add3A_67 = arith.addi %mul3A_2, %add3A_66 : i32
    %dma_start3A_68 = arith.constant 0 : i32
    %dma_start3A_69 = arith.constant 2 : i32
    %dma_start3A_70 = arith.constant 0 : i32
    %dma_start3A_71 = tpu.memref_slice %arg5[%dma_start3A_69, %dma_start3A_70] : memref<16x128xi32, #tpu.memory_space<vmem>> -> memref<1x128xi32, #tpu.memory_space<vmem>>
    %dma_start3A_72 = tpu.memref_squeeze %dma_start3A_71 : memref<1x128xi32, #tpu.memory_space<vmem>> -> memref<128xi32, #tpu.memory_space<vmem>>
    %dma_start3A_73 = tpu.memref_slice %arg3[%dma_start3A_68, %add3A_67] : memref<2x32768xi32, #tpu.memory_space<hbm>> -> memref<1x128xi32, #tpu.memory_space<hbm>>
    %dma_start3A_74 = tpu.memref_squeeze %dma_start3A_73 : memref<1x128xi32, #tpu.memory_space<hbm>> -> memref<128xi32, #tpu.memory_space<hbm>>
    %dma_start3A_75 = arith.constant 0 : i32
    %dma_start3A_76 = tpu.memref_slice %arg5[%dma_start3A_69, %dma_start3A_75] : memref<16x128xi32, #tpu.memory_space<vmem>> -> memref<1x128xi32, #tpu.memory_space<vmem>>
    %dma_start3A_77 = tpu.memref_squeeze %dma_start3A_76 : memref<1x128xi32, #tpu.memory_space<vmem>> -> memref<128xi32, #tpu.memory_space<vmem>>
    %dma_start3A_78 = tpu.memref_slice %arg3[%dma_start3A_68, %add3A_67] : memref<2x32768xi32, #tpu.memory_space<hbm>> -> memref<1x128xi32, #tpu.memory_space<hbm>>
    %dma_start3A_79 = tpu.memref_squeeze %dma_start3A_78 : memref<1x128xi32, #tpu.memory_space<hbm>> -> memref<128xi32, #tpu.memory_space<hbm>>
    tpu.enqueue_dma source(%dma_start3A_79 : memref<128xi32, #tpu.memory_space<hbm>>) target(%dma_start3A_77 : memref<128xi32, #tpu.memory_space<vmem>>) target_semaphore(%arg10 : memref<!tpu.dma_semaphore, #tpu.memory_space<semaphore_mem>>)
    %add3A_80 = arith.constant 256 : i32
    %add3A_81 = arith.addi %mul3A_2, %add3A_80 : i32
    %dma_start3A_82 = arith.constant 1 : i32
    %dma_start3A_83 = arith.constant 2 : i32
    %dma_start3A_84 = arith.constant 0 : i32
    %dma_start3A_85 = tpu.memref_slice %arg6[%dma_start3A_83, %dma_start3A_84] : memref<16x128xi32, #tpu.memory_space<vmem>> -> memref<1x128xi32, #tpu.memory_space<vmem>>
    %dma_start3A_86 = tpu.memref_squeeze %dma_start3A_85 : memref<1x128xi32, #tpu.memory_space<vmem>> -> memref<128xi32, #tpu.memory_space<vmem>>
    %dma_start3A_87 = tpu.memref_slice %arg3[%dma_start3A_82, %add3A_81] : memref<2x32768xi32, #tpu.memory_space<hbm>> -> memref<1x128xi32, #tpu.memory_space<hbm>>
    %dma_start3A_88 = tpu.memref_squeeze %dma_start3A_87 : memref<1x128xi32, #tpu.memory_space<hbm>> -> memref<128xi32, #tpu.memory_space<hbm>>
    %dma_start3A_89 = arith.constant 0 : i32
    %dma_start3A_90 = tpu.memref_slice %arg6[%dma_start3A_83, %dma_start3A_89] : memref<16x128xi32, #tpu.memory_space<vmem>> -> memref<1x128xi32, #tpu.memory_space<vmem>>
    %dma_start3A_91 = tpu.memref_squeeze %dma_start3A_90 : memref<1x128xi32, #tpu.memory_space<vmem>> -> memref<128xi32, #tpu.memory_space<vmem>>
    %dma_start3A_92 = tpu.memref_slice %arg3[%dma_start3A_82, %add3A_81] : memref<2x32768xi32, #tpu.memory_space<hbm>> -> memref<1x128xi32, #tpu.memory_space<hbm>>
    %dma_start3A_93 = tpu.memref_squeeze %dma_start3A_92 : memref<1x128xi32, #tpu.memory_space<hbm>> -> memref<128xi32, #tpu.memory_space<hbm>>
    tpu.enqueue_dma source(%dma_start3A_93 : memref<128xi32, #tpu.memory_space<hbm>>) target(%dma_start3A_91 : memref<128xi32, #tpu.memory_space<vmem>>) target_semaphore(%arg11 : memref<!tpu.dma_semaphore, #tpu.memory_space<semaphore_mem>>)
    %add3A_94 = arith.constant 384 : i32
    %add3A_95 = arith.addi %mul3A_2, %add3A_94 : i32
    %dma_start3A_96 = arith.constant 0 : i32
    %dma_start3A_97 = arith.constant 3 : i32
    %dma_start3A_98 = arith.constant 0 : i32
    %dma_start3A_99 = tpu.memref_slice %arg5[%dma_start3A_97, %dma_start3A_98] : memref<16x128xi32, #tpu.memory_space<vmem>> -> memref<1x128xi32, #tpu.memory_space<vmem>>
    %dma_start3A_100 = tpu.memref_squeeze %dma_start3A_99 : memref<1x128xi32, #tpu.memory_space<vmem>> -> memref<128xi32, #tpu.memory_space<vmem>>
    %dma_start3A_101 = tpu.memref_slice %arg3[%dma_start3A_96, %add3A_95] : memref<2x32768xi32, #tpu.memory_space<hbm>> -> memref<1x128xi32, #tpu.memory_space<hbm>>
    %dma_start3A_102 = tpu.memref_squeeze %dma_start3A_101 : memref<1x128xi32, #tpu.memory_space<hbm>> -> memref<128xi32, #tpu.memory_space<hbm>>
    %dma_start3A_103 = arith.constant 0 : i32
    %dma_start3A_104 = tpu.memref_slice %arg5[%dma_start3A_97, %dma_start3A_103] : memref<16x128xi32, #tpu.memory_space<vmem>> -> memref<1x128xi32, #tpu.memory_space<vmem>>
    %dma_start3A_105 = tpu.memref_squeeze %dma_start3A_104 : memref<1x128xi32, #tpu.memory_space<vmem>> -> memref<128xi32, #tpu.memory_space<vmem>>
    %dma_start3A_106 = tpu.memref_slice %arg3[%dma_start3A_96, %add3A_95] : memref<2x32768xi32, #tpu.memory_space<hbm>> -> memref<1x128xi32, #tpu.memory_space<hbm>>
    %dma_start3A_107 = tpu.memref_squeeze %dma_start3A_106 : memref<1x128xi32, #tpu.memory_space<hbm>> -> memref<128xi32, #tpu.memory_space<hbm>>
    tpu.enqueue_dma source(%dma_start3A_107 : memref<128xi32, #tpu.memory_space<hbm>>) target(%dma_start3A_105 : memref<128xi32, #tpu.memory_space<vmem>>) target_semaphore(%arg10 : memref<!tpu.dma_semaphore, #tpu.memory_space<semaphore_mem>>)
    %add3A_108 = arith.constant 384 : i32
    %add3A_109 = arith.addi %mul3A_2, %add3A_108 : i32
    %dma_start3A_110 = arith.constant 1 : i32
    %dma_start3A_111 = arith.constant 3 : i32
    %dma_start3A_112 = arith.constant 0 : i32
    %dma_start3A_113 = tpu.memref_slice %arg6[%dma_start3A_111, %dma_start3A_112] : memref<16x128xi32, #tpu.memory_space<vmem>> -> memref<1x128xi32, #tpu.memory_space<vmem>>
    %dma_start3A_114 = tpu.memref_squeeze %dma_start3A_113 : memref<1x128xi32, #tpu.memory_space<vmem>> -> memref<128xi32, #tpu.memory_space<vmem>>
    %dma_start3A_115 = tpu.memref_slice %arg3[%dma_start3A_110, %add3A_109] : memref<2x32768xi32, #tpu.memory_space<hbm>> -> memref<1x128xi32, #tpu.memory_space<hbm>>
    %dma_start3A_116 = tpu.memref_squeeze %dma_start3A_115 : memref<1x128xi32, #tpu.memory_space<hbm>> -> memref<128xi32, #tpu.memory_space<hbm>>
    %dma_start3A_117 = arith.constant 0 : i32
    %dma_start3A_118 = tpu.memref_slice %arg6[%dma_start3A_111, %dma_start3A_117] : memref<16x128xi32, #tpu.memory_space<vmem>> -> memref<1x128xi32, #tpu.memory_space<vmem>>
    %dma_start3A_119 = tpu.memref_squeeze %dma_start3A_118 : memref<1x128xi32, #tpu.memory_space<vmem>> -> memref<128xi32, #tpu.memory_space<vmem>>
    %dma_start3A_120 = tpu.memref_slice %arg3[%dma_start3A_110, %add3A_109] : memref<2x32768xi32, #tpu.memory_space<hbm>> -> memref<1x128xi32, #tpu.memory_space<hbm>>
    %dma_start3A_121 = tpu.memref_squeeze %dma_start3A_120 : memref<1x128xi32, #tpu.memory_space<hbm>> -> memref<128xi32, #tpu.memory_space<hbm>>
    tpu.enqueue_dma source(%dma_start3A_121 : memref<128xi32, #tpu.memory_space<hbm>>) target(%dma_start3A_119 : memref<128xi32, #tpu.memory_space<vmem>>) target_semaphore(%arg11 : memref<!tpu.dma_semaphore, #tpu.memory_space<semaphore_mem>>)
    %add3A_122 = arith.constant 512 : i32
    %add3A_123 = arith.addi %mul3A_2, %add3A_122 : i32
    %dma_start3A_124 = arith.constant 0 : i32
    %dma_start3A_125 = arith.constant 4 : i32
    %dma_start3A_126 = arith.constant 0 : i32
    %dma_start3A_127 = tpu.memref_slice %arg5[%dma_start3A_125, %dma_start3A_126] : memref<16x128xi32, #tpu.memory_space<vmem>> -> memref<1x128xi32, #tpu.memory_space<vmem>>
    %dma_start3A_128 = tpu.memref_squeeze %dma_start3A_127 : memref<1x128xi32, #tpu.memory_space<vmem>> -> memref<128xi32, #tpu.memory_space<vmem>>
    %dma_start3A_129 = tpu.memref_slice %arg3[%dma_start3A_124, %add3A_123] : memref<2x32768xi32, #tpu.memory_space<hbm>> -> memref<1x128xi32, #tpu.memory_space<hbm>>
    %dma_start3A_130 = tpu.memref_squeeze %dma_start3A_129 : memref<1x128xi32, #tpu.memory_space<hbm>> -> memref<128xi32, #tpu.memory_space<hbm>>
    %dma_start3A_131 = arith.constant 0 : i32
    %dma_start3A_132 = tpu.memref_slice %arg5[%dma_start3A_125, %dma_start3A_131] : memref<16x128xi32, #tpu.memory_space<vmem>> -> memref<1x128xi32, #tpu.memory_space<vmem>>
    %dma_start3A_133 = tpu.memref_squeeze %dma_start3A_132 : memref<1x128xi32, #tpu.memory_space<vmem>> -> memref<128xi32, #tpu.memory_space<vmem>>
    %dma_start3A_134 = tpu.memref_slice %arg3[%dma_start3A_124, %add3A_123] : memref<2x32768xi32, #tpu.memory_space<hbm>> -> memref<1x128xi32, #tpu.memory_space<hbm>>
    %dma_start3A_135 = tpu.memref_squeeze %dma_start3A_134 : memref<1x128xi32, #tpu.memory_space<hbm>> -> memref<128xi32, #tpu.memory_space<hbm>>
    tpu.enqueue_dma source(%dma_start3A_135 : memref<128xi32, #tpu.memory_space<hbm>>) target(%dma_start3A_133 : memref<128xi32, #tpu.memory_space<vmem>>) target_semaphore(%arg10 : memref<!tpu.dma_semaphore, #tpu.memory_space<semaphore_mem>>)
    %add3A_136 = arith.constant 512 : i32
    %add3A_137 = arith.addi %mul3A_2, %add3A_136 : i32
    %dma_start3A_138 = arith.constant 1 : i32
    %dma_start3A_139 = arith.constant 4 : i32
    %dma_start3A_140 = arith.constant 0 : i32
    %dma_start3A_141 = tpu.memref_slice %arg6[%dma_start3A_139, %dma_start3A_140] : memref<16x128xi32, #tpu.memory_space<vmem>> -> memref<1x128xi32, #tpu.memory_space<vmem>>
    %dma_start3A_142 = tpu.memref_squeeze %dma_start3A_141 : memref<1x128xi32, #tpu.memory_space<vmem>> -> memref<128xi32, #tpu.memory_space<vmem>>
    %dma_start3A_143 = tpu.memref_slice %arg3[%dma_start3A_138, %add3A_137] : memref<2x32768xi32, #tpu.memory_space<hbm>> -> memref<1x128xi32, #tpu.memory_space<hbm>>
    %dma_start3A_144 = tpu.memref_squeeze %dma_start3A_143 : memref<1x128xi32, #tpu.memory_space<hbm>> -> memref<128xi32, #tpu.memory_space<hbm>>
    %dma_start3A_145 = arith.constant 0 : i32
    %dma_start3A_146 = tpu.memref_slice %arg6[%dma_start3A_139, %dma_start3A_145] : memref<16x128xi32, #tpu.memory_space<vmem>> -> memref<1x128xi32, #tpu.memory_space<vmem>>
    %dma_start3A_147 = tpu.memref_squeeze %dma_start3A_146 : memref<1x128xi32, #tpu.memory_space<vmem>> -> memref<128xi32, #tpu.memory_space<vmem>>
    %dma_start3A_148 = tpu.memref_slice %arg3[%dma_start3A_138, %add3A_137] : memref<2x32768xi32, #tpu.memory_space<hbm>> -> memref<1x128xi32, #tpu.memory_space<hbm>>
    %dma_start3A_149 = tpu.memref_squeeze %dma_start3A_148 : memref<1x128xi32, #tpu.memory_space<hbm>> -> memref<128xi32, #tpu.memory_space<hbm>>
    tpu.enqueue_dma source(%dma_start3A_149 : memref<128xi32, #tpu.memory_space<hbm>>) target(%dma_start3A_147 : memref<128xi32, #tpu.memory_space<vmem>>) target_semaphore(%arg11 : memref<!tpu.dma_semaphore, #tpu.memory_space<semaphore_mem>>)
    %add3A_150 = arith.constant 640 : i32
    %add3A_151 = arith.addi %mul3A_2, %add3A_150 : i32
    %dma_start3A_152 = arith.constant 0 : i32
    %dma_start3A_153 = arith.constant 5 : i32
    %dma_start3A_154 = arith.constant 0 : i32
    %dma_start3A_155 = tpu.memref_slice %arg5[%dma_start3A_153, %dma_start3A_154] : memref<16x128xi32, #tpu.memory_space<vmem>> -> memref<1x128xi32, #tpu.memory_space<vmem>>
    %dma_start3A_156 = tpu.memref_squeeze %dma_start3A_155 : memref<1x128xi32, #tpu.memory_space<vmem>> -> memref<128xi32, #tpu.memory_space<vmem>>
    %dma_start3A_157 = tpu.memref_slice %arg3[%dma_start3A_152, %add3A_151] : memref<2x32768xi32, #tpu.memory_space<hbm>> -> memref<1x128xi32, #tpu.memory_space<hbm>>
    %dma_start3A_158 = tpu.memref_squeeze %dma_start3A_157 : memref<1x128xi32, #tpu.memory_space<hbm>> -> memref<128xi32, #tpu.memory_space<hbm>>
    %dma_start3A_159 = arith.constant 0 : i32
    %dma_start3A_160 = tpu.memref_slice %arg5[%dma_start3A_153, %dma_start3A_159] : memref<16x128xi32, #tpu.memory_space<vmem>> -> memref<1x128xi32, #tpu.memory_space<vmem>>
    %dma_start3A_161 = tpu.memref_squeeze %dma_start3A_160 : memref<1x128xi32, #tpu.memory_space<vmem>> -> memref<128xi32, #tpu.memory_space<vmem>>
    %dma_start3A_162 = tpu.memref_slice %arg3[%dma_start3A_152, %add3A_151] : memref<2x32768xi32, #tpu.memory_space<hbm>> -> memref<1x128xi32, #tpu.memory_space<hbm>>
    %dma_start3A_163 = tpu.memref_squeeze %dma_start3A_162 : memref<1x128xi32, #tpu.memory_space<hbm>> -> memref<128xi32, #tpu.memory_space<hbm>>
    tpu.enqueue_dma source(%dma_start3A_163 : memref<128xi32, #tpu.memory_space<hbm>>) target(%dma_start3A_161 : memref<128xi32, #tpu.memory_space<vmem>>) target_semaphore(%arg10 : memref<!tpu.dma_semaphore, #tpu.memory_space<semaphore_mem>>)
    %add3A_164 = arith.constant 640 : i32
    %add3A_165 = arith.addi %mul3A_2, %add3A_164 : i32
    %dma_start3A_166 = arith.constant 1 : i32
    %dma_start3A_167 = arith.constant 5 : i32
    %dma_start3A_168 = arith.constant 0 : i32
    %dma_start3A_169 = tpu.memref_slice %arg6[%dma_start3A_167, %dma_start3A_168] : memref<16x128xi32, #tpu.memory_space<vmem>> -> memref<1x128xi32, #tpu.memory_space<vmem>>
    %dma_start3A_170 = tpu.memref_squeeze %dma_start3A_169 : memref<1x128xi32, #tpu.memory_space<vmem>> -> memref<128xi32, #tpu.memory_space<vmem>>
    %dma_start3A_171 = tpu.memref_slice %arg3[%dma_start3A_166, %add3A_165] : memref<2x32768xi32, #tpu.memory_space<hbm>> -> memref<1x128xi32, #tpu.memory_space<hbm>>
    %dma_start3A_172 = tpu.memref_squeeze %dma_start3A_171 : memref<1x128xi32, #tpu.memory_space<hbm>> -> memref<128xi32, #tpu.memory_space<hbm>>
    %dma_start3A_173 = arith.constant 0 : i32
    %dma_start3A_174 = tpu.memref_slice %arg6[%dma_start3A_167, %dma_start3A_173] : memref<16x128xi32, #tpu.memory_space<vmem>> -> memref<1x128xi32, #tpu.memory_space<vmem>>
    %dma_start3A_175 = tpu.memref_squeeze %dma_start3A_174 : memref<1x128xi32, #tpu.memory_space<vmem>> -> memref<128xi32, #tpu.memory_space<vmem>>
    %dma_start3A_176 = tpu.memref_slice %arg3[%dma_start3A_166, %add3A_165] : memref<2x32768xi32, #tpu.memory_space<hbm>> -> memref<1x128xi32, #tpu.memory_space<hbm>>
    %dma_start3A_177 = tpu.memref_squeeze %dma_start3A_176 : memref<1x128xi32, #tpu.memory_space<hbm>> -> memref<128xi32, #tpu.memory_space<hbm>>
    tpu.enqueue_dma source(%dma_start3A_177 : memref<128xi32, #tpu.memory_space<hbm>>) target(%dma_start3A_175 : memref<128xi32, #tpu.memory_space<vmem>>) target_semaphore(%arg11 : memref<!tpu.dma_semaphore, #tpu.memory_space<semaphore_mem>>)
    %add3A_178 = arith.constant 768 : i32
    %add3A_179 = arith.addi %mul3A_2, %add3A_178 : i32
    %dma_start3A_180 = arith.constant 0 : i32
    %dma_start3A_181 = arith.constant 6 : i32
    %dma_start3A_182 = arith.constant 0 : i32
    %dma_start3A_183 = tpu.memref_slice %arg5[%dma_start3A_181, %dma_start3A_182] : memref<16x128xi32, #tpu.memory_space<vmem>> -> memref<1x128xi32, #tpu.memory_space<vmem>>
    %dma_start3A_184 = tpu.memref_squeeze %dma_start3A_183 : memref<1x128xi32, #tpu.memory_space<vmem>> -> memref<128xi32, #tpu.memory_space<vmem>>
    %dma_start3A_185 = tpu.memref_slice %arg3[%dma_start3A_180, %add3A_179] : memref<2x32768xi32, #tpu.memory_space<hbm>> -> memref<1x128xi32, #tpu.memory_space<hbm>>
    %dma_start3A_186 = tpu.memref_squeeze %dma_start3A_185 : memref<1x128xi32, #tpu.memory_space<hbm>> -> memref<128xi32, #tpu.memory_space<hbm>>
    %dma_start3A_187 = arith.constant 0 : i32
    %dma_start3A_188 = tpu.memref_slice %arg5[%dma_start3A_181, %dma_start3A_187] : memref<16x128xi32, #tpu.memory_space<vmem>> -> memref<1x128xi32, #tpu.memory_space<vmem>>
    %dma_start3A_189 = tpu.memref_squeeze %dma_start3A_188 : memref<1x128xi32, #tpu.memory_space<vmem>> -> memref<128xi32, #tpu.memory_space<vmem>>
    %dma_start3A_190 = tpu.memref_slice %arg3[%dma_start3A_180, %add3A_179] : memref<2x32768xi32, #tpu.memory_space<hbm>> -> memref<1x128xi32, #tpu.memory_space<hbm>>
    %dma_start3A_191 = tpu.memref_squeeze %dma_start3A_190 : memref<1x128xi32, #tpu.memory_space<hbm>> -> memref<128xi32, #tpu.memory_space<hbm>>
    tpu.enqueue_dma source(%dma_start3A_191 : memref<128xi32, #tpu.memory_space<hbm>>) target(%dma_start3A_189 : memref<128xi32, #tpu.memory_space<vmem>>) target_semaphore(%arg10 : memref<!tpu.dma_semaphore, #tpu.memory_space<semaphore_mem>>)
    %add3A_192 = arith.constant 768 : i32
    %add3A_193 = arith.addi %mul3A_2, %add3A_192 : i32
    %dma_start3A_194 = arith.constant 1 : i32
    %dma_start3A_195 = arith.constant 6 : i32
    %dma_start3A_196 = arith.constant 0 : i32
    %dma_start3A_197 = tpu.memref_slice %arg6[%dma_start3A_195, %dma_start3A_196] : memref<16x128xi32, #tpu.memory_space<vmem>> -> memref<1x128xi32, #tpu.memory_space<vmem>>
    %dma_start3A_198 = tpu.memref_squeeze %dma_start3A_197 : memref<1x128xi32, #tpu.memory_space<vmem>> -> memref<128xi32, #tpu.memory_space<vmem>>
    %dma_start3A_199 = tpu.memref_slice %arg3[%dma_start3A_194, %add3A_193] : memref<2x32768xi32, #tpu.memory_space<hbm>> -> memref<1x128xi32, #tpu.memory_space<hbm>>
    %dma_start3A_200 = tpu.memref_squeeze %dma_start3A_199 : memref<1x128xi32, #tpu.memory_space<hbm>> -> memref<128xi32, #tpu.memory_space<hbm>>
    %dma_start3A_201 = arith.constant 0 : i32
    %dma_start3A_202 = tpu.memref_slice %arg6[%dma_start3A_195, %dma_start3A_201] : memref<16x128xi32, #tpu.memory_space<vmem>> -> memref<1x128xi32, #tpu.memory_space<vmem>>
    %dma_start3A_203 = tpu.memref_squeeze %dma_start3A_202 : memref<1x128xi32, #tpu.memory_space<vmem>> -> memref<128xi32, #tpu.memory_space<vmem>>
    %dma_start3A_204 = tpu.memref_slice %arg3[%dma_start3A_194, %add3A_193] : memref<2x32768xi32, #tpu.memory_space<hbm>> -> memref<1x128xi32, #tpu.memory_space<hbm>>
    %dma_start3A_205 = tpu.memref_squeeze %dma_start3A_204 : memref<1x128xi32, #tpu.memory_space<hbm>> -> memref<128xi32, #tpu.memory_space<hbm>>
    tpu.enqueue_dma source(%dma_start3A_205 : memref<128xi32, #tpu.memory_space<hbm>>) target(%dma_start3A_203 : memref<128xi32, #tpu.memory_space<vmem>>) target_semaphore(%arg11 : memref<!tpu.dma_semaphore, #tpu.memory_space<semaphore_mem>>)
    %add3A_206 = arith.constant 896 : i32
    %add3A_207 = arith.addi %mul3A_2, %add3A_206 : i32
    %dma_start3A_208 = arith.constant 0 : i32
    %dma_start3A_209 = arith.constant 7 : i32
    %dma_start3A_210 = arith.constant 0 : i32
    %dma_start3A_211 = tpu.memref_slice %arg5[%dma_start3A_209, %dma_start3A_210] : memref<16x128xi32, #tpu.memory_space<vmem>> -> memref<1x128xi32, #tpu.memory_space<vmem>>
    %dma_start3A_212 = tpu.memref_squeeze %dma_start3A_211 : memref<1x128xi32, #tpu.memory_space<vmem>> -> memref<128xi32, #tpu.memory_space<vmem>>
    %dma_start3A_213 = tpu.memref_slice %arg3[%dma_start3A_208, %add3A_207] : memref<2x32768xi32, #tpu.memory_space<hbm>> -> memref<1x128xi32, #tpu.memory_space<hbm>>
    %dma_start3A_214 = tpu.memref_squeeze %dma_start3A_213 : memref<1x128xi32, #tpu.memory_space<hbm>> -> memref<128xi32, #tpu.memory_space<hbm>>
    %dma_start3A_215 = arith.constant 0 : i32
    %dma_start3A_216 = tpu.memref_slice %arg5[%dma_start3A_209, %dma_start3A_215] : memref<16x128xi32, #tpu.memory_space<vmem>> -> memref<1x128xi32, #tpu.memory_space<vmem>>
    %dma_start3A_217 = tpu.memref_squeeze %dma_start3A_216 : memref<1x128xi32, #tpu.memory_space<vmem>> -> memref<128xi32, #tpu.memory_space<vmem>>
    %dma_start3A_218 = tpu.memref_slice %arg3[%dma_start3A_208, %add3A_207] : memref<2x32768xi32, #tpu.memory_space<hbm>> -> memref<1x128xi32, #tpu.memory_space<hbm>>
    %dma_start3A_219 = tpu.memref_squeeze %dma_start3A_218 : memref<1x128xi32, #tpu.memory_space<hbm>> -> memref<128xi32, #tpu.memory_space<hbm>>
    tpu.enqueue_dma source(%dma_start3A_219 : memref<128xi32, #tpu.memory_space<hbm>>) target(%dma_start3A_217 : memref<128xi32, #tpu.memory_space<vmem>>) target_semaphore(%arg10 : memref<!tpu.dma_semaphore, #tpu.memory_space<semaphore_mem>>)
    %add3A_220 = arith.constant 896 : i32
    %add3A_221 = arith.addi %mul3A_2, %add3A_220 : i32
    %dma_start3A_222 = arith.constant 1 : i32
    %dma_start3A_223 = arith.constant 7 : i32
    %dma_start3A_224 = arith.constant 0 : i32
    %dma_start3A_225 = tpu.memref_slice %arg6[%dma_start3A_223, %dma_start3A_224] : memref<16x128xi32, #tpu.memory_space<vmem>> -> memref<1x128xi32, #tpu.memory_space<vmem>>
    %dma_start3A_226 = tpu.memref_squeeze %dma_start3A_225 : memref<1x128xi32, #tpu.memory_space<vmem>> -> memref<128xi32, #tpu.memory_space<vmem>>
    %dma_start3A_227 = tpu.memref_slice %arg3[%dma_start3A_222, %add3A_221] : memref<2x32768xi32, #tpu.memory_space<hbm>> -> memref<1x128xi32, #tpu.memory_space<hbm>>
    %dma_start3A_228 = tpu.memref_squeeze %dma_start3A_227 : memref<1x128xi32, #tpu.memory_space<hbm>> -> memref<128xi32, #tpu.memory_space<hbm>>
    %dma_start3A_229 = arith.constant 0 : i32
    %dma_start3A_230 = tpu.memref_slice %arg6[%dma_start3A_223, %dma_start3A_229] : memref<16x128xi32, #tpu.memory_space<vmem>> -> memref<1x128xi32, #tpu.memory_space<vmem>>
    %dma_start3A_231 = tpu.memref_squeeze %dma_start3A_230 : memref<1x128xi32, #tpu.memory_space<vmem>> -> memref<128xi32, #tpu.memory_space<vmem>>
    %dma_start3A_232 = tpu.memref_slice %arg3[%dma_start3A_222, %add3A_221] : memref<2x32768xi32, #tpu.memory_space<hbm>> -> memref<1x128xi32, #tpu.memory_space<hbm>>
    %dma_start3A_233 = tpu.memref_squeeze %dma_start3A_232 : memref<1x128xi32, #tpu.memory_space<hbm>> -> memref<128xi32, #tpu.memory_space<hbm>>
    tpu.enqueue_dma source(%dma_start3A_233 : memref<128xi32, #tpu.memory_space<hbm>>) target(%dma_start3A_231 : memref<128xi32, #tpu.memory_space<vmem>>) target_semaphore(%arg11 : memref<!tpu.dma_semaphore, #tpu.memory_space<semaphore_mem>>)
    %add3A_234 = arith.constant 1024 : i32
    %add3A_235 = arith.addi %mul3A_2, %add3A_234 : i32
    %dma_start3A_236 = arith.constant 0 : i32
    %dma_start3A_237 = arith.constant 8 : i32
    %dma_start3A_238 = arith.constant 0 : i32
    %dma_start3A_239 = tpu.memref_slice %arg5[%dma_start3A_237, %dma_start3A_238] : memref<16x128xi32, #tpu.memory_space<vmem>> -> memref<1x128xi32, #tpu.memory_space<vmem>>
    %dma_start3A_240 = tpu.memref_squeeze %dma_start3A_239 : memref<1x128xi32, #tpu.memory_space<vmem>> -> memref<128xi32, #tpu.memory_space<vmem>>
    %dma_start3A_241 = tpu.memref_slice %arg3[%dma_start3A_236, %add3A_235] : memref<2x32768xi32, #tpu.memory_space<hbm>> -> memref<1x128xi32, #tpu.memory_space<hbm>>
    %dma_start3A_242 = tpu.memref_squeeze %dma_start3A_241 : memref<1x128xi32, #tpu.memory_space<hbm>> -> memref<128xi32, #tpu.memory_space<hbm>>
    %dma_start3A_243 = arith.constant 0 : i32
    %dma_start3A_244 = tpu.memref_slice %arg5[%dma_start3A_237, %dma_start3A_243] : memref<16x128xi32, #tpu.memory_space<vmem>> -> memref<1x128xi32, #tpu.memory_space<vmem>>
    %dma_start3A_245 = tpu.memref_squeeze %dma_start3A_244 : memref<1x128xi32, #tpu.memory_space<vmem>> -> memref<128xi32, #tpu.memory_space<vmem>>
    %dma_start3A_246 = tpu.memref_slice %arg3[%dma_start3A_236, %add3A_235] : memref<2x32768xi32, #tpu.memory_space<hbm>> -> memref<1x128xi32, #tpu.memory_space<hbm>>
    %dma_start3A_247 = tpu.memref_squeeze %dma_start3A_246 : memref<1x128xi32, #tpu.memory_space<hbm>> -> memref<128xi32, #tpu.memory_space<hbm>>
    tpu.enqueue_dma source(%dma_start3A_247 : memref<128xi32, #tpu.memory_space<hbm>>) target(%dma_start3A_245 : memref<128xi32, #tpu.memory_space<vmem>>) target_semaphore(%arg10 : memref<!tpu.dma_semaphore, #tpu.memory_space<semaphore_mem>>)
    %add3A_248 = arith.constant 1024 : i32
    %add3A_249 = arith.addi %mul3A_2, %add3A_248 : i32
    %dma_start3A_250 = arith.constant 1 : i32
    %dma_start3A_251 = arith.constant 8 : i32
    %dma_start3A_252 = arith.constant 0 : i32
    %dma_start3A_253 = tpu.memref_slice %arg6[%dma_start3A_251, %dma_start3A_252] : memref<16x128xi32, #tpu.memory_space<vmem>> -> memref<1x128xi32, #tpu.memory_space<vmem>>
    %dma_start3A_254 = tpu.memref_squeeze %dma_start3A_253 : memref<1x128xi32, #tpu.memory_space<vmem>> -> memref<128xi32, #tpu.memory_space<vmem>>
    %dma_start3A_255 = tpu.memref_slice %arg3[%dma_start3A_250, %add3A_249] : memref<2x32768xi32, #tpu.memory_space<hbm>> -> memref<1x128xi32, #tpu.memory_space<hbm>>
    %dma_start3A_256 = tpu.memref_squeeze %dma_start3A_255 : memref<1x128xi32, #tpu.memory_space<hbm>> -> memref<128xi32, #tpu.memory_space<hbm>>
    %dma_start3A_257 = arith.constant 0 : i32
    %dma_start3A_258 = tpu.memref_slice %arg6[%dma_start3A_251, %dma_start3A_257] : memref<16x128xi32, #tpu.memory_space<vmem>> -> memref<1x128xi32, #tpu.memory_space<vmem>>
    %dma_start3A_259 = tpu.memref_squeeze %dma_start3A_258 : memref<1x128xi32, #tpu.memory_space<vmem>> -> memref<128xi32, #tpu.memory_space<vmem>>
    %dma_start3A_260 = tpu.memref_slice %arg3[%dma_start3A_250, %add3A_249] : memref<2x32768xi32, #tpu.memory_space<hbm>> -> memref<1x128xi32, #tpu.memory_space<hbm>>
    %dma_start3A_261 = tpu.memref_squeeze %dma_start3A_260 : memref<1x128xi32, #tpu.memory_space<hbm>> -> memref<128xi32, #tpu.memory_space<hbm>>
    tpu.enqueue_dma source(%dma_start3A_261 : memref<128xi32, #tpu.memory_space<hbm>>) target(%dma_start3A_259 : memref<128xi32, #tpu.memory_space<vmem>>) target_semaphore(%arg11 : memref<!tpu.dma_semaphore, #tpu.memory_space<semaphore_mem>>)
    %add3A_262 = arith.constant 1152 : i32
    %add3A_263 = arith.addi %mul3A_2, %add3A_262 : i32
    %dma_start3A_264 = arith.constant 0 : i32
    %dma_start3A_265 = arith.constant 9 : i32
    %dma_start3A_266 = arith.constant 0 : i32
    %dma_start3A_267 = tpu.memref_slice %arg5[%dma_start3A_265, %dma_start3A_266] : memref<16x128xi32, #tpu.memory_space<vmem>> -> memref<1x128xi32, #tpu.memory_space<vmem>>
    %dma_start3A_268 = tpu.memref_squeeze %dma_start3A_267 : memref<1x128xi32, #tpu.memory_space<vmem>> -> memref<128xi32, #tpu.memory_space<vmem>>
    %dma_start3A_269 = tpu.memref_slice %arg3[%dma_start3A_264, %add3A_263] : memref<2x32768xi32, #tpu.memory_space<hbm>> -> memref<1x128xi32, #tpu.memory_space<hbm>>
    %dma_start3A_270 = tpu.memref_squeeze %dma_start3A_269 : memref<1x128xi32, #tpu.memory_space<hbm>> -> memref<128xi32, #tpu.memory_space<hbm>>
    %dma_start3A_271 = arith.constant 0 : i32
    %dma_start3A_272 = tpu.memref_slice %arg5[%dma_start3A_265, %dma_start3A_271] : memref<16x128xi32, #tpu.memory_space<vmem>> -> memref<1x128xi32, #tpu.memory_space<vmem>>
    %dma_start3A_273 = tpu.memref_squeeze %dma_start3A_272 : memref<1x128xi32, #tpu.memory_space<vmem>> -> memref<128xi32, #tpu.memory_space<vmem>>
    %dma_start3A_274 = tpu.memref_slice %arg3[%dma_start3A_264, %add3A_263] : memref<2x32768xi32, #tpu.memory_space<hbm>> -> memref<1x128xi32, #tpu.memory_space<hbm>>
    %dma_start3A_275 = tpu.memref_squeeze %dma_start3A_274 : memref<1x128xi32, #tpu.memory_space<hbm>> -> memref<128xi32, #tpu.memory_space<hbm>>
    tpu.enqueue_dma source(%dma_start3A_275 : memref<128xi32, #tpu.memory_space<hbm>>) target(%dma_start3A_273 : memref<128xi32, #tpu.memory_space<vmem>>) target_semaphore(%arg10 : memref<!tpu.dma_semaphore, #tpu.memory_space<semaphore_mem>>)
    %add3A_276 = arith.constant 1152 : i32
    %add3A_277 = arith.addi %mul3A_2, %add3A_276 : i32
    %dma_start3A_278 = arith.constant 1 : i32
    %dma_start3A_279 = arith.constant 9 : i32
    %dma_start3A_280 = arith.constant 0 : i32
    %dma_start3A_281 = tpu.memref_slice %arg6[%dma_start3A_279, %dma_start3A_280] : memref<16x128xi32, #tpu.memory_space<vmem>> -> memref<1x128xi32, #tpu.memory_space<vmem>>
    %dma_start3A_282 = tpu.memref_squeeze %dma_start3A_281 : memref<1x128xi32, #tpu.memory_space<vmem>> -> memref<128xi32, #tpu.memory_space<vmem>>
    %dma_start3A_283 = tpu.memref_slice %arg3[%dma_start3A_278, %add3A_277] : memref<2x32768xi32, #tpu.memory_space<hbm>> -> memref<1x128xi32, #tpu.memory_space<hbm>>
    %dma_start3A_284 = tpu.memref_squeeze %dma_start3A_283 : memref<1x128xi32, #tpu.memory_space<hbm>> -> memref<128xi32, #tpu.memory_space<hbm>>
    %dma_start3A_285 = arith.constant 0 : i32
    %dma_start3A_286 = tpu.memref_slice %arg6[%dma_start3A_279, %dma_start3A_285] : memref<16x128xi32, #tpu.memory_space<vmem>> -> memref<1x128xi32, #tpu.memory_space<vmem>>
    %dma_start3A_287 = tpu.memref_squeeze %dma_start3A_286 : memref<1x128xi32, #tpu.memory_space<vmem>> -> memref<128xi32, #tpu.memory_space<vmem>>
    %dma_start3A_288 = tpu.memref_slice %arg3[%dma_start3A_278, %add3A_277] : memref<2x32768xi32, #tpu.memory_space<hbm>> -> memref<1x128xi32, #tpu.memory_space<hbm>>
    %dma_start3A_289 = tpu.memref_squeeze %dma_start3A_288 : memref<1x128xi32, #tpu.memory_space<hbm>> -> memref<128xi32, #tpu.memory_space<hbm>>
    tpu.enqueue_dma source(%dma_start3A_289 : memref<128xi32, #tpu.memory_space<hbm>>) target(%dma_start3A_287 : memref<128xi32, #tpu.memory_space<vmem>>) target_semaphore(%arg11 : memref<!tpu.dma_semaphore, #tpu.memory_space<semaphore_mem>>)
    %add3A_290 = arith.constant 1280 : i32
    %add3A_291 = arith.addi %mul3A_2, %add3A_290 : i32
    %dma_start3A_292 = arith.constant 0 : i32
    %dma_start3A_293 = arith.constant 10 : i32
    %dma_start3A_294 = arith.constant 0 : i32
    %dma_start3A_295 = tpu.memref_slice %arg5[%dma_start3A_293, %dma_start3A_294] : memref<16x128xi32, #tpu.memory_space<vmem>> -> memref<1x128xi32, #tpu.memory_space<vmem>>
    %dma_start3A_296 = tpu.memref_squeeze %dma_start3A_295 : memref<1x128xi32, #tpu.memory_space<vmem>> -> memref<128xi32, #tpu.memory_space<vmem>>
    %dma_start3A_297 = tpu.memref_slice %arg3[%dma_start3A_292, %add3A_291] : memref<2x32768xi32, #tpu.memory_space<hbm>> -> memref<1x128xi32, #tpu.memory_space<hbm>>
    %dma_start3A_298 = tpu.memref_squeeze %dma_start3A_297 : memref<1x128xi32, #tpu.memory_space<hbm>> -> memref<128xi32, #tpu.memory_space<hbm>>
    %dma_start3A_299 = arith.constant 0 : i32
    %dma_start3A_300 = tpu.memref_slice %arg5[%dma_start3A_293, %dma_start3A_299] : memref<16x128xi32, #tpu.memory_space<vmem>> -> memref<1x128xi32, #tpu.memory_space<vmem>>
    %dma_start3A_301 = tpu.memref_squeeze %dma_start3A_300 : memref<1x128xi32, #tpu.memory_space<vmem>> -> memref<128xi32, #tpu.memory_space<vmem>>
    %dma_start3A_302 = tpu.memref_slice %arg3[%dma_start3A_292, %add3A_291] : memref<2x32768xi32, #tpu.memory_space<hbm>> -> memref<1x128xi32, #tpu.memory_space<hbm>>
    %dma_start3A_303 = tpu.memref_squeeze %dma_start3A_302 : memref<1x128xi32, #tpu.memory_space<hbm>> -> memref<128xi32, #tpu.memory_space<hbm>>
    tpu.enqueue_dma source(%dma_start3A_303 : memref<128xi32, #tpu.memory_space<hbm>>) target(%dma_start3A_301 : memref<128xi32, #tpu.memory_space<vmem>>) target_semaphore(%arg10 : memref<!tpu.dma_semaphore, #tpu.memory_space<semaphore_mem>>)
    %add3A_304 = arith.constant 1280 : i32
    %add3A_305 = arith.addi %mul3A_2, %add3A_304 : i32
    %dma_start3A_306 = arith.constant 1 : i32
    %dma_start3A_307 = arith.constant 10 : i32
    %dma_start3A_308 = arith.constant 0 : i32
    %dma_start3A_309 = tpu.memref_slice %arg6[%dma_start3A_307, %dma_start3A_308] : memref<16x128xi32, #tpu.memory_space<vmem>> -> memref<1x128xi32, #tpu.memory_space<vmem>>
    %dma_start3A_310 = tpu.memref_squeeze %dma_start3A_309 : memref<1x128xi32, #tpu.memory_space<vmem>> -> memref<128xi32, #tpu.memory_space<vmem>>
    %dma_start3A_311 = tpu.memref_slice %arg3[%dma_start3A_306, %add3A_305] : memref<2x32768xi32, #tpu.memory_space<hbm>> -> memref<1x128xi32, #tpu.memory_space<hbm>>
    %dma_start3A_312 = tpu.memref_squeeze %dma_start3A_311 : memref<1x128xi32, #tpu.memory_space<hbm>> -> memref<128xi32, #tpu.memory_space<hbm>>
    %dma_start3A_313 = arith.constant 0 : i32
    %dma_start3A_314 = tpu.memref_slice %arg6[%dma_start3A_307, %dma_start3A_313] : memref<16x128xi32, #tpu.memory_space<vmem>> -> memref<1x128xi32, #tpu.memory_space<vmem>>
    %dma_start3A_315 = tpu.memref_squeeze %dma_start3A_314 : memref<1x128xi32, #tpu.memory_space<vmem>> -> memref<128xi32, #tpu.memory_space<vmem>>
    %dma_start3A_316 = tpu.memref_slice %arg3[%dma_start3A_306, %add3A_305] : memref<2x32768xi32, #tpu.memory_space<hbm>> -> memref<1x128xi32, #tpu.memory_space<hbm>>
    %dma_start3A_317 = tpu.memref_squeeze %dma_start3A_316 : memref<1x128xi32, #tpu.memory_space<hbm>> -> memref<128xi32, #tpu.memory_space<hbm>>
    tpu.enqueue_dma source(%dma_start3A_317 : memref<128xi32, #tpu.memory_space<hbm>>) target(%dma_start3A_315 : memref<128xi32, #tpu.memory_space<vmem>>) target_semaphore(%arg11 : memref<!tpu.dma_semaphore, #tpu.memory_space<semaphore_mem>>)
    %add3A_318 = arith.constant 1408 : i32
    %add3A_319 = arith.addi %mul3A_2, %add3A_318 : i32
    %dma_start3A_320 = arith.constant 0 : i32
    %dma_start3A_321 = arith.constant 11 : i32
    %dma_start3A_322 = arith.constant 0 : i32
    %dma_start3A_323 = tpu.memref_slice %arg5[%dma_start3A_321, %dma_start3A_322] : memref<16x128xi32, #tpu.memory_space<vmem>> -> memref<1x128xi32, #tpu.memory_space<vmem>>
    %dma_start3A_324 = tpu.memref_squeeze %dma_start3A_323 : memref<1x128xi32, #tpu.memory_space<vmem>> -> memref<128xi32, #tpu.memory_space<vmem>>
    %dma_start3A_325 = tpu.memref_slice %arg3[%dma_start3A_320, %add3A_319] : memref<2x32768xi32, #tpu.memory_space<hbm>> -> memref<1x128xi32, #tpu.memory_space<hbm>>
    %dma_start3A_326 = tpu.memref_squeeze %dma_start3A_325 : memref<1x128xi32, #tpu.memory_space<hbm>> -> memref<128xi32, #tpu.memory_space<hbm>>
    %dma_start3A_327 = arith.constant 0 : i32
    %dma_start3A_328 = tpu.memref_slice %arg5[%dma_start3A_321, %dma_start3A_327] : memref<16x128xi32, #tpu.memory_space<vmem>> -> memref<1x128xi32, #tpu.memory_space<vmem>>
    %dma_start3A_329 = tpu.memref_squeeze %dma_start3A_328 : memref<1x128xi32, #tpu.memory_space<vmem>> -> memref<128xi32, #tpu.memory_space<vmem>>
    %dma_start3A_330 = tpu.memref_slice %arg3[%dma_start3A_320, %add3A_319] : memref<2x32768xi32, #tpu.memory_space<hbm>> -> memref<1x128xi32, #tpu.memory_space<hbm>>
    %dma_start3A_331 = tpu.memref_squeeze %dma_start3A_330 : memref<1x128xi32, #tpu.memory_space<hbm>> -> memref<128xi32, #tpu.memory_space<hbm>>
    tpu.enqueue_dma source(%dma_start3A_331 : memref<128xi32, #tpu.memory_space<hbm>>) target(%dma_start3A_329 : memref<128xi32, #tpu.memory_space<vmem>>) target_semaphore(%arg10 : memref<!tpu.dma_semaphore, #tpu.memory_space<semaphore_mem>>)
    %add3A_332 = arith.constant 1408 : i32
    %add3A_333 = arith.addi %mul3A_2, %add3A_332 : i32
    %dma_start3A_334 = arith.constant 1 : i32
    %dma_start3A_335 = arith.constant 11 : i32
    %dma_start3A_336 = arith.constant 0 : i32
    %dma_start3A_337 = tpu.memref_slice %arg6[%dma_start3A_335, %dma_start3A_336] : memref<16x128xi32, #tpu.memory_space<vmem>> -> memref<1x128xi32, #tpu.memory_space<vmem>>
    %dma_start3A_338 = tpu.memref_squeeze %dma_start3A_337 : memref<1x128xi32, #tpu.memory_space<vmem>> -> memref<128xi32, #tpu.memory_space<vmem>>
    %dma_start3A_339 = tpu.memref_slice %arg3[%dma_start3A_334, %add3A_333] : memref<2x32768xi32, #tpu.memory_space<hbm>> -> memref<1x128xi32, #tpu.memory_space<hbm>>
    %dma_start3A_340 = tpu.memref_squeeze %dma_start3A_339 : memref<1x128xi32, #tpu.memory_space<hbm>> -> memref<128xi32, #tpu.memory_space<hbm>>
    %dma_start3A_341 = arith.constant 0 : i32
    %dma_start3A_342 = tpu.memref_slice %arg6[%dma_start3A_335, %dma_start3A_341] : memref<16x128xi32, #tpu.memory_space<vmem>> -> memref<1x128xi32, #tpu.memory_space<vmem>>
    %dma_start3A_343 = tpu.memref_squeeze %dma_start3A_342 : memref<1x128xi32, #tpu.memory_space<vmem>> -> memref<128xi32, #tpu.memory_space<vmem>>
    %dma_start3A_344 = tpu.memref_slice %arg3[%dma_start3A_334, %add3A_333] : memref<2x32768xi32, #tpu.memory_space<hbm>> -> memref<1x128xi32, #tpu.memory_space<hbm>>
    %dma_start3A_345 = tpu.memref_squeeze %dma_start3A_344 : memref<1x128xi32, #tpu.memory_space<hbm>> -> memref<128xi32, #tpu.memory_space<hbm>>
    tpu.enqueue_dma source(%dma_start3A_345 : memref<128xi32, #tpu.memory_space<hbm>>) target(%dma_start3A_343 : memref<128xi32, #tpu.memory_space<vmem>>) target_semaphore(%arg11 : memref<!tpu.dma_semaphore, #tpu.memory_space<semaphore_mem>>)
    %add3A_346 = arith.constant 1536 : i32
    %add3A_347 = arith.addi %mul3A_2, %add3A_346 : i32
    %dma_start3A_348 = arith.constant 0 : i32
    %dma_start3A_349 = arith.constant 12 : i32
    %dma_start3A_350 = arith.constant 0 : i32
    %dma_start3A_351 = tpu.memref_slice %arg5[%dma_start3A_349, %dma_start3A_350] : memref<16x128xi32, #tpu.memory_space<vmem>> -> memref<1x128xi32, #tpu.memory_space<vmem>>
    %dma_start3A_352 = tpu.memref_squeeze %dma_start3A_351 : memref<1x128xi32, #tpu.memory_space<vmem>> -> memref<128xi32, #tpu.memory_space<vmem>>
    %dma_start3A_353 = tpu.memref_slice %arg3[%dma_start3A_348, %add3A_347] : memref<2x32768xi32, #tpu.memory_space<hbm>> -> memref<1x128xi32, #tpu.memory_space<hbm>>
    %dma_start3A_354 = tpu.memref_squeeze %dma_start3A_353 : memref<1x128xi32, #tpu.memory_space<hbm>> -> memref<128xi32, #tpu.memory_space<hbm>>
    %dma_start3A_355 = arith.constant 0 : i32
    %dma_start3A_356 = tpu.memref_slice %arg5[%dma_start3A_349, %dma_start3A_355] : memref<16x128xi32, #tpu.memory_space<vmem>> -> memref<1x128xi32, #tpu.memory_space<vmem>>
    %dma_start3A_357 = tpu.memref_squeeze %dma_start3A_356 : memref<1x128xi32, #tpu.memory_space<vmem>> -> memref<128xi32, #tpu.memory_space<vmem>>
    %dma_start3A_358 = tpu.memref_slice %arg3[%dma_start3A_348, %add3A_347] : memref<2x32768xi32, #tpu.memory_space<hbm>> -> memref<1x128xi32, #tpu.memory_space<hbm>>
    %dma_start3A_359 = tpu.memref_squeeze %dma_start3A_358 : memref<1x128xi32, #tpu.memory_space<hbm>> -> memref<128xi32, #tpu.memory_space<hbm>>
    tpu.enqueue_dma source(%dma_start3A_359 : memref<128xi32, #tpu.memory_space<hbm>>) target(%dma_start3A_357 : memref<128xi32, #tpu.memory_space<vmem>>) target_semaphore(%arg10 : memref<!tpu.dma_semaphore, #tpu.memory_space<semaphore_mem>>)
    %add3A_360 = arith.constant 1536 : i32
    %add3A_361 = arith.addi %mul3A_2, %add3A_360 : i32
    %dma_start3A_362 = arith.constant 1 : i32
    %dma_start3A_363 = arith.constant 12 : i32
    %dma_start3A_364 = arith.constant 0 : i32
    %dma_start3A_365 = tpu.memref_slice %arg6[%dma_start3A_363, %dma_start3A_364] : memref<16x128xi32, #tpu.memory_space<vmem>> -> memref<1x128xi32, #tpu.memory_space<vmem>>
    %dma_start3A_366 = tpu.memref_squeeze %dma_start3A_365 : memref<1x128xi32, #tpu.memory_space<vmem>> -> memref<128xi32, #tpu.memory_space<vmem>>
    %dma_start3A_367 = tpu.memref_slice %arg3[%dma_start3A_362, %add3A_361] : memref<2x32768xi32, #tpu.memory_space<hbm>> -> memref<1x128xi32, #tpu.memory_space<hbm>>
    %dma_start3A_368 = tpu.memref_squeeze %dma_start3A_367 : memref<1x128xi32, #tpu.memory_space<hbm>> -> memref<128xi32, #tpu.memory_space<hbm>>
    %dma_start3A_369 = arith.constant 0 : i32
    %dma_start3A_370 = tpu.memref_slice %arg6[%dma_start3A_363, %dma_start3A_369] : memref<16x128xi32, #tpu.memory_space<vmem>> -> memref<1x128xi32, #tpu.memory_space<vmem>>
    %dma_start3A_371 = tpu.memref_squeeze %dma_start3A_370 : memref<1x128xi32, #tpu.memory_space<vmem>> -> memref<128xi32, #tpu.memory_space<vmem>>
    %dma_start3A_372 = tpu.memref_slice %arg3[%dma_start3A_362, %add3A_361] : memref<2x32768xi32, #tpu.memory_space<hbm>> -> memref<1x128xi32, #tpu.memory_space<hbm>>
    %dma_start3A_373 = tpu.memref_squeeze %dma_start3A_372 : memref<1x128xi32, #tpu.memory_space<hbm>> -> memref<128xi32, #tpu.memory_space<hbm>>
    tpu.enqueue_dma source(%dma_start3A_373 : memref<128xi32, #tpu.memory_space<hbm>>) target(%dma_start3A_371 : memref<128xi32, #tpu.memory_space<vmem>>) target_semaphore(%arg11 : memref<!tpu.dma_semaphore, #tpu.memory_space<semaphore_mem>>)
    %add3A_374 = arith.constant 1664 : i32
    %add3A_375 = arith.addi %mul3A_2, %add3A_374 : i32
    %dma_start3A_376 = arith.constant 0 : i32
    %dma_start3A_377 = arith.constant 13 : i32
    %dma_start3A_378 = arith.constant 0 : i32
    %dma_start3A_379 = tpu.memref_slice %arg5[%dma_start3A_377, %dma_start3A_378] : memref<16x128xi32, #tpu.memory_space<vmem>> -> memref<1x128xi32, #tpu.memory_space<vmem>>
    %dma_start3A_380 = tpu.memref_squeeze %dma_start3A_379 : memref<1x128xi32, #tpu.memory_space<vmem>> -> memref<128xi32, #tpu.memory_space<vmem>>
    %dma_start3A_381 = tpu.memref_slice %arg3[%dma_start3A_376, %add3A_375] : memref<2x32768xi32, #tpu.memory_space<hbm>> -> memref<1x128xi32, #tpu.memory_space<hbm>>
    %dma_start3A_382 = tpu.memref_squeeze %dma_start3A_381 : memref<1x128xi32, #tpu.memory_space<hbm>> -> memref<128xi32, #tpu.memory_space<hbm>>
    %dma_start3A_383 = arith.constant 0 : i32
    %dma_start3A_384 = tpu.memref_slice %arg5[%dma_start3A_377, %dma_start3A_383] : memref<16x128xi32, #tpu.memory_space<vmem>> -> memref<1x128xi32, #tpu.memory_space<vmem>>
    %dma_start3A_385 = tpu.memref_squeeze %dma_start3A_384 : memref<1x128xi32, #tpu.memory_space<vmem>> -> memref<128xi32, #tpu.memory_space<vmem>>
    %dma_start3A_386 = tpu.memref_slice %arg3[%dma_start3A_376, %add3A_375] : memref<2x32768xi32, #tpu.memory_space<hbm>> -> memref<1x128xi32, #tpu.memory_space<hbm>>
    %dma_start3A_387 = tpu.memref_squeeze %dma_start3A_386 : memref<1x128xi32, #tpu.memory_space<hbm>> -> memref<128xi32, #tpu.memory_space<hbm>>
    tpu.enqueue_dma source(%dma_start3A_387 : memref<128xi32, #tpu.memory_space<hbm>>) target(%dma_start3A_385 : memref<128xi32, #tpu.memory_space<vmem>>) target_semaphore(%arg10 : memref<!tpu.dma_semaphore, #tpu.memory_space<semaphore_mem>>)
    %add3A_388 = arith.constant 1664 : i32
    %add3A_389 = arith.addi %mul3A_2, %add3A_388 : i32
    %dma_start3A_390 = arith.constant 1 : i32
    %dma_start3A_391 = arith.constant 13 : i32
    %dma_start3A_392 = arith.constant 0 : i32
    %dma_start3A_393 = tpu.memref_slice %arg6[%dma_start3A_391, %dma_start3A_392] : memref<16x128xi32, #tpu.memory_space<vmem>> -> memref<1x128xi32, #tpu.memory_space<vmem>>
    %dma_start3A_394 = tpu.memref_squeeze %dma_start3A_393 : memref<1x128xi32, #tpu.memory_space<vmem>> -> memref<128xi32, #tpu.memory_space<vmem>>
    %dma_start3A_395 = tpu.memref_slice %arg3[%dma_start3A_390, %add3A_389] : memref<2x32768xi32, #tpu.memory_space<hbm>> -> memref<1x128xi32, #tpu.memory_space<hbm>>
    %dma_start3A_396 = tpu.memref_squeeze %dma_start3A_395 : memref<1x128xi32, #tpu.memory_space<hbm>> -> memref<128xi32, #tpu.memory_space<hbm>>
    %dma_start3A_397 = arith.constant 0 : i32
    %dma_start3A_398 = tpu.memref_slice %arg6[%dma_start3A_391, %dma_start3A_397] : memref<16x128xi32, #tpu.memory_space<vmem>> -> memref<1x128xi32, #tpu.memory_space<vmem>>
    %dma_start3A_399 = tpu.memref_squeeze %dma_start3A_398 : memref<1x128xi32, #tpu.memory_space<vmem>> -> memref<128xi32, #tpu.memory_space<vmem>>
    %dma_start3A_400 = tpu.memref_slice %arg3[%dma_start3A_390, %add3A_389] : memref<2x32768xi32, #tpu.memory_space<hbm>> -> memref<1x128xi32, #tpu.memory_space<hbm>>
    %dma_start3A_401 = tpu.memref_squeeze %dma_start3A_400 : memref<1x128xi32, #tpu.memory_space<hbm>> -> memref<128xi32, #tpu.memory_space<hbm>>
    tpu.enqueue_dma source(%dma_start3A_401 : memref<128xi32, #tpu.memory_space<hbm>>) target(%dma_start3A_399 : memref<128xi32, #tpu.memory_space<vmem>>) target_semaphore(%arg11 : memref<!tpu.dma_semaphore, #tpu.memory_space<semaphore_mem>>)
    %add3A_402 = arith.constant 1792 : i32
    %add3A_403 = arith.addi %mul3A_2, %add3A_402 : i32
    %dma_start3A_404 = arith.constant 0 : i32
    %dma_start3A_405 = arith.constant 14 : i32
    %dma_start3A_406 = arith.constant 0 : i32
    %dma_start3A_407 = tpu.memref_slice %arg5[%dma_start3A_405, %dma_start3A_406] : memref<16x128xi32, #tpu.memory_space<vmem>> -> memref<1x128xi32, #tpu.memory_space<vmem>>
    %dma_start3A_408 = tpu.memref_squeeze %dma_start3A_407 : memref<1x128xi32, #tpu.memory_space<vmem>> -> memref<128xi32, #tpu.memory_space<vmem>>
    %dma_start3A_409 = tpu.memref_slice %arg3[%dma_start3A_404, %add3A_403] : memref<2x32768xi32, #tpu.memory_space<hbm>> -> memref<1x128xi32, #tpu.memory_space<hbm>>
    %dma_start3A_410 = tpu.memref_squeeze %dma_start3A_409 : memref<1x128xi32, #tpu.memory_space<hbm>> -> memref<128xi32, #tpu.memory_space<hbm>>
    %dma_start3A_411 = arith.constant 0 : i32
    %dma_start3A_412 = tpu.memref_slice %arg5[%dma_start3A_405, %dma_start3A_411] : memref<16x128xi32, #tpu.memory_space<vmem>> -> memref<1x128xi32, #tpu.memory_space<vmem>>
    %dma_start3A_413 = tpu.memref_squeeze %dma_start3A_412 : memref<1x128xi32, #tpu.memory_space<vmem>> -> memref<128xi32, #tpu.memory_space<vmem>>
    %dma_start3A_414 = tpu.memref_slice %arg3[%dma_start3A_404, %add3A_403] : memref<2x32768xi32, #tpu.memory_space<hbm>> -> memref<1x128xi32, #tpu.memory_space<hbm>>
    %dma_start3A_415 = tpu.memref_squeeze %dma_start3A_414 : memref<1x128xi32, #tpu.memory_space<hbm>> -> memref<128xi32, #tpu.memory_space<hbm>>
    tpu.enqueue_dma source(%dma_start3A_415 : memref<128xi32, #tpu.memory_space<hbm>>) target(%dma_start3A_413 : memref<128xi32, #tpu.memory_space<vmem>>) target_semaphore(%arg10 : memref<!tpu.dma_semaphore, #tpu.memory_space<semaphore_mem>>)
    %add3A_416 = arith.constant 1792 : i32
    %add3A_417 = arith.addi %mul3A_2, %add3A_416 : i32
    %dma_start3A_418 = arith.constant 1 : i32
    %dma_start3A_419 = arith.constant 14 : i32
    %dma_start3A_420 = arith.constant 0 : i32
    %dma_start3A_421 = tpu.memref_slice %arg6[%dma_start3A_419, %dma_start3A_420] : memref<16x128xi32, #tpu.memory_space<vmem>> -> memref<1x128xi32, #tpu.memory_space<vmem>>
    %dma_start3A_422 = tpu.memref_squeeze %dma_start3A_421 : memref<1x128xi32, #tpu.memory_space<vmem>> -> memref<128xi32, #tpu.memory_space<vmem>>
    %dma_start3A_423 = tpu.memref_slice %arg3[%dma_start3A_418, %add3A_417] : memref<2x32768xi32, #tpu.memory_space<hbm>> -> memref<1x128xi32, #tpu.memory_space<hbm>>
    %dma_start3A_424 = tpu.memref_squeeze %dma_start3A_423 : memref<1x128xi32, #tpu.memory_space<hbm>> -> memref<128xi32, #tpu.memory_space<hbm>>
    %dma_start3A_425 = arith.constant 0 : i32
    %dma_start3A_426 = tpu.memref_slice %arg6[%dma_start3A_419, %dma_start3A_425] : memref<16x128xi32, #tpu.memory_space<vmem>> -> memref<1x128xi32, #tpu.memory_space<vmem>>
    %dma_start3A_427 = tpu.memref_squeeze %dma_start3A_426 : memref<1x128xi32, #tpu.memory_space<vmem>> -> memref<128xi32, #tpu.memory_space<vmem>>
    %dma_start3A_428 = tpu.memref_slice %arg3[%dma_start3A_418, %add3A_417] : memref<2x32768xi32, #tpu.memory_space<hbm>> -> memref<1x128xi32, #tpu.memory_space<hbm>>
    %dma_start3A_429 = tpu.memref_squeeze %dma_start3A_428 : memref<1x128xi32, #tpu.memory_space<hbm>> -> memref<128xi32, #tpu.memory_space<hbm>>
    tpu.enqueue_dma source(%dma_start3A_429 : memref<128xi32, #tpu.memory_space<hbm>>) target(%dma_start3A_427 : memref<128xi32, #tpu.memory_space<vmem>>) target_semaphore(%arg11 : memref<!tpu.dma_semaphore, #tpu.memory_space<semaphore_mem>>)
    %add3A_430 = arith.constant 1920 : i32
    %add3A_431 = arith.addi %mul3A_2, %add3A_430 : i32
    %dma_start3A_432 = arith.constant 0 : i32
    %dma_start3A_433 = arith.constant 15 : i32
    %dma_start3A_434 = arith.constant 0 : i32
    %dma_start3A_435 = tpu.memref_slice %arg5[%dma_start3A_433, %dma_start3A_434] : memref<16x128xi32, #tpu.memory_space<vmem>> -> memref<1x128xi32, #tpu.memory_space<vmem>>
    %dma_start3A_436 = tpu.memref_squeeze %dma_start3A_435 : memref<1x128xi32, #tpu.memory_space<vmem>> -> memref<128xi32, #tpu.memory_space<vmem>>
    %dma_start3A_437 = tpu.memref_slice %arg3[%dma_start3A_432, %add3A_431] : memref<2x32768xi32, #tpu.memory_space<hbm>> -> memref<1x128xi32, #tpu.memory_space<hbm>>
    %dma_start3A_438 = tpu.memref_squeeze %dma_start3A_437 : memref<1x128xi32, #tpu.memory_space<hbm>> -> memref<128xi32, #tpu.memory_space<hbm>>
    %dma_start3A_439 = arith.constant 0 : i32
    %dma_start3A_440 = tpu.memref_slice %arg5[%dma_start3A_433, %dma_start3A_439] : memref<16x128xi32, #tpu.memory_space<vmem>> -> memref<1x128xi32, #tpu.memory_space<vmem>>
    %dma_start3A_441 = tpu.memref_squeeze %dma_start3A_440 : memref<1x128xi32, #tpu.memory_space<vmem>> -> memref<128xi32, #tpu.memory_space<vmem>>
    %dma_start3A_442 = tpu.memref_slice %arg3[%dma_start3A_432, %add3A_431] : memref<2x32768xi32, #tpu.memory_space<hbm>> -> memref<1x128xi32, #tpu.memory_space<hbm>>
    %dma_start3A_443 = tpu.memref_squeeze %dma_start3A_442 : memref<1x128xi32, #tpu.memory_space<hbm>> -> memref<128xi32, #tpu.memory_space<hbm>>
    tpu.enqueue_dma source(%dma_start3A_443 : memref<128xi32, #tpu.memory_space<hbm>>) target(%dma_start3A_441 : memref<128xi32, #tpu.memory_space<vmem>>) target_semaphore(%arg10 : memref<!tpu.dma_semaphore, #tpu.memory_space<semaphore_mem>>)
    %add3A_444 = arith.constant 1920 : i32
    %add3A_445 = arith.addi %mul3A_2, %add3A_444 : i32
    %dma_start3A_446 = arith.constant 1 : i32
    %dma_start3A_447 = arith.constant 15 : i32
    %dma_start3A_448 = arith.constant 0 : i32
    %dma_start3A_449 = tpu.memref_slice %arg6[%dma_start3A_447, %dma_start3A_448] : memref<16x128xi32, #tpu.memory_space<vmem>> -> memref<1x128xi32, #tpu.memory_space<vmem>>
    %dma_start3A_450 = tpu.memref_squeeze %dma_start3A_449 : memref<1x128xi32, #tpu.memory_space<vmem>> -> memref<128xi32, #tpu.memory_space<vmem>>
    %dma_start3A_451 = tpu.memref_slice %arg3[%dma_start3A_446, %add3A_445] : memref<2x32768xi32, #tpu.memory_space<hbm>> -> memref<1x128xi32, #tpu.memory_space<hbm>>
    %dma_start3A_452 = tpu.memref_squeeze %dma_start3A_451 : memref<1x128xi32, #tpu.memory_space<hbm>> -> memref<128xi32, #tpu.memory_space<hbm>>
    %dma_start3A_453 = arith.constant 0 : i32
    %dma_start3A_454 = tpu.memref_slice %arg6[%dma_start3A_447, %dma_start3A_453] : memref<16x128xi32, #tpu.memory_space<vmem>> -> memref<1x128xi32, #tpu.memory_space<vmem>>
    %dma_start3A_455 = tpu.memref_squeeze %dma_start3A_454 : memref<1x128xi32, #tpu.memory_space<vmem>> -> memref<128xi32, #tpu.memory_space<vmem>>
    %dma_start3A_456 = tpu.memref_slice %arg3[%dma_start3A_446, %add3A_445] : memref<2x32768xi32, #tpu.memory_space<hbm>> -> memref<1x128xi32, #tpu.memory_space<hbm>>
    %dma_start3A_457 = tpu.memref_squeeze %dma_start3A_456 : memref<1x128xi32, #tpu.memory_space<hbm>> -> memref<128xi32, #tpu.memory_space<hbm>>
    tpu.enqueue_dma source(%dma_start3A_457 : memref<128xi32, #tpu.memory_space<hbm>>) target(%dma_start3A_455 : memref<128xi32, #tpu.memory_space<vmem>>) target_semaphore(%arg11 : memref<!tpu.dma_semaphore, #tpu.memory_space<semaphore_mem>>)
    %dma_wait3A = arith.constant 0 : i32
    %dma_wait3A_458 = arith.constant 0 : i32
    %dma_wait3A_459 = arith.constant 0 : i32
    %dma_wait3A_460 = tpu.memref_slice %arg5[%dma_wait3A_458, %dma_wait3A_459] : memref<16x128xi32, #tpu.memory_space<vmem>> -> memref<1x128xi32, #tpu.memory_space<vmem>>
    %dma_wait3A_461 = tpu.memref_squeeze %dma_wait3A_460 : memref<1x128xi32, #tpu.memory_space<vmem>> -> memref<128xi32, #tpu.memory_space<vmem>>
    %dma_wait3A_462 = tpu.memref_slice %arg3[%dma_wait3A, %add3A_11] : memref<2x32768xi32, #tpu.memory_space<hbm>> -> memref<1x128xi32, #tpu.memory_space<hbm>>
    %dma_wait3A_463 = tpu.memref_squeeze %dma_wait3A_462 : memref<1x128xi32, #tpu.memory_space<hbm>> -> memref<128xi32, #tpu.memory_space<hbm>>
    %dma_wait3A_464 = arith.constant 0 : i32
    %dma_wait3A_465 = tpu.memref_slice %arg5[%dma_wait3A_458, %dma_wait3A_464] : memref<16x128xi32, #tpu.memory_space<vmem>> -> memref<1x128xi32, #tpu.memory_space<vmem>>
    %dma_wait3A_466 = tpu.memref_squeeze %dma_wait3A_465 : memref<1x128xi32, #tpu.memory_space<vmem>> -> memref<128xi32, #tpu.memory_space<vmem>>
    %dma_wait3A_467 = tpu.memref_slice %arg3[%dma_wait3A, %add3A_11] : memref<2x32768xi32, #tpu.memory_space<hbm>> -> memref<1x128xi32, #tpu.memory_space<hbm>>
    %dma_wait3A_468 = tpu.memref_squeeze %dma_wait3A_467 : memref<1x128xi32, #tpu.memory_space<hbm>> -> memref<128xi32, #tpu.memory_space<hbm>>
    tpu.wait_dma2 semaphore(%arg10 : memref<!tpu.dma_semaphore, #tpu.memory_space<semaphore_mem>>) src(%dma_wait3A_468 : memref<128xi32, #tpu.memory_space<hbm>>) dst(%dma_wait3A_466 : memref<128xi32, #tpu.memory_space<vmem>>)
    %dma_wait3A_469 = arith.constant 1 : i32
    %dma_wait3A_470 = arith.constant 0 : i32
    %dma_wait3A_471 = arith.constant 0 : i32
    %dma_wait3A_472 = tpu.memref_slice %arg6[%dma_wait3A_470, %dma_wait3A_471] : memref<16x128xi32, #tpu.memory_space<vmem>> -> memref<1x128xi32, #tpu.memory_space<vmem>>
    %dma_wait3A_473 = tpu.memref_squeeze %dma_wait3A_472 : memref<1x128xi32, #tpu.memory_space<vmem>> -> memref<128xi32, #tpu.memory_space<vmem>>
    %dma_wait3A_474 = tpu.memref_slice %arg3[%dma_wait3A_469, %add3A_25] : memref<2x32768xi32, #tpu.memory_space<hbm>> -> memref<1x128xi32, #tpu.memory_space<hbm>>
    %dma_wait3A_475 = tpu.memref_squeeze %dma_wait3A_474 : memref<1x128xi32, #tpu.memory_space<hbm>> -> memref<128xi32, #tpu.memory_space<hbm>>
    %dma_wait3A_476 = arith.constant 0 : i32
    %dma_wait3A_477 = tpu.memref_slice %arg6[%dma_wait3A_470, %dma_wait3A_476] : memref<16x128xi32, #tpu.memory_space<vmem>> -> memref<1x128xi32, #tpu.memory_space<vmem>>
    %dma_wait3A_478 = tpu.memref_squeeze %dma_wait3A_477 : memref<1x128xi32, #tpu.memory_space<vmem>> -> memref<128xi32, #tpu.memory_space<vmem>>
    %dma_wait3A_479 = tpu.memref_slice %arg3[%dma_wait3A_469, %add3A_25] : memref<2x32768xi32, #tpu.memory_space<hbm>> -> memref<1x128xi32, #tpu.memory_space<hbm>>
    %dma_wait3A_480 = tpu.memref_squeeze %dma_wait3A_479 : memref<1x128xi32, #tpu.memory_space<hbm>> -> memref<128xi32, #tpu.memory_space<hbm>>
    tpu.wait_dma2 semaphore(%arg11 : memref<!tpu.dma_semaphore, #tpu.memory_space<semaphore_mem>>) src(%dma_wait3A_480 : memref<128xi32, #tpu.memory_space<hbm>>) dst(%dma_wait3A_478 : memref<128xi32, #tpu.memory_space<vmem>>)
    %dma_wait3A_481 = arith.constant 0 : i32
    %dma_wait3A_482 = arith.constant 1 : i32
    %dma_wait3A_483 = arith.constant 0 : i32
    %dma_wait3A_484 = tpu.memref_slice %arg5[%dma_wait3A_482, %dma_wait3A_483] : memref<16x128xi32, #tpu.memory_space<vmem>> -> memref<1x128xi32, #tpu.memory_space<vmem>>
    %dma_wait3A_485 = tpu.memref_squeeze %dma_wait3A_484 : memref<1x128xi32, #tpu.memory_space<vmem>> -> memref<128xi32, #tpu.memory_space<vmem>>
    %dma_wait3A_486 = tpu.memref_slice %arg3[%dma_wait3A_481, %add3A_39] : memref<2x32768xi32, #tpu.memory_space<hbm>> -> memref<1x128xi32, #tpu.memory_space<hbm>>
    %dma_wait3A_487 = tpu.memref_squeeze %dma_wait3A_486 : memref<1x128xi32, #tpu.memory_space<hbm>> -> memref<128xi32, #tpu.memory_space<hbm>>
    %dma_wait3A_488 = arith.constant 0 : i32
    %dma_wait3A_489 = tpu.memref_slice %arg5[%dma_wait3A_482, %dma_wait3A_488] : memref<16x128xi32, #tpu.memory_space<vmem>> -> memref<1x128xi32, #tpu.memory_space<vmem>>
    %dma_wait3A_490 = tpu.memref_squeeze %dma_wait3A_489 : memref<1x128xi32, #tpu.memory_space<vmem>> -> memref<128xi32, #tpu.memory_space<vmem>>
    %dma_wait3A_491 = tpu.memref_slice %arg3[%dma_wait3A_481, %add3A_39] : memref<2x32768xi32, #tpu.memory_space<hbm>> -> memref<1x128xi32, #tpu.memory_space<hbm>>
    %dma_wait3A_492 = tpu.memref_squeeze %dma_wait3A_491 : memref<1x128xi32, #tpu.memory_space<hbm>> -> memref<128xi32, #tpu.memory_space<hbm>>
    tpu.wait_dma2 semaphore(%arg10 : memref<!tpu.dma_semaphore, #tpu.memory_space<semaphore_mem>>) src(%dma_wait3A_492 : memref<128xi32, #tpu.memory_space<hbm>>) dst(%dma_wait3A_490 : memref<128xi32, #tpu.memory_space<vmem>>)
    %dma_wait3A_493 = arith.constant 1 : i32
    %dma_wait3A_494 = arith.constant 1 : i32
    %dma_wait3A_495 = arith.constant 0 : i32
    %dma_wait3A_496 = tpu.memref_slice %arg6[%dma_wait3A_494, %dma_wait3A_495] : memref<16x128xi32, #tpu.memory_space<vmem>> -> memref<1x128xi32, #tpu.memory_space<vmem>>
    %dma_wait3A_497 = tpu.memref_squeeze %dma_wait3A_496 : memref<1x128xi32, #tpu.memory_space<vmem>> -> memref<128xi32, #tpu.memory_space<vmem>>
    %dma_wait3A_498 = tpu.memref_slice %arg3[%dma_wait3A_493, %add3A_53] : memref<2x32768xi32, #tpu.memory_space<hbm>> -> memref<1x128xi32, #tpu.memory_space<hbm>>
    %dma_wait3A_499 = tpu.memref_squeeze %dma_wait3A_498 : memref<1x128xi32, #tpu.memory_space<hbm>> -> memref<128xi32, #tpu.memory_space<hbm>>
    %dma_wait3A_500 = arith.constant 0 : i32
    %dma_wait3A_501 = tpu.memref_slice %arg6[%dma_wait3A_494, %dma_wait3A_500] : memref<16x128xi32, #tpu.memory_space<vmem>> -> memref<1x128xi32, #tpu.memory_space<vmem>>
    %dma_wait3A_502 = tpu.memref_squeeze %dma_wait3A_501 : memref<1x128xi32, #tpu.memory_space<vmem>> -> memref<128xi32, #tpu.memory_space<vmem>>
    %dma_wait3A_503 = tpu.memref_slice %arg3[%dma_wait3A_493, %add3A_53] : memref<2x32768xi32, #tpu.memory_space<hbm>> -> memref<1x128xi32, #tpu.memory_space<hbm>>
    %dma_wait3A_504 = tpu.memref_squeeze %dma_wait3A_503 : memref<1x128xi32, #tpu.memory_space<hbm>> -> memref<128xi32, #tpu.memory_space<hbm>>
    tpu.wait_dma2 semaphore(%arg11 : memref<!tpu.dma_semaphore, #tpu.memory_space<semaphore_mem>>) src(%dma_wait3A_504 : memref<128xi32, #tpu.memory_space<hbm>>) dst(%dma_wait3A_502 : memref<128xi32, #tpu.memory_space<vmem>>)
    %dma_wait3A_505 = arith.constant 0 : i32
    %dma_wait3A_506 = arith.constant 2 : i32
    %dma_wait3A_507 = arith.constant 0 : i32
    %dma_wait3A_508 = tpu.memref_slice %arg5[%dma_wait3A_506, %dma_wait3A_507] : memref<16x128xi32, #tpu.memory_space<vmem>> -> memref<1x128xi32, #tpu.memory_space<vmem>>
    %dma_wait3A_509 = tpu.memref_squeeze %dma_wait3A_508 : memref<1x128xi32, #tpu.memory_space<vmem>> -> memref<128xi32, #tpu.memory_space<vmem>>
    %dma_wait3A_510 = tpu.memref_slice %arg3[%dma_wait3A_505, %add3A_67] : memref<2x32768xi32, #tpu.memory_space<hbm>> -> memref<1x128xi32, #tpu.memory_space<hbm>>
    %dma_wait3A_511 = tpu.memref_squeeze %dma_wait3A_510 : memref<1x128xi32, #tpu.memory_space<hbm>> -> memref<128xi32, #tpu.memory_space<hbm>>
    %dma_wait3A_512 = arith.constant 0 : i32
    %dma_wait3A_513 = tpu.memref_slice %arg5[%dma_wait3A_506, %dma_wait3A_512] : memref<16x128xi32, #tpu.memory_space<vmem>> -> memref<1x128xi32, #tpu.memory_space<vmem>>
    %dma_wait3A_514 = tpu.memref_squeeze %dma_wait3A_513 : memref<1x128xi32, #tpu.memory_space<vmem>> -> memref<128xi32, #tpu.memory_space<vmem>>
    %dma_wait3A_515 = tpu.memref_slice %arg3[%dma_wait3A_505, %add3A_67] : memref<2x32768xi32, #tpu.memory_space<hbm>> -> memref<1x128xi32, #tpu.memory_space<hbm>>
    %dma_wait3A_516 = tpu.memref_squeeze %dma_wait3A_515 : memref<1x128xi32, #tpu.memory_space<hbm>> -> memref<128xi32, #tpu.memory_space<hbm>>
    tpu.wait_dma2 semaphore(%arg10 : memref<!tpu.dma_semaphore, #tpu.memory_space<semaphore_mem>>) src(%dma_wait3A_516 : memref<128xi32, #tpu.memory_space<hbm>>) dst(%dma_wait3A_514 : memref<128xi32, #tpu.memory_space<vmem>>)
    %dma_wait3A_517 = arith.constant 1 : i32
    %dma_wait3A_518 = arith.constant 2 : i32
    %dma_wait3A_519 = arith.constant 0 : i32
    %dma_wait3A_520 = tpu.memref_slice %arg6[%dma_wait3A_518, %dma_wait3A_519] : memref<16x128xi32, #tpu.memory_space<vmem>> -> memref<1x128xi32, #tpu.memory_space<vmem>>
    %dma_wait3A_521 = tpu.memref_squeeze %dma_wait3A_520 : memref<1x128xi32, #tpu.memory_space<vmem>> -> memref<128xi32, #tpu.memory_space<vmem>>
    %dma_wait3A_522 = tpu.memref_slice %arg3[%dma_wait3A_517, %add3A_81] : memref<2x32768xi32, #tpu.memory_space<hbm>> -> memref<1x128xi32, #tpu.memory_space<hbm>>
    %dma_wait3A_523 = tpu.memref_squeeze %dma_wait3A_522 : memref<1x128xi32, #tpu.memory_space<hbm>> -> memref<128xi32, #tpu.memory_space<hbm>>
    %dma_wait3A_524 = arith.constant 0 : i32
    %dma_wait3A_525 = tpu.memref_slice %arg6[%dma_wait3A_518, %dma_wait3A_524] : memref<16x128xi32, #tpu.memory_space<vmem>> -> memref<1x128xi32, #tpu.memory_space<vmem>>
    %dma_wait3A_526 = tpu.memref_squeeze %dma_wait3A_525 : memref<1x128xi32, #tpu.memory_space<vmem>> -> memref<128xi32, #tpu.memory_space<vmem>>
    %dma_wait3A_527 = tpu.memref_slice %arg3[%dma_wait3A_517, %add3A_81] : memref<2x32768xi32, #tpu.memory_space<hbm>> -> memref<1x128xi32, #tpu.memory_space<hbm>>
    %dma_wait3A_528 = tpu.memref_squeeze %dma_wait3A_527 : memref<1x128xi32, #tpu.memory_space<hbm>> -> memref<128xi32, #tpu.memory_space<hbm>>
    tpu.wait_dma2 semaphore(%arg11 : memref<!tpu.dma_semaphore, #tpu.memory_space<semaphore_mem>>) src(%dma_wait3A_528 : memref<128xi32, #tpu.memory_space<hbm>>) dst(%dma_wait3A_526 : memref<128xi32, #tpu.memory_space<vmem>>)
    %dma_wait3A_529 = arith.constant 0 : i32
    %dma_wait3A_530 = arith.constant 3 : i32
    %dma_wait3A_531 = arith.constant 0 : i32
    %dma_wait3A_532 = tpu.memref_slice %arg5[%dma_wait3A_530, %dma_wait3A_531] : memref<16x128xi32, #tpu.memory_space<vmem>> -> memref<1x128xi32, #tpu.memory_space<vmem>>
    %dma_wait3A_533 = tpu.memref_squeeze %dma_wait3A_532 : memref<1x128xi32, #tpu.memory_space<vmem>> -> memref<128xi32, #tpu.memory_space<vmem>>
    %dma_wait3A_534 = tpu.memref_slice %arg3[%dma_wait3A_529, %add3A_95] : memref<2x32768xi32, #tpu.memory_space<hbm>> -> memref<1x128xi32, #tpu.memory_space<hbm>>
    %dma_wait3A_535 = tpu.memref_squeeze %dma_wait3A_534 : memref<1x128xi32, #tpu.memory_space<hbm>> -> memref<128xi32, #tpu.memory_space<hbm>>
    %dma_wait3A_536 = arith.constant 0 : i32
    %dma_wait3A_537 = tpu.memref_slice %arg5[%dma_wait3A_530, %dma_wait3A_536] : memref<16x128xi32, #tpu.memory_space<vmem>> -> memref<1x128xi32, #tpu.memory_space<vmem>>
    %dma_wait3A_538 = tpu.memref_squeeze %dma_wait3A_537 : memref<1x128xi32, #tpu.memory_space<vmem>> -> memref<128xi32, #tpu.memory_space<vmem>>
    %dma_wait3A_539 = tpu.memref_slice %arg3[%dma_wait3A_529, %add3A_95] : memref<2x32768xi32, #tpu.memory_space<hbm>> -> memref<1x128xi32, #tpu.memory_space<hbm>>
    %dma_wait3A_540 = tpu.memref_squeeze %dma_wait3A_539 : memref<1x128xi32, #tpu.memory_space<hbm>> -> memref<128xi32, #tpu.memory_space<hbm>>
    tpu.wait_dma2 semaphore(%arg10 : memref<!tpu.dma_semaphore, #tpu.memory_space<semaphore_mem>>) src(%dma_wait3A_540 : memref<128xi32, #tpu.memory_space<hbm>>) dst(%dma_wait3A_538 : memref<128xi32, #tpu.memory_space<vmem>>)
    %dma_wait3A_541 = arith.constant 1 : i32
    %dma_wait3A_542 = arith.constant 3 : i32
    %dma_wait3A_543 = arith.constant 0 : i32
    %dma_wait3A_544 = tpu.memref_slice %arg6[%dma_wait3A_542, %dma_wait3A_543] : memref<16x128xi32, #tpu.memory_space<vmem>> -> memref<1x128xi32, #tpu.memory_space<vmem>>
    %dma_wait3A_545 = tpu.memref_squeeze %dma_wait3A_544 : memref<1x128xi32, #tpu.memory_space<vmem>> -> memref<128xi32, #tpu.memory_space<vmem>>
    %dma_wait3A_546 = tpu.memref_slice %arg3[%dma_wait3A_541, %add3A_109] : memref<2x32768xi32, #tpu.memory_space<hbm>> -> memref<1x128xi32, #tpu.memory_space<hbm>>
    %dma_wait3A_547 = tpu.memref_squeeze %dma_wait3A_546 : memref<1x128xi32, #tpu.memory_space<hbm>> -> memref<128xi32, #tpu.memory_space<hbm>>
    %dma_wait3A_548 = arith.constant 0 : i32
    %dma_wait3A_549 = tpu.memref_slice %arg6[%dma_wait3A_542, %dma_wait3A_548] : memref<16x128xi32, #tpu.memory_space<vmem>> -> memref<1x128xi32, #tpu.memory_space<vmem>>
    %dma_wait3A_550 = tpu.memref_squeeze %dma_wait3A_549 : memref<1x128xi32, #tpu.memory_space<vmem>> -> memref<128xi32, #tpu.memory_space<vmem>>
    %dma_wait3A_551 = tpu.memref_slice %arg3[%dma_wait3A_541, %add3A_109] : memref<2x32768xi32, #tpu.memory_space<hbm>> -> memref<1x128xi32, #tpu.memory_space<hbm>>
    %dma_wait3A_552 = tpu.memref_squeeze %dma_wait3A_551 : memref<1x128xi32, #tpu.memory_space<hbm>> -> memref<128xi32, #tpu.memory_space<hbm>>
    tpu.wait_dma2 semaphore(%arg11 : memref<!tpu.dma_semaphore, #tpu.memory_space<semaphore_mem>>) src(%dma_wait3A_552 : memref<128xi32, #tpu.memory_space<hbm>>) dst(%dma_wait3A_550 : memref<128xi32, #tpu.memory_space<vmem>>)
    %dma_wait3A_553 = arith.constant 0 : i32
    %dma_wait3A_554 = arith.constant 4 : i32
    %dma_wait3A_555 = arith.constant 0 : i32
    %dma_wait3A_556 = tpu.memref_slice %arg5[%dma_wait3A_554, %dma_wait3A_555] : memref<16x128xi32, #tpu.memory_space<vmem>> -> memref<1x128xi32, #tpu.memory_space<vmem>>
    %dma_wait3A_557 = tpu.memref_squeeze %dma_wait3A_556 : memref<1x128xi32, #tpu.memory_space<vmem>> -> memref<128xi32, #tpu.memory_space<vmem>>
    %dma_wait3A_558 = tpu.memref_slice %arg3[%dma_wait3A_553, %add3A_123] : memref<2x32768xi32, #tpu.memory_space<hbm>> -> memref<1x128xi32, #tpu.memory_space<hbm>>
    %dma_wait3A_559 = tpu.memref_squeeze %dma_wait3A_558 : memref<1x128xi32, #tpu.memory_space<hbm>> -> memref<128xi32, #tpu.memory_space<hbm>>
    %dma_wait3A_560 = arith.constant 0 : i32
    %dma_wait3A_561 = tpu.memref_slice %arg5[%dma_wait3A_554, %dma_wait3A_560] : memref<16x128xi32, #tpu.memory_space<vmem>> -> memref<1x128xi32, #tpu.memory_space<vmem>>
    %dma_wait3A_562 = tpu.memref_squeeze %dma_wait3A_561 : memref<1x128xi32, #tpu.memory_space<vmem>> -> memref<128xi32, #tpu.memory_space<vmem>>
    %dma_wait3A_563 = tpu.memref_slice %arg3[%dma_wait3A_553, %add3A_123] : memref<2x32768xi32, #tpu.memory_space<hbm>> -> memref<1x128xi32, #tpu.memory_space<hbm>>
    %dma_wait3A_564 = tpu.memref_squeeze %dma_wait3A_563 : memref<1x128xi32, #tpu.memory_space<hbm>> -> memref<128xi32, #tpu.memory_space<hbm>>
    tpu.wait_dma2 semaphore(%arg10 : memref<!tpu.dma_semaphore, #tpu.memory_space<semaphore_mem>>) src(%dma_wait3A_564 : memref<128xi32, #tpu.memory_space<hbm>>) dst(%dma_wait3A_562 : memref<128xi32, #tpu.memory_space<vmem>>)
    %dma_wait3A_565 = arith.constant 1 : i32
    %dma_wait3A_566 = arith.constant 4 : i32
    %dma_wait3A_567 = arith.constant 0 : i32
    %dma_wait3A_568 = tpu.memref_slice %arg6[%dma_wait3A_566, %dma_wait3A_567] : memref<16x128xi32, #tpu.memory_space<vmem>> -> memref<1x128xi32, #tpu.memory_space<vmem>>
    %dma_wait3A_569 = tpu.memref_squeeze %dma_wait3A_568 : memref<1x128xi32, #tpu.memory_space<vmem>> -> memref<128xi32, #tpu.memory_space<vmem>>
    %dma_wait3A_570 = tpu.memref_slice %arg3[%dma_wait3A_565, %add3A_137] : memref<2x32768xi32, #tpu.memory_space<hbm>> -> memref<1x128xi32, #tpu.memory_space<hbm>>
    %dma_wait3A_571 = tpu.memref_squeeze %dma_wait3A_570 : memref<1x128xi32, #tpu.memory_space<hbm>> -> memref<128xi32, #tpu.memory_space<hbm>>
    %dma_wait3A_572 = arith.constant 0 : i32
    %dma_wait3A_573 = tpu.memref_slice %arg6[%dma_wait3A_566, %dma_wait3A_572] : memref<16x128xi32, #tpu.memory_space<vmem>> -> memref<1x128xi32, #tpu.memory_space<vmem>>
    %dma_wait3A_574 = tpu.memref_squeeze %dma_wait3A_573 : memref<1x128xi32, #tpu.memory_space<vmem>> -> memref<128xi32, #tpu.memory_space<vmem>>
    %dma_wait3A_575 = tpu.memref_slice %arg3[%dma_wait3A_565, %add3A_137] : memref<2x32768xi32, #tpu.memory_space<hbm>> -> memref<1x128xi32, #tpu.memory_space<hbm>>
    %dma_wait3A_576 = tpu.memref_squeeze %dma_wait3A_575 : memref<1x128xi32, #tpu.memory_space<hbm>> -> memref<128xi32, #tpu.memory_space<hbm>>
    tpu.wait_dma2 semaphore(%arg11 : memref<!tpu.dma_semaphore, #tpu.memory_space<semaphore_mem>>) src(%dma_wait3A_576 : memref<128xi32, #tpu.memory_space<hbm>>) dst(%dma_wait3A_574 : memref<128xi32, #tpu.memory_space<vmem>>)
    %dma_wait3A_577 = arith.constant 0 : i32
    %dma_wait3A_578 = arith.constant 5 : i32
    %dma_wait3A_579 = arith.constant 0 : i32
    %dma_wait3A_580 = tpu.memref_slice %arg5[%dma_wait3A_578, %dma_wait3A_579] : memref<16x128xi32, #tpu.memory_space<vmem>> -> memref<1x128xi32, #tpu.memory_space<vmem>>
    %dma_wait3A_581 = tpu.memref_squeeze %dma_wait3A_580 : memref<1x128xi32, #tpu.memory_space<vmem>> -> memref<128xi32, #tpu.memory_space<vmem>>
    %dma_wait3A_582 = tpu.memref_slice %arg3[%dma_wait3A_577, %add3A_151] : memref<2x32768xi32, #tpu.memory_space<hbm>> -> memref<1x128xi32, #tpu.memory_space<hbm>>
    %dma_wait3A_583 = tpu.memref_squeeze %dma_wait3A_582 : memref<1x128xi32, #tpu.memory_space<hbm>> -> memref<128xi32, #tpu.memory_space<hbm>>
    %dma_wait3A_584 = arith.constant 0 : i32
    %dma_wait3A_585 = tpu.memref_slice %arg5[%dma_wait3A_578, %dma_wait3A_584] : memref<16x128xi32, #tpu.memory_space<vmem>> -> memref<1x128xi32, #tpu.memory_space<vmem>>
    %dma_wait3A_586 = tpu.memref_squeeze %dma_wait3A_585 : memref<1x128xi32, #tpu.memory_space<vmem>> -> memref<128xi32, #tpu.memory_space<vmem>>
    %dma_wait3A_587 = tpu.memref_slice %arg3[%dma_wait3A_577, %add3A_151] : memref<2x32768xi32, #tpu.memory_space<hbm>> -> memref<1x128xi32, #tpu.memory_space<hbm>>
    %dma_wait3A_588 = tpu.memref_squeeze %dma_wait3A_587 : memref<1x128xi32, #tpu.memory_space<hbm>> -> memref<128xi32, #tpu.memory_space<hbm>>
    tpu.wait_dma2 semaphore(%arg10 : memref<!tpu.dma_semaphore, #tpu.memory_space<semaphore_mem>>) src(%dma_wait3A_588 : memref<128xi32, #tpu.memory_space<hbm>>) dst(%dma_wait3A_586 : memref<128xi32, #tpu.memory_space<vmem>>)
    %dma_wait3A_589 = arith.constant 1 : i32
    %dma_wait3A_590 = arith.constant 5 : i32
    %dma_wait3A_591 = arith.constant 0 : i32
    %dma_wait3A_592 = tpu.memref_slice %arg6[%dma_wait3A_590, %dma_wait3A_591] : memref<16x128xi32, #tpu.memory_space<vmem>> -> memref<1x128xi32, #tpu.memory_space<vmem>>
    %dma_wait3A_593 = tpu.memref_squeeze %dma_wait3A_592 : memref<1x128xi32, #tpu.memory_space<vmem>> -> memref<128xi32, #tpu.memory_space<vmem>>
    %dma_wait3A_594 = tpu.memref_slice %arg3[%dma_wait3A_589, %add3A_165] : memref<2x32768xi32, #tpu.memory_space<hbm>> -> memref<1x128xi32, #tpu.memory_space<hbm>>
    %dma_wait3A_595 = tpu.memref_squeeze %dma_wait3A_594 : memref<1x128xi32, #tpu.memory_space<hbm>> -> memref<128xi32, #tpu.memory_space<hbm>>
    %dma_wait3A_596 = arith.constant 0 : i32
    %dma_wait3A_597 = tpu.memref_slice %arg6[%dma_wait3A_590, %dma_wait3A_596] : memref<16x128xi32, #tpu.memory_space<vmem>> -> memref<1x128xi32, #tpu.memory_space<vmem>>
    %dma_wait3A_598 = tpu.memref_squeeze %dma_wait3A_597 : memref<1x128xi32, #tpu.memory_space<vmem>> -> memref<128xi32, #tpu.memory_space<vmem>>
    %dma_wait3A_599 = tpu.memref_slice %arg3[%dma_wait3A_589, %add3A_165] : memref<2x32768xi32, #tpu.memory_space<hbm>> -> memref<1x128xi32, #tpu.memory_space<hbm>>
    %dma_wait3A_600 = tpu.memref_squeeze %dma_wait3A_599 : memref<1x128xi32, #tpu.memory_space<hbm>> -> memref<128xi32, #tpu.memory_space<hbm>>
    tpu.wait_dma2 semaphore(%arg11 : memref<!tpu.dma_semaphore, #tpu.memory_space<semaphore_mem>>) src(%dma_wait3A_600 : memref<128xi32, #tpu.memory_space<hbm>>) dst(%dma_wait3A_598 : memref<128xi32, #tpu.memory_space<vmem>>)
    %dma_wait3A_601 = arith.constant 0 : i32
    %dma_wait3A_602 = arith.constant 6 : i32
    %dma_wait3A_603 = arith.constant 0 : i32
    %dma_wait3A_604 = tpu.memref_slice %arg5[%dma_wait3A_602, %dma_wait3A_603] : memref<16x128xi32, #tpu.memory_space<vmem>> -> memref<1x128xi32, #tpu.memory_space<vmem>>
    %dma_wait3A_605 = tpu.memref_squeeze %dma_wait3A_604 : memref<1x128xi32, #tpu.memory_space<vmem>> -> memref<128xi32, #tpu.memory_space<vmem>>
    %dma_wait3A_606 = tpu.memref_slice %arg3[%dma_wait3A_601, %add3A_179] : memref<2x32768xi32, #tpu.memory_space<hbm>> -> memref<1x128xi32, #tpu.memory_space<hbm>>
    %dma_wait3A_607 = tpu.memref_squeeze %dma_wait3A_606 : memref<1x128xi32, #tpu.memory_space<hbm>> -> memref<128xi32, #tpu.memory_space<hbm>>
    %dma_wait3A_608 = arith.constant 0 : i32
    %dma_wait3A_609 = tpu.memref_slice %arg5[%dma_wait3A_602, %dma_wait3A_608] : memref<16x128xi32, #tpu.memory_space<vmem>> -> memref<1x128xi32, #tpu.memory_space<vmem>>
    %dma_wait3A_610 = tpu.memref_squeeze %dma_wait3A_609 : memref<1x128xi32, #tpu.memory_space<vmem>> -> memref<128xi32, #tpu.memory_space<vmem>>
    %dma_wait3A_611 = tpu.memref_slice %arg3[%dma_wait3A_601, %add3A_179] : memref<2x32768xi32, #tpu.memory_space<hbm>> -> memref<1x128xi32, #tpu.memory_space<hbm>>
    %dma_wait3A_612 = tpu.memref_squeeze %dma_wait3A_611 : memref<1x128xi32, #tpu.memory_space<hbm>> -> memref<128xi32, #tpu.memory_space<hbm>>
    tpu.wait_dma2 semaphore(%arg10 : memref<!tpu.dma_semaphore, #tpu.memory_space<semaphore_mem>>) src(%dma_wait3A_612 : memref<128xi32, #tpu.memory_space<hbm>>) dst(%dma_wait3A_610 : memref<128xi32, #tpu.memory_space<vmem>>)
    %dma_wait3A_613 = arith.constant 1 : i32
    %dma_wait3A_614 = arith.constant 6 : i32
    %dma_wait3A_615 = arith.constant 0 : i32
    %dma_wait3A_616 = tpu.memref_slice %arg6[%dma_wait3A_614, %dma_wait3A_615] : memref<16x128xi32, #tpu.memory_space<vmem>> -> memref<1x128xi32, #tpu.memory_space<vmem>>
    %dma_wait3A_617 = tpu.memref_squeeze %dma_wait3A_616 : memref<1x128xi32, #tpu.memory_space<vmem>> -> memref<128xi32, #tpu.memory_space<vmem>>
    %dma_wait3A_618 = tpu.memref_slice %arg3[%dma_wait3A_613, %add3A_193] : memref<2x32768xi32, #tpu.memory_space<hbm>> -> memref<1x128xi32, #tpu.memory_space<hbm>>
    %dma_wait3A_619 = tpu.memref_squeeze %dma_wait3A_618 : memref<1x128xi32, #tpu.memory_space<hbm>> -> memref<128xi32, #tpu.memory_space<hbm>>
    %dma_wait3A_620 = arith.constant 0 : i32
    %dma_wait3A_621 = tpu.memref_slice %arg6[%dma_wait3A_614, %dma_wait3A_620] : memref<16x128xi32, #tpu.memory_space<vmem>> -> memref<1x128xi32, #tpu.memory_space<vmem>>
    %dma_wait3A_622 = tpu.memref_squeeze %dma_wait3A_621 : memref<1x128xi32, #tpu.memory_space<vmem>> -> memref<128xi32, #tpu.memory_space<vmem>>
    %dma_wait3A_623 = tpu.memref_slice %arg3[%dma_wait3A_613, %add3A_193] : memref<2x32768xi32, #tpu.memory_space<hbm>> -> memref<1x128xi32, #tpu.memory_space<hbm>>
    %dma_wait3A_624 = tpu.memref_squeeze %dma_wait3A_623 : memref<1x128xi32, #tpu.memory_space<hbm>> -> memref<128xi32, #tpu.memory_space<hbm>>
    tpu.wait_dma2 semaphore(%arg11 : memref<!tpu.dma_semaphore, #tpu.memory_space<semaphore_mem>>) src(%dma_wait3A_624 : memref<128xi32, #tpu.memory_space<hbm>>) dst(%dma_wait3A_622 : memref<128xi32, #tpu.memory_space<vmem>>)
    %dma_wait3A_625 = arith.constant 0 : i32
    %dma_wait3A_626 = arith.constant 7 : i32
    %dma_wait3A_627 = arith.constant 0 : i32
    %dma_wait3A_628 = tpu.memref_slice %arg5[%dma_wait3A_626, %dma_wait3A_627] : memref<16x128xi32, #tpu.memory_space<vmem>> -> memref<1x128xi32, #tpu.memory_space<vmem>>
    %dma_wait3A_629 = tpu.memref_squeeze %dma_wait3A_628 : memref<1x128xi32, #tpu.memory_space<vmem>> -> memref<128xi32, #tpu.memory_space<vmem>>
    %dma_wait3A_630 = tpu.memref_slice %arg3[%dma_wait3A_625, %add3A_207] : memref<2x32768xi32, #tpu.memory_space<hbm>> -> memref<1x128xi32, #tpu.memory_space<hbm>>
    %dma_wait3A_631 = tpu.memref_squeeze %dma_wait3A_630 : memref<1x128xi32, #tpu.memory_space<hbm>> -> memref<128xi32, #tpu.memory_space<hbm>>
    %dma_wait3A_632 = arith.constant 0 : i32
    %dma_wait3A_633 = tpu.memref_slice %arg5[%dma_wait3A_626, %dma_wait3A_632] : memref<16x128xi32, #tpu.memory_space<vmem>> -> memref<1x128xi32, #tpu.memory_space<vmem>>
    %dma_wait3A_634 = tpu.memref_squeeze %dma_wait3A_633 : memref<1x128xi32, #tpu.memory_space<vmem>> -> memref<128xi32, #tpu.memory_space<vmem>>
    %dma_wait3A_635 = tpu.memref_slice %arg3[%dma_wait3A_625, %add3A_207] : memref<2x32768xi32, #tpu.memory_space<hbm>> -> memref<1x128xi32, #tpu.memory_space<hbm>>
    %dma_wait3A_636 = tpu.memref_squeeze %dma_wait3A_635 : memref<1x128xi32, #tpu.memory_space<hbm>> -> memref<128xi32, #tpu.memory_space<hbm>>
    tpu.wait_dma2 semaphore(%arg10 : memref<!tpu.dma_semaphore, #tpu.memory_space<semaphore_mem>>) src(%dma_wait3A_636 : memref<128xi32, #tpu.memory_space<hbm>>) dst(%dma_wait3A_634 : memref<128xi32, #tpu.memory_space<vmem>>)
    %dma_wait3A_637 = arith.constant 1 : i32
    %dma_wait3A_638 = arith.constant 7 : i32
    %dma_wait3A_639 = arith.constant 0 : i32
    %dma_wait3A_640 = tpu.memref_slice %arg6[%dma_wait3A_638, %dma_wait3A_639] : memref<16x128xi32, #tpu.memory_space<vmem>> -> memref<1x128xi32, #tpu.memory_space<vmem>>
    %dma_wait3A_641 = tpu.memref_squeeze %dma_wait3A_640 : memref<1x128xi32, #tpu.memory_space<vmem>> -> memref<128xi32, #tpu.memory_space<vmem>>
    %dma_wait3A_642 = tpu.memref_slice %arg3[%dma_wait3A_637, %add3A_221] : memref<2x32768xi32, #tpu.memory_space<hbm>> -> memref<1x128xi32, #tpu.memory_space<hbm>>
    %dma_wait3A_643 = tpu.memref_squeeze %dma_wait3A_642 : memref<1x128xi32, #tpu.memory_space<hbm>> -> memref<128xi32, #tpu.memory_space<hbm>>
    %dma_wait3A_644 = arith.constant 0 : i32
    %dma_wait3A_645 = tpu.memref_slice %arg6[%dma_wait3A_638, %dma_wait3A_644] : memref<16x128xi32, #tpu.memory_space<vmem>> -> memref<1x128xi32, #tpu.memory_space<vmem>>
    %dma_wait3A_646 = tpu.memref_squeeze %dma_wait3A_645 : memref<1x128xi32, #tpu.memory_space<vmem>> -> memref<128xi32, #tpu.memory_space<vmem>>
    %dma_wait3A_647 = tpu.memref_slice %arg3[%dma_wait3A_637, %add3A_221] : memref<2x32768xi32, #tpu.memory_space<hbm>> -> memref<1x128xi32, #tpu.memory_space<hbm>>
    %dma_wait3A_648 = tpu.memref_squeeze %dma_wait3A_647 : memref<1x128xi32, #tpu.memory_space<hbm>> -> memref<128xi32, #tpu.memory_space<hbm>>
    tpu.wait_dma2 semaphore(%arg11 : memref<!tpu.dma_semaphore, #tpu.memory_space<semaphore_mem>>) src(%dma_wait3A_648 : memref<128xi32, #tpu.memory_space<hbm>>) dst(%dma_wait3A_646 : memref<128xi32, #tpu.memory_space<vmem>>)
    %dma_wait3A_649 = arith.constant 0 : i32
    %dma_wait3A_650 = arith.constant 8 : i32
    %dma_wait3A_651 = arith.constant 0 : i32
    %dma_wait3A_652 = tpu.memref_slice %arg5[%dma_wait3A_650, %dma_wait3A_651] : memref<16x128xi32, #tpu.memory_space<vmem>> -> memref<1x128xi32, #tpu.memory_space<vmem>>
    %dma_wait3A_653 = tpu.memref_squeeze %dma_wait3A_652 : memref<1x128xi32, #tpu.memory_space<vmem>> -> memref<128xi32, #tpu.memory_space<vmem>>
    %dma_wait3A_654 = tpu.memref_slice %arg3[%dma_wait3A_649, %add3A_235] : memref<2x32768xi32, #tpu.memory_space<hbm>> -> memref<1x128xi32, #tpu.memory_space<hbm>>
    %dma_wait3A_655 = tpu.memref_squeeze %dma_wait3A_654 : memref<1x128xi32, #tpu.memory_space<hbm>> -> memref<128xi32, #tpu.memory_space<hbm>>
    %dma_wait3A_656 = arith.constant 0 : i32
    %dma_wait3A_657 = tpu.memref_slice %arg5[%dma_wait3A_650, %dma_wait3A_656] : memref<16x128xi32, #tpu.memory_space<vmem>> -> memref<1x128xi32, #tpu.memory_space<vmem>>
    %dma_wait3A_658 = tpu.memref_squeeze %dma_wait3A_657 : memref<1x128xi32, #tpu.memory_space<vmem>> -> memref<128xi32, #tpu.memory_space<vmem>>
    %dma_wait3A_659 = tpu.memref_slice %arg3[%dma_wait3A_649, %add3A_235] : memref<2x32768xi32, #tpu.memory_space<hbm>> -> memref<1x128xi32, #tpu.memory_space<hbm>>
    %dma_wait3A_660 = tpu.memref_squeeze %dma_wait3A_659 : memref<1x128xi32, #tpu.memory_space<hbm>> -> memref<128xi32, #tpu.memory_space<hbm>>
    tpu.wait_dma2 semaphore(%arg10 : memref<!tpu.dma_semaphore, #tpu.memory_space<semaphore_mem>>) src(%dma_wait3A_660 : memref<128xi32, #tpu.memory_space<hbm>>) dst(%dma_wait3A_658 : memref<128xi32, #tpu.memory_space<vmem>>)
    %dma_wait3A_661 = arith.constant 1 : i32
    %dma_wait3A_662 = arith.constant 8 : i32
    %dma_wait3A_663 = arith.constant 0 : i32
    %dma_wait3A_664 = tpu.memref_slice %arg6[%dma_wait3A_662, %dma_wait3A_663] : memref<16x128xi32, #tpu.memory_space<vmem>> -> memref<1x128xi32, #tpu.memory_space<vmem>>
    %dma_wait3A_665 = tpu.memref_squeeze %dma_wait3A_664 : memref<1x128xi32, #tpu.memory_space<vmem>> -> memref<128xi32, #tpu.memory_space<vmem>>
    %dma_wait3A_666 = tpu.memref_slice %arg3[%dma_wait3A_661, %add3A_249] : memref<2x32768xi32, #tpu.memory_space<hbm>> -> memref<1x128xi32, #tpu.memory_space<hbm>>
    %dma_wait3A_667 = tpu.memref_squeeze %dma_wait3A_666 : memref<1x128xi32, #tpu.memory_space<hbm>> -> memref<128xi32, #tpu.memory_space<hbm>>
    %dma_wait3A_668 = arith.constant 0 : i32
    %dma_wait3A_669 = tpu.memref_slice %arg6[%dma_wait3A_662, %dma_wait3A_668] : memref<16x128xi32, #tpu.memory_space<vmem>> -> memref<1x128xi32, #tpu.memory_space<vmem>>
    %dma_wait3A_670 = tpu.memref_squeeze %dma_wait3A_669 : memref<1x128xi32, #tpu.memory_space<vmem>> -> memref<128xi32, #tpu.memory_space<vmem>>
    %dma_wait3A_671 = tpu.memref_slice %arg3[%dma_wait3A_661, %add3A_249] : memref<2x32768xi32, #tpu.memory_space<hbm>> -> memref<1x128xi32, #tpu.memory_space<hbm>>
    %dma_wait3A_672 = tpu.memref_squeeze %dma_wait3A_671 : memref<1x128xi32, #tpu.memory_space<hbm>> -> memref<128xi32, #tpu.memory_space<hbm>>
    tpu.wait_dma2 semaphore(%arg11 : memref<!tpu.dma_semaphore, #tpu.memory_space<semaphore_mem>>) src(%dma_wait3A_672 : memref<128xi32, #tpu.memory_space<hbm>>) dst(%dma_wait3A_670 : memref<128xi32, #tpu.memory_space<vmem>>)
    %dma_wait3A_673 = arith.constant 0 : i32
    %dma_wait3A_674 = arith.constant 9 : i32
    %dma_wait3A_675 = arith.constant 0 : i32
    %dma_wait3A_676 = tpu.memref_slice %arg5[%dma_wait3A_674, %dma_wait3A_675] : memref<16x128xi32, #tpu.memory_space<vmem>> -> memref<1x128xi32, #tpu.memory_space<vmem>>
    %dma_wait3A_677 = tpu.memref_squeeze %dma_wait3A_676 : memref<1x128xi32, #tpu.memory_space<vmem>> -> memref<128xi32, #tpu.memory_space<vmem>>
    %dma_wait3A_678 = tpu.memref_slice %arg3[%dma_wait3A_673, %add3A_263] : memref<2x32768xi32, #tpu.memory_space<hbm>> -> memref<1x128xi32, #tpu.memory_space<hbm>>
    %dma_wait3A_679 = tpu.memref_squeeze %dma_wait3A_678 : memref<1x128xi32, #tpu.memory_space<hbm>> -> memref<128xi32, #tpu.memory_space<hbm>>
    %dma_wait3A_680 = arith.constant 0 : i32
    %dma_wait3A_681 = tpu.memref_slice %arg5[%dma_wait3A_674, %dma_wait3A_680] : memref<16x128xi32, #tpu.memory_space<vmem>> -> memref<1x128xi32, #tpu.memory_space<vmem>>
    %dma_wait3A_682 = tpu.memref_squeeze %dma_wait3A_681 : memref<1x128xi32, #tpu.memory_space<vmem>> -> memref<128xi32, #tpu.memory_space<vmem>>
    %dma_wait3A_683 = tpu.memref_slice %arg3[%dma_wait3A_673, %add3A_263] : memref<2x32768xi32, #tpu.memory_space<hbm>> -> memref<1x128xi32, #tpu.memory_space<hbm>>
    %dma_wait3A_684 = tpu.memref_squeeze %dma_wait3A_683 : memref<1x128xi32, #tpu.memory_space<hbm>> -> memref<128xi32, #tpu.memory_space<hbm>>
    tpu.wait_dma2 semaphore(%arg10 : memref<!tpu.dma_semaphore, #tpu.memory_space<semaphore_mem>>) src(%dma_wait3A_684 : memref<128xi32, #tpu.memory_space<hbm>>) dst(%dma_wait3A_682 : memref<128xi32, #tpu.memory_space<vmem>>)
    %dma_wait3A_685 = arith.constant 1 : i32
    %dma_wait3A_686 = arith.constant 9 : i32
    %dma_wait3A_687 = arith.constant 0 : i32
    %dma_wait3A_688 = tpu.memref_slice %arg6[%dma_wait3A_686, %dma_wait3A_687] : memref<16x128xi32, #tpu.memory_space<vmem>> -> memref<1x128xi32, #tpu.memory_space<vmem>>
    %dma_wait3A_689 = tpu.memref_squeeze %dma_wait3A_688 : memref<1x128xi32, #tpu.memory_space<vmem>> -> memref<128xi32, #tpu.memory_space<vmem>>
    %dma_wait3A_690 = tpu.memref_slice %arg3[%dma_wait3A_685, %add3A_277] : memref<2x32768xi32, #tpu.memory_space<hbm>> -> memref<1x128xi32, #tpu.memory_space<hbm>>
    %dma_wait3A_691 = tpu.memref_squeeze %dma_wait3A_690 : memref<1x128xi32, #tpu.memory_space<hbm>> -> memref<128xi32, #tpu.memory_space<hbm>>
    %dma_wait3A_692 = arith.constant 0 : i32
    %dma_wait3A_693 = tpu.memref_slice %arg6[%dma_wait3A_686, %dma_wait3A_692] : memref<16x128xi32, #tpu.memory_space<vmem>> -> memref<1x128xi32, #tpu.memory_space<vmem>>
    %dma_wait3A_694 = tpu.memref_squeeze %dma_wait3A_693 : memref<1x128xi32, #tpu.memory_space<vmem>> -> memref<128xi32, #tpu.memory_space<vmem>>
    %dma_wait3A_695 = tpu.memref_slice %arg3[%dma_wait3A_685, %add3A_277] : memref<2x32768xi32, #tpu.memory_space<hbm>> -> memref<1x128xi32, #tpu.memory_space<hbm>>
    %dma_wait3A_696 = tpu.memref_squeeze %dma_wait3A_695 : memref<1x128xi32, #tpu.memory_space<hbm>> -> memref<128xi32, #tpu.memory_space<hbm>>
    tpu.wait_dma2 semaphore(%arg11 : memref<!tpu.dma_semaphore, #tpu.memory_space<semaphore_mem>>) src(%dma_wait3A_696 : memref<128xi32, #tpu.memory_space<hbm>>) dst(%dma_wait3A_694 : memref<128xi32, #tpu.memory_space<vmem>>)
    %dma_wait3A_697 = arith.constant 0 : i32
    %dma_wait3A_698 = arith.constant 10 : i32
    %dma_wait3A_699 = arith.constant 0 : i32
    %dma_wait3A_700 = tpu.memref_slice %arg5[%dma_wait3A_698, %dma_wait3A_699] : memref<16x128xi32, #tpu.memory_space<vmem>> -> memref<1x128xi32, #tpu.memory_space<vmem>>
    %dma_wait3A_701 = tpu.memref_squeeze %dma_wait3A_700 : memref<1x128xi32, #tpu.memory_space<vmem>> -> memref<128xi32, #tpu.memory_space<vmem>>
    %dma_wait3A_702 = tpu.memref_slice %arg3[%dma_wait3A_697, %add3A_291] : memref<2x32768xi32, #tpu.memory_space<hbm>> -> memref<1x128xi32, #tpu.memory_space<hbm>>
    %dma_wait3A_703 = tpu.memref_squeeze %dma_wait3A_702 : memref<1x128xi32, #tpu.memory_space<hbm>> -> memref<128xi32, #tpu.memory_space<hbm>>
    %dma_wait3A_704 = arith.constant 0 : i32
    %dma_wait3A_705 = tpu.memref_slice %arg5[%dma_wait3A_698, %dma_wait3A_704] : memref<16x128xi32, #tpu.memory_space<vmem>> -> memref<1x128xi32, #tpu.memory_space<vmem>>
    %dma_wait3A_706 = tpu.memref_squeeze %dma_wait3A_705 : memref<1x128xi32, #tpu.memory_space<vmem>> -> memref<128xi32, #tpu.memory_space<vmem>>
    %dma_wait3A_707 = tpu.memref_slice %arg3[%dma_wait3A_697, %add3A_291] : memref<2x32768xi32, #tpu.memory_space<hbm>> -> memref<1x128xi32, #tpu.memory_space<hbm>>
    %dma_wait3A_708 = tpu.memref_squeeze %dma_wait3A_707 : memref<1x128xi32, #tpu.memory_space<hbm>> -> memref<128xi32, #tpu.memory_space<hbm>>
    tpu.wait_dma2 semaphore(%arg10 : memref<!tpu.dma_semaphore, #tpu.memory_space<semaphore_mem>>) src(%dma_wait3A_708 : memref<128xi32, #tpu.memory_space<hbm>>) dst(%dma_wait3A_706 : memref<128xi32, #tpu.memory_space<vmem>>)
    %dma_wait3A_709 = arith.constant 1 : i32
    %dma_wait3A_710 = arith.constant 10 : i32
    %dma_wait3A_711 = arith.constant 0 : i32
    %dma_wait3A_712 = tpu.memref_slice %arg6[%dma_wait3A_710, %dma_wait3A_711] : memref<16x128xi32, #tpu.memory_space<vmem>> -> memref<1x128xi32, #tpu.memory_space<vmem>>
    %dma_wait3A_713 = tpu.memref_squeeze %dma_wait3A_712 : memref<1x128xi32, #tpu.memory_space<vmem>> -> memref<128xi32, #tpu.memory_space<vmem>>
    %dma_wait3A_714 = tpu.memref_slice %arg3[%dma_wait3A_709, %add3A_305] : memref<2x32768xi32, #tpu.memory_space<hbm>> -> memref<1x128xi32, #tpu.memory_space<hbm>>
    %dma_wait3A_715 = tpu.memref_squeeze %dma_wait3A_714 : memref<1x128xi32, #tpu.memory_space<hbm>> -> memref<128xi32, #tpu.memory_space<hbm>>
    %dma_wait3A_716 = arith.constant 0 : i32
    %dma_wait3A_717 = tpu.memref_slice %arg6[%dma_wait3A_710, %dma_wait3A_716] : memref<16x128xi32, #tpu.memory_space<vmem>> -> memref<1x128xi32, #tpu.memory_space<vmem>>
    %dma_wait3A_718 = tpu.memref_squeeze %dma_wait3A_717 : memref<1x128xi32, #tpu.memory_space<vmem>> -> memref<128xi32, #tpu.memory_space<vmem>>
    %dma_wait3A_719 = tpu.memref_slice %arg3[%dma_wait3A_709, %add3A_305] : memref<2x32768xi32, #tpu.memory_space<hbm>> -> memref<1x128xi32, #tpu.memory_space<hbm>>
    %dma_wait3A_720 = tpu.memref_squeeze %dma_wait3A_719 : memref<1x128xi32, #tpu.memory_space<hbm>> -> memref<128xi32, #tpu.memory_space<hbm>>
    tpu.wait_dma2 semaphore(%arg11 : memref<!tpu.dma_semaphore, #tpu.memory_space<semaphore_mem>>) src(%dma_wait3A_720 : memref<128xi32, #tpu.memory_space<hbm>>) dst(%dma_wait3A_718 : memref<128xi32, #tpu.memory_space<vmem>>)
    %dma_wait3A_721 = arith.constant 0 : i32
    %dma_wait3A_722 = arith.constant 11 : i32
    %dma_wait3A_723 = arith.constant 0 : i32
    %dma_wait3A_724 = tpu.memref_slice %arg5[%dma_wait3A_722, %dma_wait3A_723] : memref<16x128xi32, #tpu.memory_space<vmem>> -> memref<1x128xi32, #tpu.memory_space<vmem>>
    %dma_wait3A_725 = tpu.memref_squeeze %dma_wait3A_724 : memref<1x128xi32, #tpu.memory_space<vmem>> -> memref<128xi32, #tpu.memory_space<vmem>>
    %dma_wait3A_726 = tpu.memref_slice %arg3[%dma_wait3A_721, %add3A_319] : memref<2x32768xi32, #tpu.memory_space<hbm>> -> memref<1x128xi32, #tpu.memory_space<hbm>>
    %dma_wait3A_727 = tpu.memref_squeeze %dma_wait3A_726 : memref<1x128xi32, #tpu.memory_space<hbm>> -> memref<128xi32, #tpu.memory_space<hbm>>
    %dma_wait3A_728 = arith.constant 0 : i32
    %dma_wait3A_729 = tpu.memref_slice %arg5[%dma_wait3A_722, %dma_wait3A_728] : memref<16x128xi32, #tpu.memory_space<vmem>> -> memref<1x128xi32, #tpu.memory_space<vmem>>
    %dma_wait3A_730 = tpu.memref_squeeze %dma_wait3A_729 : memref<1x128xi32, #tpu.memory_space<vmem>> -> memref<128xi32, #tpu.memory_space<vmem>>
    %dma_wait3A_731 = tpu.memref_slice %arg3[%dma_wait3A_721, %add3A_319] : memref<2x32768xi32, #tpu.memory_space<hbm>> -> memref<1x128xi32, #tpu.memory_space<hbm>>
    %dma_wait3A_732 = tpu.memref_squeeze %dma_wait3A_731 : memref<1x128xi32, #tpu.memory_space<hbm>> -> memref<128xi32, #tpu.memory_space<hbm>>
    tpu.wait_dma2 semaphore(%arg10 : memref<!tpu.dma_semaphore, #tpu.memory_space<semaphore_mem>>) src(%dma_wait3A_732 : memref<128xi32, #tpu.memory_space<hbm>>) dst(%dma_wait3A_730 : memref<128xi32, #tpu.memory_space<vmem>>)
    %dma_wait3A_733 = arith.constant 1 : i32
    %dma_wait3A_734 = arith.constant 11 : i32
    %dma_wait3A_735 = arith.constant 0 : i32
    %dma_wait3A_736 = tpu.memref_slice %arg6[%dma_wait3A_734, %dma_wait3A_735] : memref<16x128xi32, #tpu.memory_space<vmem>> -> memref<1x128xi32, #tpu.memory_space<vmem>>
    %dma_wait3A_737 = tpu.memref_squeeze %dma_wait3A_736 : memref<1x128xi32, #tpu.memory_space<vmem>> -> memref<128xi32, #tpu.memory_space<vmem>>
    %dma_wait3A_738 = tpu.memref_slice %arg3[%dma_wait3A_733, %add3A_333] : memref<2x32768xi32, #tpu.memory_space<hbm>> -> memref<1x128xi32, #tpu.memory_space<hbm>>
    %dma_wait3A_739 = tpu.memref_squeeze %dma_wait3A_738 : memref<1x128xi32, #tpu.memory_space<hbm>> -> memref<128xi32, #tpu.memory_space<hbm>>
    %dma_wait3A_740 = arith.constant 0 : i32
    %dma_wait3A_741 = tpu.memref_slice %arg6[%dma_wait3A_734, %dma_wait3A_740] : memref<16x128xi32, #tpu.memory_space<vmem>> -> memref<1x128xi32, #tpu.memory_space<vmem>>
    %dma_wait3A_742 = tpu.memref_squeeze %dma_wait3A_741 : memref<1x128xi32, #tpu.memory_space<vmem>> -> memref<128xi32, #tpu.memory_space<vmem>>
    %dma_wait3A_743 = tpu.memref_slice %arg3[%dma_wait3A_733, %add3A_333] : memref<2x32768xi32, #tpu.memory_space<hbm>> -> memref<1x128xi32, #tpu.memory_space<hbm>>
    %dma_wait3A_744 = tpu.memref_squeeze %dma_wait3A_743 : memref<1x128xi32, #tpu.memory_space<hbm>> -> memref<128xi32, #tpu.memory_space<hbm>>
    tpu.wait_dma2 semaphore(%arg11 : memref<!tpu.dma_semaphore, #tpu.memory_space<semaphore_mem>>) src(%dma_wait3A_744 : memref<128xi32, #tpu.memory_space<hbm>>) dst(%dma_wait3A_742 : memref<128xi32, #tpu.memory_space<vmem>>)
    %dma_wait3A_745 = arith.constant 0 : i32
    %dma_wait3A_746 = arith.constant 12 : i32
    %dma_wait3A_747 = arith.constant 0 : i32
    %dma_wait3A_748 = tpu.memref_slice %arg5[%dma_wait3A_746, %dma_wait3A_747] : memref<16x128xi32, #tpu.memory_space<vmem>> -> memref<1x128xi32, #tpu.memory_space<vmem>>
    %dma_wait3A_749 = tpu.memref_squeeze %dma_wait3A_748 : memref<1x128xi32, #tpu.memory_space<vmem>> -> memref<128xi32, #tpu.memory_space<vmem>>
    %dma_wait3A_750 = tpu.memref_slice %arg3[%dma_wait3A_745, %add3A_347] : memref<2x32768xi32, #tpu.memory_space<hbm>> -> memref<1x128xi32, #tpu.memory_space<hbm>>
    %dma_wait3A_751 = tpu.memref_squeeze %dma_wait3A_750 : memref<1x128xi32, #tpu.memory_space<hbm>> -> memref<128xi32, #tpu.memory_space<hbm>>
    %dma_wait3A_752 = arith.constant 0 : i32
    %dma_wait3A_753 = tpu.memref_slice %arg5[%dma_wait3A_746, %dma_wait3A_752] : memref<16x128xi32, #tpu.memory_space<vmem>> -> memref<1x128xi32, #tpu.memory_space<vmem>>
    %dma_wait3A_754 = tpu.memref_squeeze %dma_wait3A_753 : memref<1x128xi32, #tpu.memory_space<vmem>> -> memref<128xi32, #tpu.memory_space<vmem>>
    %dma_wait3A_755 = tpu.memref_slice %arg3[%dma_wait3A_745, %add3A_347] : memref<2x32768xi32, #tpu.memory_space<hbm>> -> memref<1x128xi32, #tpu.memory_space<hbm>>
    %dma_wait3A_756 = tpu.memref_squeeze %dma_wait3A_755 : memref<1x128xi32, #tpu.memory_space<hbm>> -> memref<128xi32, #tpu.memory_space<hbm>>
    tpu.wait_dma2 semaphore(%arg10 : memref<!tpu.dma_semaphore, #tpu.memory_space<semaphore_mem>>) src(%dma_wait3A_756 : memref<128xi32, #tpu.memory_space<hbm>>) dst(%dma_wait3A_754 : memref<128xi32, #tpu.memory_space<vmem>>)
    %dma_wait3A_757 = arith.constant 1 : i32
    %dma_wait3A_758 = arith.constant 12 : i32
    %dma_wait3A_759 = arith.constant 0 : i32
    %dma_wait3A_760 = tpu.memref_slice %arg6[%dma_wait3A_758, %dma_wait3A_759] : memref<16x128xi32, #tpu.memory_space<vmem>> -> memref<1x128xi32, #tpu.memory_space<vmem>>
    %dma_wait3A_761 = tpu.memref_squeeze %dma_wait3A_760 : memref<1x128xi32, #tpu.memory_space<vmem>> -> memref<128xi32, #tpu.memory_space<vmem>>
    %dma_wait3A_762 = tpu.memref_slice %arg3[%dma_wait3A_757, %add3A_361] : memref<2x32768xi32, #tpu.memory_space<hbm>> -> memref<1x128xi32, #tpu.memory_space<hbm>>
    %dma_wait3A_763 = tpu.memref_squeeze %dma_wait3A_762 : memref<1x128xi32, #tpu.memory_space<hbm>> -> memref<128xi32, #tpu.memory_space<hbm>>
    %dma_wait3A_764 = arith.constant 0 : i32
    %dma_wait3A_765 = tpu.memref_slice %arg6[%dma_wait3A_758, %dma_wait3A_764] : memref<16x128xi32, #tpu.memory_space<vmem>> -> memref<1x128xi32, #tpu.memory_space<vmem>>
    %dma_wait3A_766 = tpu.memref_squeeze %dma_wait3A_765 : memref<1x128xi32, #tpu.memory_space<vmem>> -> memref<128xi32, #tpu.memory_space<vmem>>
    %dma_wait3A_767 = tpu.memref_slice %arg3[%dma_wait3A_757, %add3A_361] : memref<2x32768xi32, #tpu.memory_space<hbm>> -> memref<1x128xi32, #tpu.memory_space<hbm>>
    %dma_wait3A_768 = tpu.memref_squeeze %dma_wait3A_767 : memref<1x128xi32, #tpu.memory_space<hbm>> -> memref<128xi32, #tpu.memory_space<hbm>>
    tpu.wait_dma2 semaphore(%arg11 : memref<!tpu.dma_semaphore, #tpu.memory_space<semaphore_mem>>) src(%dma_wait3A_768 : memref<128xi32, #tpu.memory_space<hbm>>) dst(%dma_wait3A_766 : memref<128xi32, #tpu.memory_space<vmem>>)
    %dma_wait3A_769 = arith.constant 0 : i32
    %dma_wait3A_770 = arith.constant 13 : i32
    %dma_wait3A_771 = arith.constant 0 : i32
    %dma_wait3A_772 = tpu.memref_slice %arg5[%dma_wait3A_770, %dma_wait3A_771] : memref<16x128xi32, #tpu.memory_space<vmem>> -> memref<1x128xi32, #tpu.memory_space<vmem>>
    %dma_wait3A_773 = tpu.memref_squeeze %dma_wait3A_772 : memref<1x128xi32, #tpu.memory_space<vmem>> -> memref<128xi32, #tpu.memory_space<vmem>>
    %dma_wait3A_774 = tpu.memref_slice %arg3[%dma_wait3A_769, %add3A_375] : memref<2x32768xi32, #tpu.memory_space<hbm>> -> memref<1x128xi32, #tpu.memory_space<hbm>>
    %dma_wait3A_775 = tpu.memref_squeeze %dma_wait3A_774 : memref<1x128xi32, #tpu.memory_space<hbm>> -> memref<128xi32, #tpu.memory_space<hbm>>
    %dma_wait3A_776 = arith.constant 0 : i32
    %dma_wait3A_777 = tpu.memref_slice %arg5[%dma_wait3A_770, %dma_wait3A_776] : memref<16x128xi32, #tpu.memory_space<vmem>> -> memref<1x128xi32, #tpu.memory_space<vmem>>
    %dma_wait3A_778 = tpu.memref_squeeze %dma_wait3A_777 : memref<1x128xi32, #tpu.memory_space<vmem>> -> memref<128xi32, #tpu.memory_space<vmem>>
    %dma_wait3A_779 = tpu.memref_slice %arg3[%dma_wait3A_769, %add3A_375] : memref<2x32768xi32, #tpu.memory_space<hbm>> -> memref<1x128xi32, #tpu.memory_space<hbm>>
    %dma_wait3A_780 = tpu.memref_squeeze %dma_wait3A_779 : memref<1x128xi32, #tpu.memory_space<hbm>> -> memref<128xi32, #tpu.memory_space<hbm>>
    tpu.wait_dma2 semaphore(%arg10 : memref<!tpu.dma_semaphore, #tpu.memory_space<semaphore_mem>>) src(%dma_wait3A_780 : memref<128xi32, #tpu.memory_space<hbm>>) dst(%dma_wait3A_778 : memref<128xi32, #tpu.memory_space<vmem>>)
    %dma_wait3A_781 = arith.constant 1 : i32
    %dma_wait3A_782 = arith.constant 13 : i32
    %dma_wait3A_783 = arith.constant 0 : i32
    %dma_wait3A_784 = tpu.memref_slice %arg6[%dma_wait3A_782, %dma_wait3A_783] : memref<16x128xi32, #tpu.memory_space<vmem>> -> memref<1x128xi32, #tpu.memory_space<vmem>>
    %dma_wait3A_785 = tpu.memref_squeeze %dma_wait3A_784 : memref<1x128xi32, #tpu.memory_space<vmem>> -> memref<128xi32, #tpu.memory_space<vmem>>
    %dma_wait3A_786 = tpu.memref_slice %arg3[%dma_wait3A_781, %add3A_389] : memref<2x32768xi32, #tpu.memory_space<hbm>> -> memref<1x128xi32, #tpu.memory_space<hbm>>
    %dma_wait3A_787 = tpu.memref_squeeze %dma_wait3A_786 : memref<1x128xi32, #tpu.memory_space<hbm>> -> memref<128xi32, #tpu.memory_space<hbm>>
    %dma_wait3A_788 = arith.constant 0 : i32
    %dma_wait3A_789 = tpu.memref_slice %arg6[%dma_wait3A_782, %dma_wait3A_788] : memref<16x128xi32, #tpu.memory_space<vmem>> -> memref<1x128xi32, #tpu.memory_space<vmem>>
    %dma_wait3A_790 = tpu.memref_squeeze %dma_wait3A_789 : memref<1x128xi32, #tpu.memory_space<vmem>> -> memref<128xi32, #tpu.memory_space<vmem>>
    %dma_wait3A_791 = tpu.memref_slice %arg3[%dma_wait3A_781, %add3A_389] : memref<2x32768xi32, #tpu.memory_space<hbm>> -> memref<1x128xi32, #tpu.memory_space<hbm>>
    %dma_wait3A_792 = tpu.memref_squeeze %dma_wait3A_791 : memref<1x128xi32, #tpu.memory_space<hbm>> -> memref<128xi32, #tpu.memory_space<hbm>>
    tpu.wait_dma2 semaphore(%arg11 : memref<!tpu.dma_semaphore, #tpu.memory_space<semaphore_mem>>) src(%dma_wait3A_792 : memref<128xi32, #tpu.memory_space<hbm>>) dst(%dma_wait3A_790 : memref<128xi32, #tpu.memory_space<vmem>>)
    %dma_wait3A_793 = arith.constant 0 : i32
    %dma_wait3A_794 = arith.constant 14 : i32
    %dma_wait3A_795 = arith.constant 0 : i32
    %dma_wait3A_796 = tpu.memref_slice %arg5[%dma_wait3A_794, %dma_wait3A_795] : memref<16x128xi32, #tpu.memory_space<vmem>> -> memref<1x128xi32, #tpu.memory_space<vmem>>
    %dma_wait3A_797 = tpu.memref_squeeze %dma_wait3A_796 : memref<1x128xi32, #tpu.memory_space<vmem>> -> memref<128xi32, #tpu.memory_space<vmem>>
    %dma_wait3A_798 = tpu.memref_slice %arg3[%dma_wait3A_793, %add3A_403] : memref<2x32768xi32, #tpu.memory_space<hbm>> -> memref<1x128xi32, #tpu.memory_space<hbm>>
    %dma_wait3A_799 = tpu.memref_squeeze %dma_wait3A_798 : memref<1x128xi32, #tpu.memory_space<hbm>> -> memref<128xi32, #tpu.memory_space<hbm>>
    %dma_wait3A_800 = arith.constant 0 : i32
    %dma_wait3A_801 = tpu.memref_slice %arg5[%dma_wait3A_794, %dma_wait3A_800] : memref<16x128xi32, #tpu.memory_space<vmem>> -> memref<1x128xi32, #tpu.memory_space<vmem>>
    %dma_wait3A_802 = tpu.memref_squeeze %dma_wait3A_801 : memref<1x128xi32, #tpu.memory_space<vmem>> -> memref<128xi32, #tpu.memory_space<vmem>>
    %dma_wait3A_803 = tpu.memref_slice %arg3[%dma_wait3A_793, %add3A_403] : memref<2x32768xi32, #tpu.memory_space<hbm>> -> memref<1x128xi32, #tpu.memory_space<hbm>>
    %dma_wait3A_804 = tpu.memref_squeeze %dma_wait3A_803 : memref<1x128xi32, #tpu.memory_space<hbm>> -> memref<128xi32, #tpu.memory_space<hbm>>
    tpu.wait_dma2 semaphore(%arg10 : memref<!tpu.dma_semaphore, #tpu.memory_space<semaphore_mem>>) src(%dma_wait3A_804 : memref<128xi32, #tpu.memory_space<hbm>>) dst(%dma_wait3A_802 : memref<128xi32, #tpu.memory_space<vmem>>)
    %dma_wait3A_805 = arith.constant 1 : i32
    %dma_wait3A_806 = arith.constant 14 : i32
    %dma_wait3A_807 = arith.constant 0 : i32
    %dma_wait3A_808 = tpu.memref_slice %arg6[%dma_wait3A_806, %dma_wait3A_807] : memref<16x128xi32, #tpu.memory_space<vmem>> -> memref<1x128xi32, #tpu.memory_space<vmem>>
    %dma_wait3A_809 = tpu.memref_squeeze %dma_wait3A_808 : memref<1x128xi32, #tpu.memory_space<vmem>> -> memref<128xi32, #tpu.memory_space<vmem>>
    %dma_wait3A_810 = tpu.memref_slice %arg3[%dma_wait3A_805, %add3A_417] : memref<2x32768xi32, #tpu.memory_space<hbm>> -> memref<1x128xi32, #tpu.memory_space<hbm>>
    %dma_wait3A_811 = tpu.memref_squeeze %dma_wait3A_810 : memref<1x128xi32, #tpu.memory_space<hbm>> -> memref<128xi32, #tpu.memory_space<hbm>>
    %dma_wait3A_812 = arith.constant 0 : i32
    %dma_wait3A_813 = tpu.memref_slice %arg6[%dma_wait3A_806, %dma_wait3A_812] : memref<16x128xi32, #tpu.memory_space<vmem>> -> memref<1x128xi32, #tpu.memory_space<vmem>>
    %dma_wait3A_814 = tpu.memref_squeeze %dma_wait3A_813 : memref<1x128xi32, #tpu.memory_space<vmem>> -> memref<128xi32, #tpu.memory_space<vmem>>
    %dma_wait3A_815 = tpu.memref_slice %arg3[%dma_wait3A_805, %add3A_417] : memref<2x32768xi32, #tpu.memory_space<hbm>> -> memref<1x128xi32, #tpu.memory_space<hbm>>
    %dma_wait3A_816 = tpu.memref_squeeze %dma_wait3A_815 : memref<1x128xi32, #tpu.memory_space<hbm>> -> memref<128xi32, #tpu.memory_space<hbm>>
    tpu.wait_dma2 semaphore(%arg11 : memref<!tpu.dma_semaphore, #tpu.memory_space<semaphore_mem>>) src(%dma_wait3A_816 : memref<128xi32, #tpu.memory_space<hbm>>) dst(%dma_wait3A_814 : memref<128xi32, #tpu.memory_space<vmem>>)
    %dma_wait3A_817 = arith.constant 0 : i32
    %dma_wait3A_818 = arith.constant 15 : i32
    %dma_wait3A_819 = arith.constant 0 : i32
    %dma_wait3A_820 = tpu.memref_slice %arg5[%dma_wait3A_818, %dma_wait3A_819] : memref<16x128xi32, #tpu.memory_space<vmem>> -> memref<1x128xi32, #tpu.memory_space<vmem>>
    %dma_wait3A_821 = tpu.memref_squeeze %dma_wait3A_820 : memref<1x128xi32, #tpu.memory_space<vmem>> -> memref<128xi32, #tpu.memory_space<vmem>>
    %dma_wait3A_822 = tpu.memref_slice %arg3[%dma_wait3A_817, %add3A_431] : memref<2x32768xi32, #tpu.memory_space<hbm>> -> memref<1x128xi32, #tpu.memory_space<hbm>>
    %dma_wait3A_823 = tpu.memref_squeeze %dma_wait3A_822 : memref<1x128xi32, #tpu.memory_space<hbm>> -> memref<128xi32, #tpu.memory_space<hbm>>
    %dma_wait3A_824 = arith.constant 0 : i32
    %dma_wait3A_825 = tpu.memref_slice %arg5[%dma_wait3A_818, %dma_wait3A_824] : memref<16x128xi32, #tpu.memory_space<vmem>> -> memref<1x128xi32, #tpu.memory_space<vmem>>
    %dma_wait3A_826 = tpu.memref_squeeze %dma_wait3A_825 : memref<1x128xi32, #tpu.memory_space<vmem>> -> memref<128xi32, #tpu.memory_space<vmem>>
    %dma_wait3A_827 = tpu.memref_slice %arg3[%dma_wait3A_817, %add3A_431] : memref<2x32768xi32, #tpu.memory_space<hbm>> -> memref<1x128xi32, #tpu.memory_space<hbm>>
    %dma_wait3A_828 = tpu.memref_squeeze %dma_wait3A_827 : memref<1x128xi32, #tpu.memory_space<hbm>> -> memref<128xi32, #tpu.memory_space<hbm>>
    tpu.wait_dma2 semaphore(%arg10 : memref<!tpu.dma_semaphore, #tpu.memory_space<semaphore_mem>>) src(%dma_wait3A_828 : memref<128xi32, #tpu.memory_space<hbm>>) dst(%dma_wait3A_826 : memref<128xi32, #tpu.memory_space<vmem>>)
    %dma_wait3A_829 = arith.constant 1 : i32
    %dma_wait3A_830 = arith.constant 15 : i32
    %dma_wait3A_831 = arith.constant 0 : i32
    %dma_wait3A_832 = tpu.memref_slice %arg6[%dma_wait3A_830, %dma_wait3A_831] : memref<16x128xi32, #tpu.memory_space<vmem>> -> memref<1x128xi32, #tpu.memory_space<vmem>>
    %dma_wait3A_833 = tpu.memref_squeeze %dma_wait3A_832 : memref<1x128xi32, #tpu.memory_space<vmem>> -> memref<128xi32, #tpu.memory_space<vmem>>
    %dma_wait3A_834 = tpu.memref_slice %arg3[%dma_wait3A_829, %add3A_445] : memref<2x32768xi32, #tpu.memory_space<hbm>> -> memref<1x128xi32, #tpu.memory_space<hbm>>
    %dma_wait3A_835 = tpu.memref_squeeze %dma_wait3A_834 : memref<1x128xi32, #tpu.memory_space<hbm>> -> memref<128xi32, #tpu.memory_space<hbm>>
    %dma_wait3A_836 = arith.constant 0 : i32
    %dma_wait3A_837 = tpu.memref_slice %arg6[%dma_wait3A_830, %dma_wait3A_836] : memref<16x128xi32, #tpu.memory_space<vmem>> -> memref<1x128xi32, #tpu.memory_space<vmem>>
    %dma_wait3A_838 = tpu.memref_squeeze %dma_wait3A_837 : memref<1x128xi32, #tpu.memory_space<vmem>> -> memref<128xi32, #tpu.memory_space<vmem>>
    %dma_wait3A_839 = tpu.memref_slice %arg3[%dma_wait3A_829, %add3A_445] : memref<2x32768xi32, #tpu.memory_space<hbm>> -> memref<1x128xi32, #tpu.memory_space<hbm>>
    %dma_wait3A_840 = tpu.memref_squeeze %dma_wait3A_839 : memref<1x128xi32, #tpu.memory_space<hbm>> -> memref<128xi32, #tpu.memory_space<hbm>>
    tpu.wait_dma2 semaphore(%arg11 : memref<!tpu.dma_semaphore, #tpu.memory_space<semaphore_mem>>) src(%dma_wait3A_840 : memref<128xi32, #tpu.memory_space<hbm>>) dst(%dma_wait3A_838 : memref<128xi32, #tpu.memory_space<vmem>>)
    %scan3A = arith.constant 0 : i32
    %scan3A_841 = arith.constant 0 : i32
    %scan3A_842 = arith.constant 128 : i32
    %scan3A_843 = arith.addi %scan3A_841, %scan3A_842 : i32
    %scan3A_844 = arith.constant 1 : i32
    %scan3A_845 = scf.for %scan3A_1305 = %scan3A_841 to %scan3A_843 step %scan3A_844 iter_args(%scan3A_1306 = %scan3A) -> (i32)  : i32 {
      %jit3A = arith.constant 8 : i32
      %div3A = arith.divsi %scan3A_1305, %jit3A : i32
      %sign3A = arith.constant 0 : i32
      %sign3A_1307 = arith.cmpi sgt, %scan3A_1305, %sign3A : i32
      %sign3A_1308 = arith.extui %sign3A_1307 : i1 to i32
      %sign3A_1309 = arith.constant 0 : i32
      %sign3A_1310 = arith.cmpi slt, %scan3A_1305, %sign3A_1309 : i32
      %sign3A_1311 = arith.extui %sign3A_1310 : i1 to i32
      %sign3A_1312 = arith.subi %sign3A_1308, %sign3A_1311 : i32
      %sign3A_1313 = arith.constant 0 : i32
      %sign3A_1314 = arith.cmpi sgt, %jit3A, %sign3A_1313 : i32
      %sign3A_1315 = arith.extui %sign3A_1314 : i1 to i32
      %sign3A_1316 = arith.constant 0 : i32
      %sign3A_1317 = arith.cmpi slt, %jit3A, %sign3A_1316 : i32
      %sign3A_1318 = arith.extui %sign3A_1317 : i1 to i32
      %sign3A_1319 = arith.subi %sign3A_1315, %sign3A_1318 : i32
      %ne3A = arith.cmpi ne, %sign3A_1312, %sign3A_1319 : i32
      %rem3A = arith.remsi %scan3A_1305, %jit3A : i32
      %ne3A_1320 = arith.constant 0 : i32
      %ne3A_1321 = arith.cmpi ne, %rem3A, %ne3A_1320 : i32
      %and3A = arith.andi %ne3A, %ne3A_1321 : i1
      %sub3A = arith.constant 1 : i32
      %sub3A_1322 = arith.subi %div3A, %sub3A : i32
      %select_n3A = arith.select %and3A, %sub3A_1322, %div3A : i32
      %jit3A_1323 = arith.constant 8 : i32
      %eq3A = arith.constant 0 : i32
      %eq3A_1324 = arith.cmpi eq, %jit3A_1323, %eq3A : i32
      %jit3A_1325 = arith.constant 1 : i32
      %select_n3A_1326 = arith.select %eq3A_1324, %jit3A_1325, %jit3A_1323 : i32
      %rem3A_1327 = arith.remsi %scan3A_1305, %select_n3A_1326 : i32
      %ne3A_1328 = arith.constant 0 : i32
      %ne3A_1329 = arith.cmpi ne, %rem3A_1327, %ne3A_1328 : i32
      %lt3A = arith.constant 0 : i32
      %lt3A_1330 = arith.cmpi slt, %rem3A_1327, %lt3A : i32
      %lt3A_1331 = arith.constant 0 : i32
      %lt3A_1332 = arith.cmpi slt, %select_n3A_1326, %lt3A_1331 : i32
      %ne3A_1333 = arith.xori %lt3A_1330, %lt3A_1332 : i1
      %and3A_1334 = arith.andi %ne3A_1333, %ne3A_1329 : i1
      %add3A_1335 = arith.addi %rem3A_1327, %select_n3A_1326 : i32
      %select_n3A_1336 = arith.select %and3A_1334, %add3A_1335, %rem3A_1327 : i32
      %mul3A_1337 = arith.constant 16 : i32
      %mul3A_1338 = arith.muli %select_n3A_1336, %mul3A_1337 : i32
      %get3A = arith.index_cast %select_n3A : i32 to index
      %get3A_1339 = arith.index_cast %mul3A_1338 : i32 to index
      %get3A_1340 = tpu.vector_load %arg5[%get3A, %get3A_1339] {strides = array<i32>} : memref<16x128xi32, #tpu.memory_space<vmem>>, vector<1x16xi32>,
      %get3A_1341 = vector.shape_cast %get3A_1340 : vector<1x16xi32> to vector<16xi32>
      %add3A_1342 = vector.broadcast %mul3A_0 : i32 to vector<16xi32>
      %add3A_1343 = arith.addi %get3A_1341, %add3A_1342 : vector<16xi32>
      %swap3A = arith.index_cast %select_n3A : i32 to index
      %swap3A_1344 = arith.index_cast %mul3A_1338 : i32 to index
      %swap3A_1345 = tpu.vector_load %arg5[%swap3A, %swap3A_1344] {strides = array<i32>} : memref<16x128xi32, #tpu.memory_space<vmem>>, vector<1x16xi32>,
      %swap3A_1346 = vector.shape_cast %swap3A_1345 : vector<1x16xi32> to vector<16xi32>
      %swap3A_1347 = vector.shape_cast %add3A_1343 : vector<16xi32> to vector<1x16xi32>
      tpu.vector_store %arg5[%swap3A, %swap3A_1344], %swap3A_1347 {strides = array<i32>} : memref<16x128xi32, #tpu.memory_space<vmem>>, vector<1x16xi32>,
      %scan3A_1348 = arith.constant 0 : i32
      scf.yield %scan3A_1348 : i32
    }
    %scan3A_846 = arith.constant 128 : i32
    %dma_start3A_847 = arith.constant 0 : i32
    %dma_start3A_848 = arith.constant 0 : i32
    %dma_start3A_849 = tpu.memref_slice %arg5[%dma_start3A_847, %dma_start3A_848] : memref<16x128xi32, #tpu.memory_space<vmem>> -> memref<1x128xi32, #tpu.memory_space<vmem>>
    %dma_start3A_850 = tpu.memref_squeeze %dma_start3A_849 : memref<1x128xi32, #tpu.memory_space<vmem>> -> memref<128xi32, #tpu.memory_space<vmem>>
    %dma_start3A_851 = arith.constant 0 : i32
    %dma_start3A_852 = arith.constant 0 : i32
    %dma_start3A_853 = tpu.memref_slice %arg2[%dma_start3A_851, %dma_start3A_852] : memref<16384x128xf32, #tpu.memory_space<hbm>> -> memref<16384x128xf32, #tpu.memory_space<hbm>>
    tpu.enqueue_indirect_dma source(%dma_start3A_853 : memref<16384x128xf32, #tpu.memory_space<hbm>>) target(%arg7 : memref<128x128xf32, #tpu.memory_space<vmem>>) offsets(%dma_start3A_850 : memref<128xi32, #tpu.memory_space<vmem>>) semaphore(%arg10 : memref<!tpu.dma_semaphore, #tpu.memory_space<semaphore_mem>>)
    %dma_start3A_854 = arith.constant 1 : i32
    %dma_start3A_855 = arith.constant 0 : i32
    %dma_start3A_856 = tpu.memref_slice %arg5[%dma_start3A_854, %dma_start3A_855] : memref<16x128xi32, #tpu.memory_space<vmem>> -> memref<1x128xi32, #tpu.memory_space<vmem>>
    %dma_start3A_857 = tpu.memref_squeeze %dma_start3A_856 : memref<1x128xi32, #tpu.memory_space<vmem>> -> memref<128xi32, #tpu.memory_space<vmem>>
    %dma_start3A_858 = arith.constant 0 : i32
    %dma_start3A_859 = arith.constant 0 : i32
    %dma_start3A_860 = tpu.memref_slice %arg2[%dma_start3A_858, %dma_start3A_859] : memref<16384x128xf32, #tpu.memory_space<hbm>> -> memref<16384x128xf32, #tpu.memory_space<hbm>>
    tpu.enqueue_indirect_dma source(%dma_start3A_860 : memref<16384x128xf32, #tpu.memory_space<hbm>>) target(%arg8 : memref<128x128xf32, #tpu.memory_space<vmem>>) offsets(%dma_start3A_857 : memref<128xi32, #tpu.memory_space<vmem>>) semaphore(%arg11 : memref<!tpu.dma_semaphore, #tpu.memory_space<semaphore_mem>>)
    %dma_wait3A_861 = arith.constant 0 : i32
    %dma_wait3A_862 = tpu.memref_slice %arg14[%mul3A_6, %dma_wait3A_861] : memref<8192x128xf32, #tpu.memory_space<vmem_shared>> -> memref<512x128xf32, #tpu.memory_space<vmem_shared>>
    %dma_wait3A_863 = arith.constant 0 : i32
    %dma_wait3A_864 = tpu.memref_slice %arg2[%add3A, %dma_wait3A_863] : memref<16384x128xf32, #tpu.memory_space<hbm>> -> memref<512x128xf32, #tpu.memory_space<hbm>>
    tpu.wait_dma2 semaphore(%arg13 : memref<!tpu.dma_semaphore, #tpu.memory_space<semaphore_mem>>) src(%dma_wait3A_864 : memref<512x128xf32, #tpu.memory_space<hbm>>) dst(%dma_wait3A_862 : memref<512x128xf32, #tpu.memory_space<vmem_shared>>)
    %barrier3A = arith.constant 0 : index
    tpu.barrier barrier_id(%barrier3A)
    %dma_wait3A_865 = arith.constant 0 : i32
    %dma_wait3A_866 = arith.constant 0 : i32
    %dma_wait3A_867 = tpu.memref_slice %arg5[%dma_wait3A_865, %dma_wait3A_866] : memref<16x128xi32, #tpu.memory_space<vmem>> -> memref<1x128xi32, #tpu.memory_space<vmem>>
    %dma_wait3A_868 = tpu.memref_squeeze %dma_wait3A_867 : memref<1x128xi32, #tpu.memory_space<vmem>> -> memref<128xi32, #tpu.memory_space<vmem>>
    %dma_wait3A_869 = arith.constant 0 : i32
    %dma_wait3A_870 = arith.constant 0 : i32
    %dma_wait3A_871 = tpu.memref_slice %arg2[%dma_wait3A_869, %dma_wait3A_870] : memref<16384x128xf32, #tpu.memory_space<hbm>> -> memref<16384x128xf32, #tpu.memory_space<hbm>>
    tpu.wait_indirect_dma semaphore(%arg10 : memref<!tpu.dma_semaphore, #tpu.memory_space<semaphore_mem>>) src(%dma_wait3A_871 : memref<16384x128xf32, #tpu.memory_space<hbm>>) dst(%arg7 : memref<128x128xf32, #tpu.memory_space<vmem>>)
    %dma_start3A_872 = arith.constant 0 : i32
    %dma_start3A_873 = arith.constant 0 : i32
    %dma_start3A_874 = tpu.memref_slice %arg6[%dma_start3A_872, %dma_start3A_873] : memref<16x128xi32, #tpu.memory_space<vmem>> -> memref<1x128xi32, #tpu.memory_space<vmem>>
    %dma_start3A_875 = tpu.memref_squeeze %dma_start3A_874 : memref<1x128xi32, #tpu.memory_space<vmem>> -> memref<128xi32, #tpu.memory_space<vmem>>
    %dma_start3A_876 = arith.constant 0 : i32
    %dma_start3A_877 = arith.constant 0 : i32
    %dma_start3A_878 = tpu.memref_slice %arg14[%dma_start3A_876, %dma_start3A_877] : memref<8192x128xf32, #tpu.memory_space<vmem_shared>> -> memref<8192x128xf32, #tpu.memory_space<vmem_shared>>
    tpu.enqueue_indirect_dma source(%arg7 : memref<128x128xf32, #tpu.memory_space<vmem>>) target(%dma_start3A_878 : memref<8192x128xf32, #tpu.memory_space<vmem_shared>>) offsets(%dma_start3A_875 : memref<128xi32, #tpu.memory_space<vmem>>) semaphore(%arg12 : memref<!tpu.dma_semaphore, #tpu.memory_space<semaphore_mem>>) {add = true}
    %dma_start3A_879 = arith.constant 2 : i32
    %dma_start3A_880 = arith.constant 0 : i32
    %dma_start3A_881 = tpu.memref_slice %arg5[%dma_start3A_879, %dma_start3A_880] : memref<16x128xi32, #tpu.memory_space<vmem>> -> memref<1x128xi32, #tpu.memory_space<vmem>>
    %dma_start3A_882 = tpu.memref_squeeze %dma_start3A_881 : memref<1x128xi32, #tpu.memory_space<vmem>> -> memref<128xi32, #tpu.memory_space<vmem>>
    %dma_start3A_883 = arith.constant 0 : i32
    %dma_start3A_884 = arith.constant 0 : i32
    %dma_start3A_885 = tpu.memref_slice %arg2[%dma_start3A_883, %dma_start3A_884] : memref<16384x128xf32, #tpu.memory_space<hbm>> -> memref<16384x128xf32, #tpu.memory_space<hbm>>
    tpu.enqueue_indirect_dma source(%dma_start3A_885 : memref<16384x128xf32, #tpu.memory_space<hbm>>) target(%arg9 : memref<128x128xf32, #tpu.memory_space<vmem>>) offsets(%dma_start3A_882 : memref<128xi32, #tpu.memory_space<vmem>>) semaphore(%arg10 : memref<!tpu.dma_semaphore, #tpu.memory_space<semaphore_mem>>)
    %dma_wait3A_886 = arith.constant 1 : i32
    %dma_wait3A_887 = arith.constant 0 : i32
    %dma_wait3A_888 = tpu.memref_slice %arg5[%dma_wait3A_886, %dma_wait3A_887] : memref<16x128xi32, #tpu.memory_space<vmem>> -> memref<1x128xi32, #tpu.memory_space<vmem>>
    %dma_wait3A_889 = tpu.memref_squeeze %dma_wait3A_888 : memref<1x128xi32, #tpu.memory_space<vmem>> -> memref<128xi32, #tpu.memory_space<vmem>>
    %dma_wait3A_890 = arith.constant 0 : i32
    %dma_wait3A_891 = arith.constant 0 : i32
    %dma_wait3A_892 = tpu.memref_slice %arg2[%dma_wait3A_890, %dma_wait3A_891] : memref<16384x128xf32, #tpu.memory_space<hbm>> -> memref<16384x128xf32, #tpu.memory_space<hbm>>
    tpu.wait_indirect_dma semaphore(%arg11 : memref<!tpu.dma_semaphore, #tpu.memory_space<semaphore_mem>>) src(%dma_wait3A_892 : memref<16384x128xf32, #tpu.memory_space<hbm>>) dst(%arg8 : memref<128x128xf32, #tpu.memory_space<vmem>>)
    %dma_wait3A_893 = arith.constant 0 : i32
    %dma_wait3A_894 = arith.constant 0 : i32
    %dma_wait3A_895 = tpu.memref_slice %arg6[%dma_wait3A_893, %dma_wait3A_894] : memref<16x128xi32, #tpu.memory_space<vmem>> -> memref<1x128xi32, #tpu.memory_space<vmem>>
    %dma_wait3A_896 = tpu.memref_squeeze %dma_wait3A_895 : memref<1x128xi32, #tpu.memory_space<vmem>> -> memref<128xi32, #tpu.memory_space<vmem>>
    %dma_wait3A_897 = arith.constant 0 : i32
    %dma_wait3A_898 = arith.constant 0 : i32
    %dma_wait3A_899 = tpu.memref_slice %arg14[%dma_wait3A_897, %dma_wait3A_898] : memref<8192x128xf32, #tpu.memory_space<vmem_shared>> -> memref<8192x128xf32, #tpu.memory_space<vmem_shared>>
    tpu.wait_indirect_dma semaphore(%arg12 : memref<!tpu.dma_semaphore, #tpu.memory_space<semaphore_mem>>) src(%arg7 : memref<128x128xf32, #tpu.memory_space<vmem>>) dst(%dma_wait3A_899 : memref<8192x128xf32, #tpu.memory_space<vmem_shared>>)
    %dma_start3A_900 = arith.constant 1 : i32
    %dma_start3A_901 = arith.constant 0 : i32
    %dma_start3A_902 = tpu.memref_slice %arg6[%dma_start3A_900, %dma_start3A_901] : memref<16x128xi32, #tpu.memory_space<vmem>> -> memref<1x128xi32, #tpu.memory_space<vmem>>
    %dma_start3A_903 = tpu.memref_squeeze %dma_start3A_902 : memref<1x128xi32, #tpu.memory_space<vmem>> -> memref<128xi32, #tpu.memory_space<vmem>>
    %dma_start3A_904 = arith.constant 0 : i32
    %dma_start3A_905 = arith.constant 0 : i32
    %dma_start3A_906 = tpu.memref_slice %arg14[%dma_start3A_904, %dma_start3A_905] : memref<8192x128xf32, #tpu.memory_space<vmem_shared>> -> memref<8192x128xf32, #tpu.memory_space<vmem_shared>>
    tpu.enqueue_indirect_dma source(%arg8 : memref<128x128xf32, #tpu.memory_space<vmem>>) target(%dma_start3A_906 : memref<8192x128xf32, #tpu.memory_space<vmem_shared>>) offsets(%dma_start3A_903 : memref<128xi32, #tpu.memory_space<vmem>>) semaphore(%arg12 : memref<!tpu.dma_semaphore, #tpu.memory_space<semaphore_mem>>) {add = true}
    %dma_start3A_907 = arith.constant 3 : i32
    %dma_start3A_908 = arith.constant 0 : i32
    %dma_start3A_909 = tpu.memref_slice %arg5[%dma_start3A_907, %dma_start3A_908] : memref<16x128xi32, #tpu.memory_space<vmem>> -> memref<1x128xi32, #tpu.memory_space<vmem>>
    %dma_start3A_910 = tpu.memref_squeeze %dma_start3A_909 : memref<1x128xi32, #tpu.memory_space<vmem>> -> memref<128xi32, #tpu.memory_space<vmem>>
    %dma_start3A_911 = arith.constant 0 : i32
    %dma_start3A_912 = arith.constant 0 : i32
    %dma_start3A_913 = tpu.memref_slice %arg2[%dma_start3A_911, %dma_start3A_912] : memref<16384x128xf32, #tpu.memory_space<hbm>> -> memref<16384x128xf32, #tpu.memory_space<hbm>>
    tpu.enqueue_indirect_dma source(%dma_start3A_913 : memref<16384x128xf32, #tpu.memory_space<hbm>>) target(%arg7 : memref<128x128xf32, #tpu.memory_space<vmem>>) offsets(%dma_start3A_910 : memref<128xi32, #tpu.memory_space<vmem>>) semaphore(%arg11 : memref<!tpu.dma_semaphore, #tpu.memory_space<semaphore_mem>>)
    %dma_wait3A_914 = arith.constant 2 : i32
    %dma_wait3A_915 = arith.constant 0 : i32
    %dma_wait3A_916 = tpu.memref_slice %arg5[%dma_wait3A_914, %dma_wait3A_915] : memref<16x128xi32, #tpu.memory_space<vmem>> -> memref<1x128xi32, #tpu.memory_space<vmem>>
    %dma_wait3A_917 = tpu.memref_squeeze %dma_wait3A_916 : memref<1x128xi32, #tpu.memory_space<vmem>> -> memref<128xi32, #tpu.memory_space<vmem>>
    %dma_wait3A_918 = arith.constant 0 : i32
    %dma_wait3A_919 = arith.constant 0 : i32
    %dma_wait3A_920 = tpu.memref_slice %arg2[%dma_wait3A_918, %dma_wait3A_919] : memref<16384x128xf32, #tpu.memory_space<hbm>> -> memref<16384x128xf32, #tpu.memory_space<hbm>>
    tpu.wait_indirect_dma semaphore(%arg10 : memref<!tpu.dma_semaphore, #tpu.memory_space<semaphore_mem>>) src(%dma_wait3A_920 : memref<16384x128xf32, #tpu.memory_space<hbm>>) dst(%arg9 : memref<128x128xf32, #tpu.memory_space<vmem>>)
    %dma_wait3A_921 = arith.constant 1 : i32
    %dma_wait3A_922 = arith.constant 0 : i32
    %dma_wait3A_923 = tpu.memref_slice %arg6[%dma_wait3A_921, %dma_wait3A_922] : memref<16x128xi32, #tpu.memory_space<vmem>> -> memref<1x128xi32, #tpu.memory_space<vmem>>
    %dma_wait3A_924 = tpu.memref_squeeze %dma_wait3A_923 : memref<1x128xi32, #tpu.memory_space<vmem>> -> memref<128xi32, #tpu.memory_space<vmem>>
    %dma_wait3A_925 = arith.constant 0 : i32
    %dma_wait3A_926 = arith.constant 0 : i32
    %dma_wait3A_927 = tpu.memref_slice %arg14[%dma_wait3A_925, %dma_wait3A_926] : memref<8192x128xf32, #tpu.memory_space<vmem_shared>> -> memref<8192x128xf32, #tpu.memory_space<vmem_shared>>
    tpu.wait_indirect_dma semaphore(%arg12 : memref<!tpu.dma_semaphore, #tpu.memory_space<semaphore_mem>>) src(%arg8 : memref<128x128xf32, #tpu.memory_space<vmem>>) dst(%dma_wait3A_927 : memref<8192x128xf32, #tpu.memory_space<vmem_shared>>)
    %dma_start3A_928 = arith.constant 2 : i32
    %dma_start3A_929 = arith.constant 0 : i32
    %dma_start3A_930 = tpu.memref_slice %arg6[%dma_start3A_928, %dma_start3A_929] : memref<16x128xi32, #tpu.memory_space<vmem>> -> memref<1x128xi32, #tpu.memory_space<vmem>>
    %dma_start3A_931 = tpu.memref_squeeze %dma_start3A_930 : memref<1x128xi32, #tpu.memory_space<vmem>> -> memref<128xi32, #tpu.memory_space<vmem>>
    %dma_start3A_932 = arith.constant 0 : i32
    %dma_start3A_933 = arith.constant 0 : i32
    %dma_start3A_934 = tpu.memref_slice %arg14[%dma_start3A_932, %dma_start3A_933] : memref<8192x128xf32, #tpu.memory_space<vmem_shared>> -> memref<8192x128xf32, #tpu.memory_space<vmem_shared>>
    tpu.enqueue_indirect_dma source(%arg9 : memref<128x128xf32, #tpu.memory_space<vmem>>) target(%dma_start3A_934 : memref<8192x128xf32, #tpu.memory_space<vmem_shared>>) offsets(%dma_start3A_931 : memref<128xi32, #tpu.memory_space<vmem>>) semaphore(%arg12 : memref<!tpu.dma_semaphore, #tpu.memory_space<semaphore_mem>>) {add = true}
    %dma_start3A_935 = arith.constant 4 : i32
    %dma_start3A_936 = arith.constant 0 : i32
    %dma_start3A_937 = tpu.memref_slice %arg5[%dma_start3A_935, %dma_start3A_936] : memref<16x128xi32, #tpu.memory_space<vmem>> -> memref<1x128xi32, #tpu.memory_space<vmem>>
    %dma_start3A_938 = tpu.memref_squeeze %dma_start3A_937 : memref<1x128xi32, #tpu.memory_space<vmem>> -> memref<128xi32, #tpu.memory_space<vmem>>
    %dma_start3A_939 = arith.constant 0 : i32
    %dma_start3A_940 = arith.constant 0 : i32
    %dma_start3A_941 = tpu.memref_slice %arg2[%dma_start3A_939, %dma_start3A_940] : memref<16384x128xf32, #tpu.memory_space<hbm>> -> memref<16384x128xf32, #tpu.memory_space<hbm>>
    tpu.enqueue_indirect_dma source(%dma_start3A_941 : memref<16384x128xf32, #tpu.memory_space<hbm>>) target(%arg8 : memref<128x128xf32, #tpu.memory_space<vmem>>) offsets(%dma_start3A_938 : memref<128xi32, #tpu.memory_space<vmem>>) semaphore(%arg10 : memref<!tpu.dma_semaphore, #tpu.memory_space<semaphore_mem>>)
    %dma_wait3A_942 = arith.constant 3 : i32
    %dma_wait3A_943 = arith.constant 0 : i32
    %dma_wait3A_944 = tpu.memref_slice %arg5[%dma_wait3A_942, %dma_wait3A_943] : memref<16x128xi32, #tpu.memory_space<vmem>> -> memref<1x128xi32, #tpu.memory_space<vmem>>
    %dma_wait3A_945 = tpu.memref_squeeze %dma_wait3A_944 : memref<1x128xi32, #tpu.memory_space<vmem>> -> memref<128xi32, #tpu.memory_space<vmem>>
    %dma_wait3A_946 = arith.constant 0 : i32
    %dma_wait3A_947 = arith.constant 0 : i32
    %dma_wait3A_948 = tpu.memref_slice %arg2[%dma_wait3A_946, %dma_wait3A_947] : memref<16384x128xf32, #tpu.memory_space<hbm>> -> memref<16384x128xf32, #tpu.memory_space<hbm>>
    tpu.wait_indirect_dma semaphore(%arg11 : memref<!tpu.dma_semaphore, #tpu.memory_space<semaphore_mem>>) src(%dma_wait3A_948 : memref<16384x128xf32, #tpu.memory_space<hbm>>) dst(%arg7 : memref<128x128xf32, #tpu.memory_space<vmem>>)
    %dma_wait3A_949 = arith.constant 2 : i32
    %dma_wait3A_950 = arith.constant 0 : i32
    %dma_wait3A_951 = tpu.memref_slice %arg6[%dma_wait3A_949, %dma_wait3A_950] : memref<16x128xi32, #tpu.memory_space<vmem>> -> memref<1x128xi32, #tpu.memory_space<vmem>>
    %dma_wait3A_952 = tpu.memref_squeeze %dma_wait3A_951 : memref<1x128xi32, #tpu.memory_space<vmem>> -> memref<128xi32, #tpu.memory_space<vmem>>
    %dma_wait3A_953 = arith.constant 0 : i32
    %dma_wait3A_954 = arith.constant 0 : i32
    %dma_wait3A_955 = tpu.memref_slice %arg14[%dma_wait3A_953, %dma_wait3A_954] : memref<8192x128xf32, #tpu.memory_space<vmem_shared>> -> memref<8192x128xf32, #tpu.memory_space<vmem_shared>>
    tpu.wait_indirect_dma semaphore(%arg12 : memref<!tpu.dma_semaphore, #tpu.memory_space<semaphore_mem>>) src(%arg9 : memref<128x128xf32, #tpu.memory_space<vmem>>) dst(%dma_wait3A_955 : memref<8192x128xf32, #tpu.memory_space<vmem_shared>>)
    %dma_start3A_956 = arith.constant 3 : i32
    %dma_start3A_957 = arith.constant 0 : i32
    %dma_start3A_958 = tpu.memref_slice %arg6[%dma_start3A_956, %dma_start3A_957] : memref<16x128xi32, #tpu.memory_space<vmem>> -> memref<1x128xi32, #tpu.memory_space<vmem>>
    %dma_start3A_959 = tpu.memref_squeeze %dma_start3A_958 : memref<1x128xi32, #tpu.memory_space<vmem>> -> memref<128xi32, #tpu.memory_space<vmem>>
    %dma_start3A_960 = arith.constant 0 : i32
    %dma_start3A_961 = arith.constant 0 : i32
    %dma_start3A_962 = tpu.memref_slice %arg14[%dma_start3A_960, %dma_start3A_961] : memref<8192x128xf32, #tpu.memory_space<vmem_shared>> -> memref<8192x128xf32, #tpu.memory_space<vmem_shared>>
    tpu.enqueue_indirect_dma source(%arg7 : memref<128x128xf32, #tpu.memory_space<vmem>>) target(%dma_start3A_962 : memref<8192x128xf32, #tpu.memory_space<vmem_shared>>) offsets(%dma_start3A_959 : memref<128xi32, #tpu.memory_space<vmem>>) semaphore(%arg12 : memref<!tpu.dma_semaphore, #tpu.memory_space<semaphore_mem>>) {add = true}
    %dma_start3A_963 = arith.constant 5 : i32
    %dma_start3A_964 = arith.constant 0 : i32
    %dma_start3A_965 = tpu.memref_slice %arg5[%dma_start3A_963, %dma_start3A_964] : memref<16x128xi32, #tpu.memory_space<vmem>> -> memref<1x128xi32, #tpu.memory_space<vmem>>
    %dma_start3A_966 = tpu.memref_squeeze %dma_start3A_965 : memref<1x128xi32, #tpu.memory_space<vmem>> -> memref<128xi32, #tpu.memory_space<vmem>>
    %dma_start3A_967 = arith.constant 0 : i32
    %dma_start3A_968 = arith.constant 0 : i32
    %dma_start3A_969 = tpu.memref_slice %arg2[%dma_start3A_967, %dma_start3A_968] : memref<16384x128xf32, #tpu.memory_space<hbm>> -> memref<16384x128xf32, #tpu.memory_space<hbm>>
    tpu.enqueue_indirect_dma source(%dma_start3A_969 : memref<16384x128xf32, #tpu.memory_space<hbm>>) target(%arg9 : memref<128x128xf32, #tpu.memory_space<vmem>>) offsets(%dma_start3A_966 : memref<128xi32, #tpu.memory_space<vmem>>) semaphore(%arg11 : memref<!tpu.dma_semaphore, #tpu.memory_space<semaphore_mem>>)
    %dma_wait3A_970 = arith.constant 4 : i32
    %dma_wait3A_971 = arith.constant 0 : i32
    %dma_wait3A_972 = tpu.memref_slice %arg5[%dma_wait3A_970, %dma_wait3A_971] : memref<16x128xi32, #tpu.memory_space<vmem>> -> memref<1x128xi32, #tpu.memory_space<vmem>>
    %dma_wait3A_973 = tpu.memref_squeeze %dma_wait3A_972 : memref<1x128xi32, #tpu.memory_space<vmem>> -> memref<128xi32, #tpu.memory_space<vmem>>
    %dma_wait3A_974 = arith.constant 0 : i32
    %dma_wait3A_975 = arith.constant 0 : i32
    %dma_wait3A_976 = tpu.memref_slice %arg2[%dma_wait3A_974, %dma_wait3A_975] : memref<16384x128xf32, #tpu.memory_space<hbm>> -> memref<16384x128xf32, #tpu.memory_space<hbm>>
    tpu.wait_indirect_dma semaphore(%arg10 : memref<!tpu.dma_semaphore, #tpu.memory_space<semaphore_mem>>) src(%dma_wait3A_976 : memref<16384x128xf32, #tpu.memory_space<hbm>>) dst(%arg8 : memref<128x128xf32, #tpu.memory_space<vmem>>)
    %dma_wait3A_977 = arith.constant 3 : i32
    %dma_wait3A_978 = arith.constant 0 : i32
    %dma_wait3A_979 = tpu.memref_slice %arg6[%dma_wait3A_977, %dma_wait3A_978] : memref<16x128xi32, #tpu.memory_space<vmem>> -> memref<1x128xi32, #tpu.memory_space<vmem>>
    %dma_wait3A_980 = tpu.memref_squeeze %dma_wait3A_979 : memref<1x128xi32, #tpu.memory_space<vmem>> -> memref<128xi32, #tpu.memory_space<vmem>>
    %dma_wait3A_981 = arith.constant 0 : i32
    %dma_wait3A_982 = arith.constant 0 : i32
    %dma_wait3A_983 = tpu.memref_slice %arg14[%dma_wait3A_981, %dma_wait3A_982] : memref<8192x128xf32, #tpu.memory_space<vmem_shared>> -> memref<8192x128xf32, #tpu.memory_space<vmem_shared>>
    tpu.wait_indirect_dma semaphore(%arg12 : memref<!tpu.dma_semaphore, #tpu.memory_space<semaphore_mem>>) src(%arg7 : memref<128x128xf32, #tpu.memory_space<vmem>>) dst(%dma_wait3A_983 : memref<8192x128xf32, #tpu.memory_space<vmem_shared>>)
    %dma_start3A_984 = arith.constant 4 : i32
    %dma_start3A_985 = arith.constant 0 : i32
    %dma_start3A_986 = tpu.memref_slice %arg6[%dma_start3A_984, %dma_start3A_985] : memref<16x128xi32, #tpu.memory_space<vmem>> -> memref<1x128xi32, #tpu.memory_space<vmem>>
    %dma_start3A_987 = tpu.memref_squeeze %dma_start3A_986 : memref<1x128xi32, #tpu.memory_space<vmem>> -> memref<128xi32, #tpu.memory_space<vmem>>
    %dma_start3A_988 = arith.constant 0 : i32
    %dma_start3A_989 = arith.constant 0 : i32
    %dma_start3A_990 = tpu.memref_slice %arg14[%dma_start3A_988, %dma_start3A_989] : memref<8192x128xf32, #tpu.memory_space<vmem_shared>> -> memref<8192x128xf32, #tpu.memory_space<vmem_shared>>
    tpu.enqueue_indirect_dma source(%arg8 : memref<128x128xf32, #tpu.memory_space<vmem>>) target(%dma_start3A_990 : memref<8192x128xf32, #tpu.memory_space<vmem_shared>>) offsets(%dma_start3A_987 : memref<128xi32, #tpu.memory_space<vmem>>) semaphore(%arg12 : memref<!tpu.dma_semaphore, #tpu.memory_space<semaphore_mem>>) {add = true}
    %dma_start3A_991 = arith.constant 6 : i32
    %dma_start3A_992 = arith.constant 0 : i32
    %dma_start3A_993 = tpu.memref_slice %arg5[%dma_start3A_991, %dma_start3A_992] : memref<16x128xi32, #tpu.memory_space<vmem>> -> memref<1x128xi32, #tpu.memory_space<vmem>>
    %dma_start3A_994 = tpu.memref_squeeze %dma_start3A_993 : memref<1x128xi32, #tpu.memory_space<vmem>> -> memref<128xi32, #tpu.memory_space<vmem>>
    %dma_start3A_995 = arith.constant 0 : i32
    %dma_start3A_996 = arith.constant 0 : i32
    %dma_start3A_997 = tpu.memref_slice %arg2[%dma_start3A_995, %dma_start3A_996] : memref<16384x128xf32, #tpu.memory_space<hbm>> -> memref<16384x128xf32, #tpu.memory_space<hbm>>
    tpu.enqueue_indirect_dma source(%dma_start3A_997 : memref<16384x128xf32, #tpu.memory_space<hbm>>) target(%arg7 : memref<128x128xf32, #tpu.memory_space<vmem>>) offsets(%dma_start3A_994 : memref<128xi32, #tpu.memory_space<vmem>>) semaphore(%arg10 : memref<!tpu.dma_semaphore, #tpu.memory_space<semaphore_mem>>)
    %dma_wait3A_998 = arith.constant 5 : i32
    %dma_wait3A_999 = arith.constant 0 : i32
    %dma_wait3A_1000 = tpu.memref_slice %arg5[%dma_wait3A_998, %dma_wait3A_999] : memref<16x128xi32, #tpu.memory_space<vmem>> -> memref<1x128xi32, #tpu.memory_space<vmem>>
    %dma_wait3A_1001 = tpu.memref_squeeze %dma_wait3A_1000 : memref<1x128xi32, #tpu.memory_space<vmem>> -> memref<128xi32, #tpu.memory_space<vmem>>
    %dma_wait3A_1002 = arith.constant 0 : i32
    %dma_wait3A_1003 = arith.constant 0 : i32
    %dma_wait3A_1004 = tpu.memref_slice %arg2[%dma_wait3A_1002, %dma_wait3A_1003] : memref<16384x128xf32, #tpu.memory_space<hbm>> -> memref<16384x128xf32, #tpu.memory_space<hbm>>
    tpu.wait_indirect_dma semaphore(%arg11 : memref<!tpu.dma_semaphore, #tpu.memory_space<semaphore_mem>>) src(%dma_wait3A_1004 : memref<16384x128xf32, #tpu.memory_space<hbm>>) dst(%arg9 : memref<128x128xf32, #tpu.memory_space<vmem>>)
    %dma_wait3A_1005 = arith.constant 4 : i32
    %dma_wait3A_1006 = arith.constant 0 : i32
    %dma_wait3A_1007 = tpu.memref_slice %arg6[%dma_wait3A_1005, %dma_wait3A_1006] : memref<16x128xi32, #tpu.memory_space<vmem>> -> memref<1x128xi32, #tpu.memory_space<vmem>>
    %dma_wait3A_1008 = tpu.memref_squeeze %dma_wait3A_1007 : memref<1x128xi32, #tpu.memory_space<vmem>> -> memref<128xi32, #tpu.memory_space<vmem>>
    %dma_wait3A_1009 = arith.constant 0 : i32
    %dma_wait3A_1010 = arith.constant 0 : i32
    %dma_wait3A_1011 = tpu.memref_slice %arg14[%dma_wait3A_1009, %dma_wait3A_1010] : memref<8192x128xf32, #tpu.memory_space<vmem_shared>> -> memref<8192x128xf32, #tpu.memory_space<vmem_shared>>
    tpu.wait_indirect_dma semaphore(%arg12 : memref<!tpu.dma_semaphore, #tpu.memory_space<semaphore_mem>>) src(%arg8 : memref<128x128xf32, #tpu.memory_space<vmem>>) dst(%dma_wait3A_1011 : memref<8192x128xf32, #tpu.memory_space<vmem_shared>>)
    %dma_start3A_1012 = arith.constant 5 : i32
    %dma_start3A_1013 = arith.constant 0 : i32
    %dma_start3A_1014 = tpu.memref_slice %arg6[%dma_start3A_1012, %dma_start3A_1013] : memref<16x128xi32, #tpu.memory_space<vmem>> -> memref<1x128xi32, #tpu.memory_space<vmem>>
    %dma_start3A_1015 = tpu.memref_squeeze %dma_start3A_1014 : memref<1x128xi32, #tpu.memory_space<vmem>> -> memref<128xi32, #tpu.memory_space<vmem>>
    %dma_start3A_1016 = arith.constant 0 : i32
    %dma_start3A_1017 = arith.constant 0 : i32
    %dma_start3A_1018 = tpu.memref_slice %arg14[%dma_start3A_1016, %dma_start3A_1017] : memref<8192x128xf32, #tpu.memory_space<vmem_shared>> -> memref<8192x128xf32, #tpu.memory_space<vmem_shared>>
    tpu.enqueue_indirect_dma source(%arg9 : memref<128x128xf32, #tpu.memory_space<vmem>>) target(%dma_start3A_1018 : memref<8192x128xf32, #tpu.memory_space<vmem_shared>>) offsets(%dma_start3A_1015 : memref<128xi32, #tpu.memory_space<vmem>>) semaphore(%arg12 : memref<!tpu.dma_semaphore, #tpu.memory_space<semaphore_mem>>) {add = true}
    %dma_start3A_1019 = arith.constant 7 : i32
    %dma_start3A_1020 = arith.constant 0 : i32
    %dma_start3A_1021 = tpu.memref_slice %arg5[%dma_start3A_1019, %dma_start3A_1020] : memref<16x128xi32, #tpu.memory_space<vmem>> -> memref<1x128xi32, #tpu.memory_space<vmem>>
    %dma_start3A_1022 = tpu.memref_squeeze %dma_start3A_1021 : memref<1x128xi32, #tpu.memory_space<vmem>> -> memref<128xi32, #tpu.memory_space<vmem>>
    %dma_start3A_1023 = arith.constant 0 : i32
    %dma_start3A_1024 = arith.constant 0 : i32
    %dma_start3A_1025 = tpu.memref_slice %arg2[%dma_start3A_1023, %dma_start3A_1024] : memref<16384x128xf32, #tpu.memory_space<hbm>> -> memref<16384x128xf32, #tpu.memory_space<hbm>>
    tpu.enqueue_indirect_dma source(%dma_start3A_1025 : memref<16384x128xf32, #tpu.memory_space<hbm>>) target(%arg8 : memref<128x128xf32, #tpu.memory_space<vmem>>) offsets(%dma_start3A_1022 : memref<128xi32, #tpu.memory_space<vmem>>) semaphore(%arg11 : memref<!tpu.dma_semaphore, #tpu.memory_space<semaphore_mem>>)
    %dma_wait3A_1026 = arith.constant 6 : i32
    %dma_wait3A_1027 = arith.constant 0 : i32
    %dma_wait3A_1028 = tpu.memref_slice %arg5[%dma_wait3A_1026, %dma_wait3A_1027] : memref<16x128xi32, #tpu.memory_space<vmem>> -> memref<1x128xi32, #tpu.memory_space<vmem>>
    %dma_wait3A_1029 = tpu.memref_squeeze %dma_wait3A_1028 : memref<1x128xi32, #tpu.memory_space<vmem>> -> memref<128xi32, #tpu.memory_space<vmem>>
    %dma_wait3A_1030 = arith.constant 0 : i32
    %dma_wait3A_1031 = arith.constant 0 : i32
    %dma_wait3A_1032 = tpu.memref_slice %arg2[%dma_wait3A_1030, %dma_wait3A_1031] : memref<16384x128xf32, #tpu.memory_space<hbm>> -> memref<16384x128xf32, #tpu.memory_space<hbm>>
    tpu.wait_indirect_dma semaphore(%arg10 : memref<!tpu.dma_semaphore, #tpu.memory_space<semaphore_mem>>) src(%dma_wait3A_1032 : memref<16384x128xf32, #tpu.memory_space<hbm>>) dst(%arg7 : memref<128x128xf32, #tpu.memory_space<vmem>>)
    %dma_wait3A_1033 = arith.constant 5 : i32
    %dma_wait3A_1034 = arith.constant 0 : i32
    %dma_wait3A_1035 = tpu.memref_slice %arg6[%dma_wait3A_1033, %dma_wait3A_1034] : memref<16x128xi32, #tpu.memory_space<vmem>> -> memref<1x128xi32, #tpu.memory_space<vmem>>
    %dma_wait3A_1036 = tpu.memref_squeeze %dma_wait3A_1035 : memref<1x128xi32, #tpu.memory_space<vmem>> -> memref<128xi32, #tpu.memory_space<vmem>>
    %dma_wait3A_1037 = arith.constant 0 : i32
    %dma_wait3A_1038 = arith.constant 0 : i32
    %dma_wait3A_1039 = tpu.memref_slice %arg14[%dma_wait3A_1037, %dma_wait3A_1038] : memref<8192x128xf32, #tpu.memory_space<vmem_shared>> -> memref<8192x128xf32, #tpu.memory_space<vmem_shared>>
    tpu.wait_indirect_dma semaphore(%arg12 : memref<!tpu.dma_semaphore, #tpu.memory_space<semaphore_mem>>) src(%arg9 : memref<128x128xf32, #tpu.memory_space<vmem>>) dst(%dma_wait3A_1039 : memref<8192x128xf32, #tpu.memory_space<vmem_shared>>)
    %dma_start3A_1040 = arith.constant 6 : i32
    %dma_start3A_1041 = arith.constant 0 : i32
    %dma_start3A_1042 = tpu.memref_slice %arg6[%dma_start3A_1040, %dma_start3A_1041] : memref<16x128xi32, #tpu.memory_space<vmem>> -> memref<1x128xi32, #tpu.memory_space<vmem>>
    %dma_start3A_1043 = tpu.memref_squeeze %dma_start3A_1042 : memref<1x128xi32, #tpu.memory_space<vmem>> -> memref<128xi32, #tpu.memory_space<vmem>>
    %dma_start3A_1044 = arith.constant 0 : i32
    %dma_start3A_1045 = arith.constant 0 : i32
    %dma_start3A_1046 = tpu.memref_slice %arg14[%dma_start3A_1044, %dma_start3A_1045] : memref<8192x128xf32, #tpu.memory_space<vmem_shared>> -> memref<8192x128xf32, #tpu.memory_space<vmem_shared>>
    tpu.enqueue_indirect_dma source(%arg7 : memref<128x128xf32, #tpu.memory_space<vmem>>) target(%dma_start3A_1046 : memref<8192x128xf32, #tpu.memory_space<vmem_shared>>) offsets(%dma_start3A_1043 : memref<128xi32, #tpu.memory_space<vmem>>) semaphore(%arg12 : memref<!tpu.dma_semaphore, #tpu.memory_space<semaphore_mem>>) {add = true}
    %dma_start3A_1047 = arith.constant 8 : i32
    %dma_start3A_1048 = arith.constant 0 : i32
    %dma_start3A_1049 = tpu.memref_slice %arg5[%dma_start3A_1047, %dma_start3A_1048] : memref<16x128xi32, #tpu.memory_space<vmem>> -> memref<1x128xi32, #tpu.memory_space<vmem>>
    %dma_start3A_1050 = tpu.memref_squeeze %dma_start3A_1049 : memref<1x128xi32, #tpu.memory_space<vmem>> -> memref<128xi32, #tpu.memory_space<vmem>>
    %dma_start3A_1051 = arith.constant 0 : i32
    %dma_start3A_1052 = arith.constant 0 : i32
    %dma_start3A_1053 = tpu.memref_slice %arg2[%dma_start3A_1051, %dma_start3A_1052] : memref<16384x128xf32, #tpu.memory_space<hbm>> -> memref<16384x128xf32, #tpu.memory_space<hbm>>
    tpu.enqueue_indirect_dma source(%dma_start3A_1053 : memref<16384x128xf32, #tpu.memory_space<hbm>>) target(%arg9 : memref<128x128xf32, #tpu.memory_space<vmem>>) offsets(%dma_start3A_1050 : memref<128xi32, #tpu.memory_space<vmem>>) semaphore(%arg10 : memref<!tpu.dma_semaphore, #tpu.memory_space<semaphore_mem>>)
    %dma_wait3A_1054 = arith.constant 7 : i32
    %dma_wait3A_1055 = arith.constant 0 : i32
    %dma_wait3A_1056 = tpu.memref_slice %arg5[%dma_wait3A_1054, %dma_wait3A_1055] : memref<16x128xi32, #tpu.memory_space<vmem>> -> memref<1x128xi32, #tpu.memory_space<vmem>>
    %dma_wait3A_1057 = tpu.memref_squeeze %dma_wait3A_1056 : memref<1x128xi32, #tpu.memory_space<vmem>> -> memref<128xi32, #tpu.memory_space<vmem>>
    %dma_wait3A_1058 = arith.constant 0 : i32
    %dma_wait3A_1059 = arith.constant 0 : i32
    %dma_wait3A_1060 = tpu.memref_slice %arg2[%dma_wait3A_1058, %dma_wait3A_1059] : memref<16384x128xf32, #tpu.memory_space<hbm>> -> memref<16384x128xf32, #tpu.memory_space<hbm>>
    tpu.wait_indirect_dma semaphore(%arg11 : memref<!tpu.dma_semaphore, #tpu.memory_space<semaphore_mem>>) src(%dma_wait3A_1060 : memref<16384x128xf32, #tpu.memory_space<hbm>>) dst(%arg8 : memref<128x128xf32, #tpu.memory_space<vmem>>)
    %dma_wait3A_1061 = arith.constant 6 : i32
    %dma_wait3A_1062 = arith.constant 0 : i32
    %dma_wait3A_1063 = tpu.memref_slice %arg6[%dma_wait3A_1061, %dma_wait3A_1062] : memref<16x128xi32, #tpu.memory_space<vmem>> -> memref<1x128xi32, #tpu.memory_space<vmem>>
    %dma_wait3A_1064 = tpu.memref_squeeze %dma_wait3A_1063 : memref<1x128xi32, #tpu.memory_space<vmem>> -> memref<128xi32, #tpu.memory_space<vmem>>
    %dma_wait3A_1065 = arith.constant 0 : i32
    %dma_wait3A_1066 = arith.constant 0 : i32
    %dma_wait3A_1067 = tpu.memref_slice %arg14[%dma_wait3A_1065, %dma_wait3A_1066] : memref<8192x128xf32, #tpu.memory_space<vmem_shared>> -> memref<8192x128xf32, #tpu.memory_space<vmem_shared>>
    tpu.wait_indirect_dma semaphore(%arg12 : memref<!tpu.dma_semaphore, #tpu.memory_space<semaphore_mem>>) src(%arg7 : memref<128x128xf32, #tpu.memory_space<vmem>>) dst(%dma_wait3A_1067 : memref<8192x128xf32, #tpu.memory_space<vmem_shared>>)
    %dma_start3A_1068 = arith.constant 7 : i32
    %dma_start3A_1069 = arith.constant 0 : i32
    %dma_start3A_1070 = tpu.memref_slice %arg6[%dma_start3A_1068, %dma_start3A_1069] : memref<16x128xi32, #tpu.memory_space<vmem>> -> memref<1x128xi32, #tpu.memory_space<vmem>>
    %dma_start3A_1071 = tpu.memref_squeeze %dma_start3A_1070 : memref<1x128xi32, #tpu.memory_space<vmem>> -> memref<128xi32, #tpu.memory_space<vmem>>
    %dma_start3A_1072 = arith.constant 0 : i32
    %dma_start3A_1073 = arith.constant 0 : i32
    %dma_start3A_1074 = tpu.memref_slice %arg14[%dma_start3A_1072, %dma_start3A_1073] : memref<8192x128xf32, #tpu.memory_space<vmem_shared>> -> memref<8192x128xf32, #tpu.memory_space<vmem_shared>>
    tpu.enqueue_indirect_dma source(%arg8 : memref<128x128xf32, #tpu.memory_space<vmem>>) target(%dma_start3A_1074 : memref<8192x128xf32, #tpu.memory_space<vmem_shared>>) offsets(%dma_start3A_1071 : memref<128xi32, #tpu.memory_space<vmem>>) semaphore(%arg12 : memref<!tpu.dma_semaphore, #tpu.memory_space<semaphore_mem>>) {add = true}
    %dma_start3A_1075 = arith.constant 9 : i32
    %dma_start3A_1076 = arith.constant 0 : i32
    %dma_start3A_1077 = tpu.memref_slice %arg5[%dma_start3A_1075, %dma_start3A_1076] : memref<16x128xi32, #tpu.memory_space<vmem>> -> memref<1x128xi32, #tpu.memory_space<vmem>>
    %dma_start3A_1078 = tpu.memref_squeeze %dma_start3A_1077 : memref<1x128xi32, #tpu.memory_space<vmem>> -> memref<128xi32, #tpu.memory_space<vmem>>
    %dma_start3A_1079 = arith.constant 0 : i32
    %dma_start3A_1080 = arith.constant 0 : i32
    %dma_start3A_1081 = tpu.memref_slice %arg2[%dma_start3A_1079, %dma_start3A_1080] : memref<16384x128xf32, #tpu.memory_space<hbm>> -> memref<16384x128xf32, #tpu.memory_space<hbm>>
    tpu.enqueue_indirect_dma source(%dma_start3A_1081 : memref<16384x128xf32, #tpu.memory_space<hbm>>) target(%arg7 : memref<128x128xf32, #tpu.memory_space<vmem>>) offsets(%dma_start3A_1078 : memref<128xi32, #tpu.memory_space<vmem>>) semaphore(%arg11 : memref<!tpu.dma_semaphore, #tpu.memory_space<semaphore_mem>>)
    %dma_wait3A_1082 = arith.constant 8 : i32
    %dma_wait3A_1083 = arith.constant 0 : i32
    %dma_wait3A_1084 = tpu.memref_slice %arg5[%dma_wait3A_1082, %dma_wait3A_1083] : memref<16x128xi32, #tpu.memory_space<vmem>> -> memref<1x128xi32, #tpu.memory_space<vmem>>
    %dma_wait3A_1085 = tpu.memref_squeeze %dma_wait3A_1084 : memref<1x128xi32, #tpu.memory_space<vmem>> -> memref<128xi32, #tpu.memory_space<vmem>>
    %dma_wait3A_1086 = arith.constant 0 : i32
    %dma_wait3A_1087 = arith.constant 0 : i32
    %dma_wait3A_1088 = tpu.memref_slice %arg2[%dma_wait3A_1086, %dma_wait3A_1087] : memref<16384x128xf32, #tpu.memory_space<hbm>> -> memref<16384x128xf32, #tpu.memory_space<hbm>>
    tpu.wait_indirect_dma semaphore(%arg10 : memref<!tpu.dma_semaphore, #tpu.memory_space<semaphore_mem>>) src(%dma_wait3A_1088 : memref<16384x128xf32, #tpu.memory_space<hbm>>) dst(%arg9 : memref<128x128xf32, #tpu.memory_space<vmem>>)
    %dma_wait3A_1089 = arith.constant 7 : i32
    %dma_wait3A_1090 = arith.constant 0 : i32
    %dma_wait3A_1091 = tpu.memref_slice %arg6[%dma_wait3A_1089, %dma_wait3A_1090] : memref<16x128xi32, #tpu.memory_space<vmem>> -> memref<1x128xi32, #tpu.memory_space<vmem>>
    %dma_wait3A_1092 = tpu.memref_squeeze %dma_wait3A_1091 : memref<1x128xi32, #tpu.memory_space<vmem>> -> memref<128xi32, #tpu.memory_space<vmem>>
    %dma_wait3A_1093 = arith.constant 0 : i32
    %dma_wait3A_1094 = arith.constant 0 : i32
    %dma_wait3A_1095 = tpu.memref_slice %arg14[%dma_wait3A_1093, %dma_wait3A_1094] : memref<8192x128xf32, #tpu.memory_space<vmem_shared>> -> memref<8192x128xf32, #tpu.memory_space<vmem_shared>>
    tpu.wait_indirect_dma semaphore(%arg12 : memref<!tpu.dma_semaphore, #tpu.memory_space<semaphore_mem>>) src(%arg8 : memref<128x128xf32, #tpu.memory_space<vmem>>) dst(%dma_wait3A_1095 : memref<8192x128xf32, #tpu.memory_space<vmem_shared>>)
    %dma_start3A_1096 = arith.constant 8 : i32
    %dma_start3A_1097 = arith.constant 0 : i32
    %dma_start3A_1098 = tpu.memref_slice %arg6[%dma_start3A_1096, %dma_start3A_1097] : memref<16x128xi32, #tpu.memory_space<vmem>> -> memref<1x128xi32, #tpu.memory_space<vmem>>
    %dma_start3A_1099 = tpu.memref_squeeze %dma_start3A_1098 : memref<1x128xi32, #tpu.memory_space<vmem>> -> memref<128xi32, #tpu.memory_space<vmem>>
    %dma_start3A_1100 = arith.constant 0 : i32
    %dma_start3A_1101 = arith.constant 0 : i32
    %dma_start3A_1102 = tpu.memref_slice %arg14[%dma_start3A_1100, %dma_start3A_1101] : memref<8192x128xf32, #tpu.memory_space<vmem_shared>> -> memref<8192x128xf32, #tpu.memory_space<vmem_shared>>
    tpu.enqueue_indirect_dma source(%arg9 : memref<128x128xf32, #tpu.memory_space<vmem>>) target(%dma_start3A_1102 : memref<8192x128xf32, #tpu.memory_space<vmem_shared>>) offsets(%dma_start3A_1099 : memref<128xi32, #tpu.memory_space<vmem>>) semaphore(%arg12 : memref<!tpu.dma_semaphore, #tpu.memory_space<semaphore_mem>>) {add = true}
    %dma_start3A_1103 = arith.constant 10 : i32
    %dma_start3A_1104 = arith.constant 0 : i32
    %dma_start3A_1105 = tpu.memref_slice %arg5[%dma_start3A_1103, %dma_start3A_1104] : memref<16x128xi32, #tpu.memory_space<vmem>> -> memref<1x128xi32, #tpu.memory_space<vmem>>
    %dma_start3A_1106 = tpu.memref_squeeze %dma_start3A_1105 : memref<1x128xi32, #tpu.memory_space<vmem>> -> memref<128xi32, #tpu.memory_space<vmem>>
    %dma_start3A_1107 = arith.constant 0 : i32
    %dma_start3A_1108 = arith.constant 0 : i32
    %dma_start3A_1109 = tpu.memref_slice %arg2[%dma_start3A_1107, %dma_start3A_1108] : memref<16384x128xf32, #tpu.memory_space<hbm>> -> memref<16384x128xf32, #tpu.memory_space<hbm>>
    tpu.enqueue_indirect_dma source(%dma_start3A_1109 : memref<16384x128xf32, #tpu.memory_space<hbm>>) target(%arg8 : memref<128x128xf32, #tpu.memory_space<vmem>>) offsets(%dma_start3A_1106 : memref<128xi32, #tpu.memory_space<vmem>>) semaphore(%arg10 : memref<!tpu.dma_semaphore, #tpu.memory_space<semaphore_mem>>)
    %dma_wait3A_1110 = arith.constant 9 : i32
    %dma_wait3A_1111 = arith.constant 0 : i32
    %dma_wait3A_1112 = tpu.memref_slice %arg5[%dma_wait3A_1110, %dma_wait3A_1111] : memref<16x128xi32, #tpu.memory_space<vmem>> -> memref<1x128xi32, #tpu.memory_space<vmem>>
    %dma_wait3A_1113 = tpu.memref_squeeze %dma_wait3A_1112 : memref<1x128xi32, #tpu.memory_space<vmem>> -> memref<128xi32, #tpu.memory_space<vmem>>
    %dma_wait3A_1114 = arith.constant 0 : i32
    %dma_wait3A_1115 = arith.constant 0 : i32
    %dma_wait3A_1116 = tpu.memref_slice %arg2[%dma_wait3A_1114, %dma_wait3A_1115] : memref<16384x128xf32, #tpu.memory_space<hbm>> -> memref<16384x128xf32, #tpu.memory_space<hbm>>
    tpu.wait_indirect_dma semaphore(%arg11 : memref<!tpu.dma_semaphore, #tpu.memory_space<semaphore_mem>>) src(%dma_wait3A_1116 : memref<16384x128xf32, #tpu.memory_space<hbm>>) dst(%arg7 : memref<128x128xf32, #tpu.memory_space<vmem>>)
    %dma_wait3A_1117 = arith.constant 8 : i32
    %dma_wait3A_1118 = arith.constant 0 : i32
    %dma_wait3A_1119 = tpu.memref_slice %arg6[%dma_wait3A_1117, %dma_wait3A_1118] : memref<16x128xi32, #tpu.memory_space<vmem>> -> memref<1x128xi32, #tpu.memory_space<vmem>>
    %dma_wait3A_1120 = tpu.memref_squeeze %dma_wait3A_1119 : memref<1x128xi32, #tpu.memory_space<vmem>> -> memref<128xi32, #tpu.memory_space<vmem>>
    %dma_wait3A_1121 = arith.constant 0 : i32
    %dma_wait3A_1122 = arith.constant 0 : i32
    %dma_wait3A_1123 = tpu.memref_slice %arg14[%dma_wait3A_1121, %dma_wait3A_1122] : memref<8192x128xf32, #tpu.memory_space<vmem_shared>> -> memref<8192x128xf32, #tpu.memory_space<vmem_shared>>
    tpu.wait_indirect_dma semaphore(%arg12 : memref<!tpu.dma_semaphore, #tpu.memory_space<semaphore_mem>>) src(%arg9 : memref<128x128xf32, #tpu.memory_space<vmem>>) dst(%dma_wait3A_1123 : memref<8192x128xf32, #tpu.memory_space<vmem_shared>>)
    %dma_start3A_1124 = arith.constant 9 : i32
    %dma_start3A_1125 = arith.constant 0 : i32
    %dma_start3A_1126 = tpu.memref_slice %arg6[%dma_start3A_1124, %dma_start3A_1125] : memref<16x128xi32, #tpu.memory_space<vmem>> -> memref<1x128xi32, #tpu.memory_space<vmem>>
    %dma_start3A_1127 = tpu.memref_squeeze %dma_start3A_1126 : memref<1x128xi32, #tpu.memory_space<vmem>> -> memref<128xi32, #tpu.memory_space<vmem>>
    %dma_start3A_1128 = arith.constant 0 : i32
    %dma_start3A_1129 = arith.constant 0 : i32
    %dma_start3A_1130 = tpu.memref_slice %arg14[%dma_start3A_1128, %dma_start3A_1129] : memref<8192x128xf32, #tpu.memory_space<vmem_shared>> -> memref<8192x128xf32, #tpu.memory_space<vmem_shared>>
    tpu.enqueue_indirect_dma source(%arg7 : memref<128x128xf32, #tpu.memory_space<vmem>>) target(%dma_start3A_1130 : memref<8192x128xf32, #tpu.memory_space<vmem_shared>>) offsets(%dma_start3A_1127 : memref<128xi32, #tpu.memory_space<vmem>>) semaphore(%arg12 : memref<!tpu.dma_semaphore, #tpu.memory_space<semaphore_mem>>) {add = true}
    %dma_start3A_1131 = arith.constant 11 : i32
    %dma_start3A_1132 = arith.constant 0 : i32
    %dma_start3A_1133 = tpu.memref_slice %arg5[%dma_start3A_1131, %dma_start3A_1132] : memref<16x128xi32, #tpu.memory_space<vmem>> -> memref<1x128xi32, #tpu.memory_space<vmem>>
    %dma_start3A_1134 = tpu.memref_squeeze %dma_start3A_1133 : memref<1x128xi32, #tpu.memory_space<vmem>> -> memref<128xi32, #tpu.memory_space<vmem>>
    %dma_start3A_1135 = arith.constant 0 : i32
    %dma_start3A_1136 = arith.constant 0 : i32
    %dma_start3A_1137 = tpu.memref_slice %arg2[%dma_start3A_1135, %dma_start3A_1136] : memref<16384x128xf32, #tpu.memory_space<hbm>> -> memref<16384x128xf32, #tpu.memory_space<hbm>>
    tpu.enqueue_indirect_dma source(%dma_start3A_1137 : memref<16384x128xf32, #tpu.memory_space<hbm>>) target(%arg9 : memref<128x128xf32, #tpu.memory_space<vmem>>) offsets(%dma_start3A_1134 : memref<128xi32, #tpu.memory_space<vmem>>) semaphore(%arg11 : memref<!tpu.dma_semaphore, #tpu.memory_space<semaphore_mem>>)
    %dma_wait3A_1138 = arith.constant 10 : i32
    %dma_wait3A_1139 = arith.constant 0 : i32
    %dma_wait3A_1140 = tpu.memref_slice %arg5[%dma_wait3A_1138, %dma_wait3A_1139] : memref<16x128xi32, #tpu.memory_space<vmem>> -> memref<1x128xi32, #tpu.memory_space<vmem>>
    %dma_wait3A_1141 = tpu.memref_squeeze %dma_wait3A_1140 : memref<1x128xi32, #tpu.memory_space<vmem>> -> memref<128xi32, #tpu.memory_space<vmem>>
    %dma_wait3A_1142 = arith.constant 0 : i32
    %dma_wait3A_1143 = arith.constant 0 : i32
    %dma_wait3A_1144 = tpu.memref_slice %arg2[%dma_wait3A_1142, %dma_wait3A_1143] : memref<16384x128xf32, #tpu.memory_space<hbm>> -> memref<16384x128xf32, #tpu.memory_space<hbm>>
    tpu.wait_indirect_dma semaphore(%arg10 : memref<!tpu.dma_semaphore, #tpu.memory_space<semaphore_mem>>) src(%dma_wait3A_1144 : memref<16384x128xf32, #tpu.memory_space<hbm>>) dst(%arg8 : memref<128x128xf32, #tpu.memory_space<vmem>>)
    %dma_wait3A_1145 = arith.constant 9 : i32
    %dma_wait3A_1146 = arith.constant 0 : i32
    %dma_wait3A_1147 = tpu.memref_slice %arg6[%dma_wait3A_1145, %dma_wait3A_1146] : memref<16x128xi32, #tpu.memory_space<vmem>> -> memref<1x128xi32, #tpu.memory_space<vmem>>
    %dma_wait3A_1148 = tpu.memref_squeeze %dma_wait3A_1147 : memref<1x128xi32, #tpu.memory_space<vmem>> -> memref<128xi32, #tpu.memory_space<vmem>>
    %dma_wait3A_1149 = arith.constant 0 : i32
    %dma_wait3A_1150 = arith.constant 0 : i32
    %dma_wait3A_1151 = tpu.memref_slice %arg14[%dma_wait3A_1149, %dma_wait3A_1150] : memref<8192x128xf32, #tpu.memory_space<vmem_shared>> -> memref<8192x128xf32, #tpu.memory_space<vmem_shared>>
    tpu.wait_indirect_dma semaphore(%arg12 : memref<!tpu.dma_semaphore, #tpu.memory_space<semaphore_mem>>) src(%arg7 : memref<128x128xf32, #tpu.memory_space<vmem>>) dst(%dma_wait3A_1151 : memref<8192x128xf32, #tpu.memory_space<vmem_shared>>)
    %dma_start3A_1152 = arith.constant 10 : i32
    %dma_start3A_1153 = arith.constant 0 : i32
    %dma_start3A_1154 = tpu.memref_slice %arg6[%dma_start3A_1152, %dma_start3A_1153] : memref<16x128xi32, #tpu.memory_space<vmem>> -> memref<1x128xi32, #tpu.memory_space<vmem>>
    %dma_start3A_1155 = tpu.memref_squeeze %dma_start3A_1154 : memref<1x128xi32, #tpu.memory_space<vmem>> -> memref<128xi32, #tpu.memory_space<vmem>>
    %dma_start3A_1156 = arith.constant 0 : i32
    %dma_start3A_1157 = arith.constant 0 : i32
    %dma_start3A_1158 = tpu.memref_slice %arg14[%dma_start3A_1156, %dma_start3A_1157] : memref<8192x128xf32, #tpu.memory_space<vmem_shared>> -> memref<8192x128xf32, #tpu.memory_space<vmem_shared>>
    tpu.enqueue_indirect_dma source(%arg8 : memref<128x128xf32, #tpu.memory_space<vmem>>) target(%dma_start3A_1158 : memref<8192x128xf32, #tpu.memory_space<vmem_shared>>) offsets(%dma_start3A_1155 : memref<128xi32, #tpu.memory_space<vmem>>) semaphore(%arg12 : memref<!tpu.dma_semaphore, #tpu.memory_space<semaphore_mem>>) {add = true}
    %dma_start3A_1159 = arith.constant 12 : i32
    %dma_start3A_1160 = arith.constant 0 : i32
    %dma_start3A_1161 = tpu.memref_slice %arg5[%dma_start3A_1159, %dma_start3A_1160] : memref<16x128xi32, #tpu.memory_space<vmem>> -> memref<1x128xi32, #tpu.memory_space<vmem>>
    %dma_start3A_1162 = tpu.memref_squeeze %dma_start3A_1161 : memref<1x128xi32, #tpu.memory_space<vmem>> -> memref<128xi32, #tpu.memory_space<vmem>>
    %dma_start3A_1163 = arith.constant 0 : i32
    %dma_start3A_1164 = arith.constant 0 : i32
    %dma_start3A_1165 = tpu.memref_slice %arg2[%dma_start3A_1163, %dma_start3A_1164] : memref<16384x128xf32, #tpu.memory_space<hbm>> -> memref<16384x128xf32, #tpu.memory_space<hbm>>
    tpu.enqueue_indirect_dma source(%dma_start3A_1165 : memref<16384x128xf32, #tpu.memory_space<hbm>>) target(%arg7 : memref<128x128xf32, #tpu.memory_space<vmem>>) offsets(%dma_start3A_1162 : memref<128xi32, #tpu.memory_space<vmem>>) semaphore(%arg10 : memref<!tpu.dma_semaphore, #tpu.memory_space<semaphore_mem>>)
    %dma_wait3A_1166 = arith.constant 11 : i32
    %dma_wait3A_1167 = arith.constant 0 : i32
    %dma_wait3A_1168 = tpu.memref_slice %arg5[%dma_wait3A_1166, %dma_wait3A_1167] : memref<16x128xi32, #tpu.memory_space<vmem>> -> memref<1x128xi32, #tpu.memory_space<vmem>>
    %dma_wait3A_1169 = tpu.memref_squeeze %dma_wait3A_1168 : memref<1x128xi32, #tpu.memory_space<vmem>> -> memref<128xi32, #tpu.memory_space<vmem>>
    %dma_wait3A_1170 = arith.constant 0 : i32
    %dma_wait3A_1171 = arith.constant 0 : i32
    %dma_wait3A_1172 = tpu.memref_slice %arg2[%dma_wait3A_1170, %dma_wait3A_1171] : memref<16384x128xf32, #tpu.memory_space<hbm>> -> memref<16384x128xf32, #tpu.memory_space<hbm>>
    tpu.wait_indirect_dma semaphore(%arg11 : memref<!tpu.dma_semaphore, #tpu.memory_space<semaphore_mem>>) src(%dma_wait3A_1172 : memref<16384x128xf32, #tpu.memory_space<hbm>>) dst(%arg9 : memref<128x128xf32, #tpu.memory_space<vmem>>)
    %dma_wait3A_1173 = arith.constant 10 : i32
    %dma_wait3A_1174 = arith.constant 0 : i32
    %dma_wait3A_1175 = tpu.memref_slice %arg6[%dma_wait3A_1173, %dma_wait3A_1174] : memref<16x128xi32, #tpu.memory_space<vmem>> -> memref<1x128xi32, #tpu.memory_space<vmem>>
    %dma_wait3A_1176 = tpu.memref_squeeze %dma_wait3A_1175 : memref<1x128xi32, #tpu.memory_space<vmem>> -> memref<128xi32, #tpu.memory_space<vmem>>
    %dma_wait3A_1177 = arith.constant 0 : i32
    %dma_wait3A_1178 = arith.constant 0 : i32
    %dma_wait3A_1179 = tpu.memref_slice %arg14[%dma_wait3A_1177, %dma_wait3A_1178] : memref<8192x128xf32, #tpu.memory_space<vmem_shared>> -> memref<8192x128xf32, #tpu.memory_space<vmem_shared>>
    tpu.wait_indirect_dma semaphore(%arg12 : memref<!tpu.dma_semaphore, #tpu.memory_space<semaphore_mem>>) src(%arg8 : memref<128x128xf32, #tpu.memory_space<vmem>>) dst(%dma_wait3A_1179 : memref<8192x128xf32, #tpu.memory_space<vmem_shared>>)
    %dma_start3A_1180 = arith.constant 11 : i32
    %dma_start3A_1181 = arith.constant 0 : i32
    %dma_start3A_1182 = tpu.memref_slice %arg6[%dma_start3A_1180, %dma_start3A_1181] : memref<16x128xi32, #tpu.memory_space<vmem>> -> memref<1x128xi32, #tpu.memory_space<vmem>>
    %dma_start3A_1183 = tpu.memref_squeeze %dma_start3A_1182 : memref<1x128xi32, #tpu.memory_space<vmem>> -> memref<128xi32, #tpu.memory_space<vmem>>
    %dma_start3A_1184 = arith.constant 0 : i32
    %dma_start3A_1185 = arith.constant 0 : i32
    %dma_start3A_1186 = tpu.memref_slice %arg14[%dma_start3A_1184, %dma_start3A_1185] : memref<8192x128xf32, #tpu.memory_space<vmem_shared>> -> memref<8192x128xf32, #tpu.memory_space<vmem_shared>>
    tpu.enqueue_indirect_dma source(%arg9 : memref<128x128xf32, #tpu.memory_space<vmem>>) target(%dma_start3A_1186 : memref<8192x128xf32, #tpu.memory_space<vmem_shared>>) offsets(%dma_start3A_1183 : memref<128xi32, #tpu.memory_space<vmem>>) semaphore(%arg12 : memref<!tpu.dma_semaphore, #tpu.memory_space<semaphore_mem>>) {add = true}
    %dma_start3A_1187 = arith.constant 13 : i32
    %dma_start3A_1188 = arith.constant 0 : i32
    %dma_start3A_1189 = tpu.memref_slice %arg5[%dma_start3A_1187, %dma_start3A_1188] : memref<16x128xi32, #tpu.memory_space<vmem>> -> memref<1x128xi32, #tpu.memory_space<vmem>>
    %dma_start3A_1190 = tpu.memref_squeeze %dma_start3A_1189 : memref<1x128xi32, #tpu.memory_space<vmem>> -> memref<128xi32, #tpu.memory_space<vmem>>
    %dma_start3A_1191 = arith.constant 0 : i32
    %dma_start3A_1192 = arith.constant 0 : i32
    %dma_start3A_1193 = tpu.memref_slice %arg2[%dma_start3A_1191, %dma_start3A_1192] : memref<16384x128xf32, #tpu.memory_space<hbm>> -> memref<16384x128xf32, #tpu.memory_space<hbm>>
    tpu.enqueue_indirect_dma source(%dma_start3A_1193 : memref<16384x128xf32, #tpu.memory_space<hbm>>) target(%arg8 : memref<128x128xf32, #tpu.memory_space<vmem>>) offsets(%dma_start3A_1190 : memref<128xi32, #tpu.memory_space<vmem>>) semaphore(%arg11 : memref<!tpu.dma_semaphore, #tpu.memory_space<semaphore_mem>>)
    %dma_wait3A_1194 = arith.constant 12 : i32
    %dma_wait3A_1195 = arith.constant 0 : i32
    %dma_wait3A_1196 = tpu.memref_slice %arg5[%dma_wait3A_1194, %dma_wait3A_1195] : memref<16x128xi32, #tpu.memory_space<vmem>> -> memref<1x128xi32, #tpu.memory_space<vmem>>
    %dma_wait3A_1197 = tpu.memref_squeeze %dma_wait3A_1196 : memref<1x128xi32, #tpu.memory_space<vmem>> -> memref<128xi32, #tpu.memory_space<vmem>>
    %dma_wait3A_1198 = arith.constant 0 : i32
    %dma_wait3A_1199 = arith.constant 0 : i32
    %dma_wait3A_1200 = tpu.memref_slice %arg2[%dma_wait3A_1198, %dma_wait3A_1199] : memref<16384x128xf32, #tpu.memory_space<hbm>> -> memref<16384x128xf32, #tpu.memory_space<hbm>>
    tpu.wait_indirect_dma semaphore(%arg10 : memref<!tpu.dma_semaphore, #tpu.memory_space<semaphore_mem>>) src(%dma_wait3A_1200 : memref<16384x128xf32, #tpu.memory_space<hbm>>) dst(%arg7 : memref<128x128xf32, #tpu.memory_space<vmem>>)
    %dma_wait3A_1201 = arith.constant 11 : i32
    %dma_wait3A_1202 = arith.constant 0 : i32
    %dma_wait3A_1203 = tpu.memref_slice %arg6[%dma_wait3A_1201, %dma_wait3A_1202] : memref<16x128xi32, #tpu.memory_space<vmem>> -> memref<1x128xi32, #tpu.memory_space<vmem>>
    %dma_wait3A_1204 = tpu.memref_squeeze %dma_wait3A_1203 : memref<1x128xi32, #tpu.memory_space<vmem>> -> memref<128xi32, #tpu.memory_space<vmem>>
    %dma_wait3A_1205 = arith.constant 0 : i32
    %dma_wait3A_1206 = arith.constant 0 : i32
    %dma_wait3A_1207 = tpu.memref_slice %arg14[%dma_wait3A_1205, %dma_wait3A_1206] : memref<8192x128xf32, #tpu.memory_space<vmem_shared>> -> memref<8192x128xf32, #tpu.memory_space<vmem_shared>>
    tpu.wait_indirect_dma semaphore(%arg12 : memref<!tpu.dma_semaphore, #tpu.memory_space<semaphore_mem>>) src(%arg9 : memref<128x128xf32, #tpu.memory_space<vmem>>) dst(%dma_wait3A_1207 : memref<8192x128xf32, #tpu.memory_space<vmem_shared>>)
    %dma_start3A_1208 = arith.constant 12 : i32
    %dma_start3A_1209 = arith.constant 0 : i32
    %dma_start3A_1210 = tpu.memref_slice %arg6[%dma_start3A_1208, %dma_start3A_1209] : memref<16x128xi32, #tpu.memory_space<vmem>> -> memref<1x128xi32, #tpu.memory_space<vmem>>
    %dma_start3A_1211 = tpu.memref_squeeze %dma_start3A_1210 : memref<1x128xi32, #tpu.memory_space<vmem>> -> memref<128xi32, #tpu.memory_space<vmem>>
    %dma_start3A_1212 = arith.constant 0 : i32
    %dma_start3A_1213 = arith.constant 0 : i32
    %dma_start3A_1214 = tpu.memref_slice %arg14[%dma_start3A_1212, %dma_start3A_1213] : memref<8192x128xf32, #tpu.memory_space<vmem_shared>> -> memref<8192x128xf32, #tpu.memory_space<vmem_shared>>
    tpu.enqueue_indirect_dma source(%arg7 : memref<128x128xf32, #tpu.memory_space<vmem>>) target(%dma_start3A_1214 : memref<8192x128xf32, #tpu.memory_space<vmem_shared>>) offsets(%dma_start3A_1211 : memref<128xi32, #tpu.memory_space<vmem>>) semaphore(%arg12 : memref<!tpu.dma_semaphore, #tpu.memory_space<semaphore_mem>>) {add = true}
    %dma_start3A_1215 = arith.constant 14 : i32
    %dma_start3A_1216 = arith.constant 0 : i32
    %dma_start3A_1217 = tpu.memref_slice %arg5[%dma_start3A_1215, %dma_start3A_1216] : memref<16x128xi32, #tpu.memory_space<vmem>> -> memref<1x128xi32, #tpu.memory_space<vmem>>
    %dma_start3A_1218 = tpu.memref_squeeze %dma_start3A_1217 : memref<1x128xi32, #tpu.memory_space<vmem>> -> memref<128xi32, #tpu.memory_space<vmem>>
    %dma_start3A_1219 = arith.constant 0 : i32
    %dma_start3A_1220 = arith.constant 0 : i32
    %dma_start3A_1221 = tpu.memref_slice %arg2[%dma_start3A_1219, %dma_start3A_1220] : memref<16384x128xf32, #tpu.memory_space<hbm>> -> memref<16384x128xf32, #tpu.memory_space<hbm>>
    tpu.enqueue_indirect_dma source(%dma_start3A_1221 : memref<16384x128xf32, #tpu.memory_space<hbm>>) target(%arg9 : memref<128x128xf32, #tpu.memory_space<vmem>>) offsets(%dma_start3A_1218 : memref<128xi32, #tpu.memory_space<vmem>>) semaphore(%arg10 : memref<!tpu.dma_semaphore, #tpu.memory_space<semaphore_mem>>)
    %dma_wait3A_1222 = arith.constant 13 : i32
    %dma_wait3A_1223 = arith.constant 0 : i32
    %dma_wait3A_1224 = tpu.memref_slice %arg5[%dma_wait3A_1222, %dma_wait3A_1223] : memref<16x128xi32, #tpu.memory_space<vmem>> -> memref<1x128xi32, #tpu.memory_space<vmem>>
    %dma_wait3A_1225 = tpu.memref_squeeze %dma_wait3A_1224 : memref<1x128xi32, #tpu.memory_space<vmem>> -> memref<128xi32, #tpu.memory_space<vmem>>
    %dma_wait3A_1226 = arith.constant 0 : i32
    %dma_wait3A_1227 = arith.constant 0 : i32
    %dma_wait3A_1228 = tpu.memref_slice %arg2[%dma_wait3A_1226, %dma_wait3A_1227] : memref<16384x128xf32, #tpu.memory_space<hbm>> -> memref<16384x128xf32, #tpu.memory_space<hbm>>
    tpu.wait_indirect_dma semaphore(%arg11 : memref<!tpu.dma_semaphore, #tpu.memory_space<semaphore_mem>>) src(%dma_wait3A_1228 : memref<16384x128xf32, #tpu.memory_space<hbm>>) dst(%arg8 : memref<128x128xf32, #tpu.memory_space<vmem>>)
    %dma_wait3A_1229 = arith.constant 12 : i32
    %dma_wait3A_1230 = arith.constant 0 : i32
    %dma_wait3A_1231 = tpu.memref_slice %arg6[%dma_wait3A_1229, %dma_wait3A_1230] : memref<16x128xi32, #tpu.memory_space<vmem>> -> memref<1x128xi32, #tpu.memory_space<vmem>>
    %dma_wait3A_1232 = tpu.memref_squeeze %dma_wait3A_1231 : memref<1x128xi32, #tpu.memory_space<vmem>> -> memref<128xi32, #tpu.memory_space<vmem>>
    %dma_wait3A_1233 = arith.constant 0 : i32
    %dma_wait3A_1234 = arith.constant 0 : i32
    %dma_wait3A_1235 = tpu.memref_slice %arg14[%dma_wait3A_1233, %dma_wait3A_1234] : memref<8192x128xf32, #tpu.memory_space<vmem_shared>> -> memref<8192x128xf32, #tpu.memory_space<vmem_shared>>
    tpu.wait_indirect_dma semaphore(%arg12 : memref<!tpu.dma_semaphore, #tpu.memory_space<semaphore_mem>>) src(%arg7 : memref<128x128xf32, #tpu.memory_space<vmem>>) dst(%dma_wait3A_1235 : memref<8192x128xf32, #tpu.memory_space<vmem_shared>>)
    %dma_start3A_1236 = arith.constant 13 : i32
    %dma_start3A_1237 = arith.constant 0 : i32
    %dma_start3A_1238 = tpu.memref_slice %arg6[%dma_start3A_1236, %dma_start3A_1237] : memref<16x128xi32, #tpu.memory_space<vmem>> -> memref<1x128xi32, #tpu.memory_space<vmem>>
    %dma_start3A_1239 = tpu.memref_squeeze %dma_start3A_1238 : memref<1x128xi32, #tpu.memory_space<vmem>> -> memref<128xi32, #tpu.memory_space<vmem>>
    %dma_start3A_1240 = arith.constant 0 : i32
    %dma_start3A_1241 = arith.constant 0 : i32
    %dma_start3A_1242 = tpu.memref_slice %arg14[%dma_start3A_1240, %dma_start3A_1241] : memref<8192x128xf32, #tpu.memory_space<vmem_shared>> -> memref<8192x128xf32, #tpu.memory_space<vmem_shared>>
    tpu.enqueue_indirect_dma source(%arg8 : memref<128x128xf32, #tpu.memory_space<vmem>>) target(%dma_start3A_1242 : memref<8192x128xf32, #tpu.memory_space<vmem_shared>>) offsets(%dma_start3A_1239 : memref<128xi32, #tpu.memory_space<vmem>>) semaphore(%arg12 : memref<!tpu.dma_semaphore, #tpu.memory_space<semaphore_mem>>) {add = true}
    %dma_start3A_1243 = arith.constant 15 : i32
    %dma_start3A_1244 = arith.constant 0 : i32
    %dma_start3A_1245 = tpu.memref_slice %arg5[%dma_start3A_1243, %dma_start3A_1244] : memref<16x128xi32, #tpu.memory_space<vmem>> -> memref<1x128xi32, #tpu.memory_space<vmem>>
    %dma_start3A_1246 = tpu.memref_squeeze %dma_start3A_1245 : memref<1x128xi32, #tpu.memory_space<vmem>> -> memref<128xi32, #tpu.memory_space<vmem>>
    %dma_start3A_1247 = arith.constant 0 : i32
    %dma_start3A_1248 = arith.constant 0 : i32
    %dma_start3A_1249 = tpu.memref_slice %arg2[%dma_start3A_1247, %dma_start3A_1248] : memref<16384x128xf32, #tpu.memory_space<hbm>> -> memref<16384x128xf32, #tpu.memory_space<hbm>>
    tpu.enqueue_indirect_dma source(%dma_start3A_1249 : memref<16384x128xf32, #tpu.memory_space<hbm>>) target(%arg7 : memref<128x128xf32, #tpu.memory_space<vmem>>) offsets(%dma_start3A_1246 : memref<128xi32, #tpu.memory_space<vmem>>) semaphore(%arg11 : memref<!tpu.dma_semaphore, #tpu.memory_space<semaphore_mem>>)
    %dma_wait3A_1250 = arith.constant 14 : i32
    %dma_wait3A_1251 = arith.constant 0 : i32
    %dma_wait3A_1252 = tpu.memref_slice %arg5[%dma_wait3A_1250, %dma_wait3A_1251] : memref<16x128xi32, #tpu.memory_space<vmem>> -> memref<1x128xi32, #tpu.memory_space<vmem>>
    %dma_wait3A_1253 = tpu.memref_squeeze %dma_wait3A_1252 : memref<1x128xi32, #tpu.memory_space<vmem>> -> memref<128xi32, #tpu.memory_space<vmem>>
    %dma_wait3A_1254 = arith.constant 0 : i32
    %dma_wait3A_1255 = arith.constant 0 : i32
    %dma_wait3A_1256 = tpu.memref_slice %arg2[%dma_wait3A_1254, %dma_wait3A_1255] : memref<16384x128xf32, #tpu.memory_space<hbm>> -> memref<16384x128xf32, #tpu.memory_space<hbm>>
    tpu.wait_indirect_dma semaphore(%arg10 : memref<!tpu.dma_semaphore, #tpu.memory_space<semaphore_mem>>) src(%dma_wait3A_1256 : memref<16384x128xf32, #tpu.memory_space<hbm>>) dst(%arg9 : memref<128x128xf32, #tpu.memory_space<vmem>>)
    %dma_wait3A_1257 = arith.constant 13 : i32
    %dma_wait3A_1258 = arith.constant 0 : i32
    %dma_wait3A_1259 = tpu.memref_slice %arg6[%dma_wait3A_1257, %dma_wait3A_1258] : memref<16x128xi32, #tpu.memory_space<vmem>> -> memref<1x128xi32, #tpu.memory_space<vmem>>
    %dma_wait3A_1260 = tpu.memref_squeeze %dma_wait3A_1259 : memref<1x128xi32, #tpu.memory_space<vmem>> -> memref<128xi32, #tpu.memory_space<vmem>>
    %dma_wait3A_1261 = arith.constant 0 : i32
    %dma_wait3A_1262 = arith.constant 0 : i32
    %dma_wait3A_1263 = tpu.memref_slice %arg14[%dma_wait3A_1261, %dma_wait3A_1262] : memref<8192x128xf32, #tpu.memory_space<vmem_shared>> -> memref<8192x128xf32, #tpu.memory_space<vmem_shared>>
    tpu.wait_indirect_dma semaphore(%arg12 : memref<!tpu.dma_semaphore, #tpu.memory_space<semaphore_mem>>) src(%arg8 : memref<128x128xf32, #tpu.memory_space<vmem>>) dst(%dma_wait3A_1263 : memref<8192x128xf32, #tpu.memory_space<vmem_shared>>)
    %dma_start3A_1264 = arith.constant 14 : i32
    %dma_start3A_1265 = arith.constant 0 : i32
    %dma_start3A_1266 = tpu.memref_slice %arg6[%dma_start3A_1264, %dma_start3A_1265] : memref<16x128xi32, #tpu.memory_space<vmem>> -> memref<1x128xi32, #tpu.memory_space<vmem>>
    %dma_start3A_1267 = tpu.memref_squeeze %dma_start3A_1266 : memref<1x128xi32, #tpu.memory_space<vmem>> -> memref<128xi32, #tpu.memory_space<vmem>>
    %dma_start3A_1268 = arith.constant 0 : i32
    %dma_start3A_1269 = arith.constant 0 : i32
    %dma_start3A_1270 = tpu.memref_slice %arg14[%dma_start3A_1268, %dma_start3A_1269] : memref<8192x128xf32, #tpu.memory_space<vmem_shared>> -> memref<8192x128xf32, #tpu.memory_space<vmem_shared>>
    tpu.enqueue_indirect_dma source(%arg9 : memref<128x128xf32, #tpu.memory_space<vmem>>) target(%dma_start3A_1270 : memref<8192x128xf32, #tpu.memory_space<vmem_shared>>) offsets(%dma_start3A_1267 : memref<128xi32, #tpu.memory_space<vmem>>) semaphore(%arg12 : memref<!tpu.dma_semaphore, #tpu.memory_space<semaphore_mem>>) {add = true}
    %dma_wait3A_1271 = arith.constant 15 : i32
    %dma_wait3A_1272 = arith.constant 0 : i32
    %dma_wait3A_1273 = tpu.memref_slice %arg5[%dma_wait3A_1271, %dma_wait3A_1272] : memref<16x128xi32, #tpu.memory_space<vmem>> -> memref<1x128xi32, #tpu.memory_space<vmem>>
    %dma_wait3A_1274 = tpu.memref_squeeze %dma_wait3A_1273 : memref<1x128xi32, #tpu.memory_space<vmem>> -> memref<128xi32, #tpu.memory_space<vmem>>
    %dma_wait3A_1275 = arith.constant 0 : i32
    %dma_wait3A_1276 = arith.constant 0 : i32
    %dma_wait3A_1277 = tpu.memref_slice %arg2[%dma_wait3A_1275, %dma_wait3A_1276] : memref<16384x128xf32, #tpu.memory_space<hbm>> -> memref<16384x128xf32, #tpu.memory_space<hbm>>
    tpu.wait_indirect_dma semaphore(%arg11 : memref<!tpu.dma_semaphore, #tpu.memory_space<semaphore_mem>>) src(%dma_wait3A_1277 : memref<16384x128xf32, #tpu.memory_space<hbm>>) dst(%arg7 : memref<128x128xf32, #tpu.memory_space<vmem>>)
    %dma_wait3A_1278 = arith.constant 14 : i32
    %dma_wait3A_1279 = arith.constant 0 : i32
    %dma_wait3A_1280 = tpu.memref_slice %arg6[%dma_wait3A_1278, %dma_wait3A_1279] : memref<16x128xi32, #tpu.memory_space<vmem>> -> memref<1x128xi32, #tpu.memory_space<vmem>>
    %dma_wait3A_1281 = tpu.memref_squeeze %dma_wait3A_1280 : memref<1x128xi32, #tpu.memory_space<vmem>> -> memref<128xi32, #tpu.memory_space<vmem>>
    %dma_wait3A_1282 = arith.constant 0 : i32
    %dma_wait3A_1283 = arith.constant 0 : i32
    %dma_wait3A_1284 = tpu.memref_slice %arg14[%dma_wait3A_1282, %dma_wait3A_1283] : memref<8192x128xf32, #tpu.memory_space<vmem_shared>> -> memref<8192x128xf32, #tpu.memory_space<vmem_shared>>
    tpu.wait_indirect_dma semaphore(%arg12 : memref<!tpu.dma_semaphore, #tpu.memory_space<semaphore_mem>>) src(%arg9 : memref<128x128xf32, #tpu.memory_space<vmem>>) dst(%dma_wait3A_1284 : memref<8192x128xf32, #tpu.memory_space<vmem_shared>>)
    %dma_start3A_1285 = arith.constant 15 : i32
    %dma_start3A_1286 = arith.constant 0 : i32
    %dma_start3A_1287 = tpu.memref_slice %arg6[%dma_start3A_1285, %dma_start3A_1286] : memref<16x128xi32, #tpu.memory_space<vmem>> -> memref<1x128xi32, #tpu.memory_space<vmem>>
    %dma_start3A_1288 = tpu.memref_squeeze %dma_start3A_1287 : memref<1x128xi32, #tpu.memory_space<vmem>> -> memref<128xi32, #tpu.memory_space<vmem>>
    %dma_start3A_1289 = arith.constant 0 : i32
    %dma_start3A_1290 = arith.constant 0 : i32
    %dma_start3A_1291 = tpu.memref_slice %arg14[%dma_start3A_1289, %dma_start3A_1290] : memref<8192x128xf32, #tpu.memory_space<vmem_shared>> -> memref<8192x128xf32, #tpu.memory_space<vmem_shared>>
    tpu.enqueue_indirect_dma source(%arg7 : memref<128x128xf32, #tpu.memory_space<vmem>>) target(%dma_start3A_1291 : memref<8192x128xf32, #tpu.memory_space<vmem_shared>>) offsets(%dma_start3A_1288 : memref<128xi32, #tpu.memory_space<vmem>>) semaphore(%arg12 : memref<!tpu.dma_semaphore, #tpu.memory_space<semaphore_mem>>) {add = true}
    %dma_wait3A_1292 = arith.constant 15 : i32
    %dma_wait3A_1293 = arith.constant 0 : i32
    %dma_wait3A_1294 = tpu.memref_slice %arg6[%dma_wait3A_1292, %dma_wait3A_1293] : memref<16x128xi32, #tpu.memory_space<vmem>> -> memref<1x128xi32, #tpu.memory_space<vmem>>
    %dma_wait3A_1295 = tpu.memref_squeeze %dma_wait3A_1294 : memref<1x128xi32, #tpu.memory_space<vmem>> -> memref<128xi32, #tpu.memory_space<vmem>>
    %dma_wait3A_1296 = arith.constant 0 : i32
    %dma_wait3A_1297 = arith.constant 0 : i32
    %dma_wait3A_1298 = tpu.memref_slice %arg14[%dma_wait3A_1296, %dma_wait3A_1297] : memref<8192x128xf32, #tpu.memory_space<vmem_shared>> -> memref<8192x128xf32, #tpu.memory_space<vmem_shared>>
    tpu.wait_indirect_dma semaphore(%arg12 : memref<!tpu.dma_semaphore, #tpu.memory_space<semaphore_mem>>) src(%arg7 : memref<128x128xf32, #tpu.memory_space<vmem>>) dst(%dma_wait3A_1298 : memref<8192x128xf32, #tpu.memory_space<vmem_shared>>)
    %barrier3A_1299 = arith.constant 0 : index
    tpu.barrier barrier_id(%barrier3A_1299)
    %mul3A_1300 = arith.constant 512 : i32
    %mul3A_1301 = arith.muli %arg1, %mul3A_1300 : i32
    %mul3A_1302 = arith.constant 512 : i32
    %mul3A_1303 = arith.muli %arg1, %mul3A_1302 : i32
    %add3A_1304 = arith.addi %mul3A_0, %mul3A_1303 : i32
    "tpu.region"() ({
      %run_scoped3A = tpu.sem_alloc : memref<!tpu.dma_semaphore, #tpu.memory_space<semaphore_mem>>
      %dma_start3A_1305 = arith.constant 0 : i32
      %dma_start3A_1306 = tpu.memref_slice %arg4[%add3A_1304, %dma_start3A_1305] : memref<16384x128xf32, #tpu.memory_space<hbm>> -> memref<512x128xf32, #tpu.memory_space<hbm>>
      %dma_start3A_1307 = arith.constant 0 : i32
      %dma_start3A_1308 = tpu.memref_slice %arg14[%mul3A_1301, %dma_start3A_1307] : memref<8192x128xf32, #tpu.memory_space<vmem_shared>> -> memref<512x128xf32, #tpu.memory_space<vmem_shared>>
      tpu.enqueue_dma source(%dma_start3A_1308 : memref<512x128xf32, #tpu.memory_space<vmem_shared>>) target(%dma_start3A_1306 : memref<512x128xf32, #tpu.memory_space<hbm>>) target_semaphore(%run_scoped3A : memref<!tpu.dma_semaphore, #tpu.memory_space<semaphore_mem>>)
      %dma_wait3A_1309 = arith.constant 0 : i32
      %dma_wait3A_1310 = tpu.memref_slice %arg4[%add3A_1304, %dma_wait3A_1309] : memref<16384x128xf32, #tpu.memory_space<hbm>> -> memref<512x128xf32, #tpu.memory_space<hbm>>
      %dma_wait3A_1311 = arith.constant 0 : i32
      %dma_wait3A_1312 = tpu.memref_slice %arg14[%mul3A_1301, %dma_wait3A_1311] : memref<8192x128xf32, #tpu.memory_space<vmem_shared>> -> memref<512x128xf32, #tpu.memory_space<vmem_shared>>
      tpu.wait_dma2 semaphore(%run_scoped3A : memref<!tpu.dma_semaphore, #tpu.memory_space<semaphore_mem>>) src(%dma_wait3A_1312 : memref<512x128xf32, #tpu.memory_space<vmem_shared>>) dst(%dma_wait3A_1310 : memref<512x128xf32, #tpu.memory_space<hbm>>)
      tpu.yield
    }) : () -> ()
    return
  }
}

#map = affine_map<(d0, d1) -> (0, 0)>
module attributes {stable_mosaic.version = 14 : i64} {
  func.func @k(%arg0: i32, %arg1: i32, %arg2: memref<2x32768xi32, #tpu.memory_space<hbm>>, %arg3: memref<32x8192xf32, #tpu.memory_space<hbm>>, %arg4: memref<8192xf32, #tpu.memory_space<vmem>>, %arg5: memref<1024xi32, #tpu.memory_space<vmem>>) attributes {dimension_semantics = [#tpu.dimension_semantics<core_parallel>, #tpu.dimension_semantics<subcore_parallel>], iteration_bounds = array<i64: 2, 16>, scalar_prefetch = 0 : i64, scratch_operands = 2 : i64, tpu.core_type = #tpu.core_type<sc_vector_subcore>, window_params = [{transform_indices = #map}, {transform_indices = #map}]} {
    %mul3A = arith.constant 16 : i32
    %mul3A_0 = arith.muli %arg0, %mul3A : i32
    %add3A = arith.addi %mul3A_0, %arg1 : i32
    %scan3A = arith.constant 0 : i32
    %scan3A_1 = arith.constant 0 : i32
    %scan3A_2 = arith.constant 512 : i32
    %scan3A_3 = arith.addi %scan3A_1, %scan3A_2 : i32
    %scan3A_4 = arith.constant 1 : i32
    %scan3A_5 = scf.for %scan3A_17 = %scan3A_1 to %scan3A_3 step %scan3A_4 iter_args(%scan3A_18 = %scan3A) -> (i32)  : i32 {
      %broadcast_in_dim3A_19 = arith.constant 0.000000e+00 : f32
      %broadcast_in_dim3A_20 = vector.broadcast %broadcast_in_dim3A_19 : f32 to vector<16xf32>
      %mul3A_21 = arith.constant 16 : i32
      %mul3A_22 = arith.muli %scan3A_17, %mul3A_21 : i32
      %swap3A = arith.index_cast %mul3A_22 : i32 to index
      %swap3A_23 = tpu.vector_load %arg4[%swap3A] {strides = array<i32>} : memref<8192xf32, #tpu.memory_space<vmem>>, vector<16xf32>,
      tpu.vector_store %arg4[%swap3A], %broadcast_in_dim3A_20 {strides = array<i32>} : memref<8192xf32, #tpu.memory_space<vmem>>, vector<16xf32>,
      %scan3A_24 = arith.constant 0 : i32
      scf.yield %scan3A_24 : i32
    }
    %scan3A_6 = arith.constant 512 : i32
    %mul3A_7 = arith.constant 1024 : i32
    %mul3A_8 = arith.muli %add3A, %mul3A_7 : i32
    %run_scoped3A = arith.constant 1 : i32
    "tpu.region"() ({
      %run_scoped3A_17 = tpu.sem_alloc : memref<!tpu.dma_semaphore, #tpu.memory_space<semaphore_mem>>
      %dma_start3A = tpu.memref_slice %arg2[%run_scoped3A, %mul3A_8] : memref<2x32768xi32, #tpu.memory_space<hbm>> -> memref<1x1024xi32, #tpu.memory_space<hbm>>
      %dma_start3A_18 = tpu.memref_squeeze %dma_start3A : memref<1x1024xi32, #tpu.memory_space<hbm>> -> memref<1024xi32, #tpu.memory_space<hbm>>
      %dma_start3A_19 = tpu.memref_slice %arg2[%run_scoped3A, %mul3A_8] : memref<2x32768xi32, #tpu.memory_space<hbm>> -> memref<1x1024xi32, #tpu.memory_space<hbm>>
      %dma_start3A_20 = tpu.memref_squeeze %dma_start3A_19 : memref<1x1024xi32, #tpu.memory_space<hbm>> -> memref<1024xi32, #tpu.memory_space<hbm>>
      tpu.enqueue_dma source(%dma_start3A_20 : memref<1024xi32, #tpu.memory_space<hbm>>) target(%arg5 : memref<1024xi32, #tpu.memory_space<vmem>>) target_semaphore(%run_scoped3A_17 : memref<!tpu.dma_semaphore, #tpu.memory_space<semaphore_mem>>)
      %dma_wait3A = tpu.memref_slice %arg2[%run_scoped3A, %mul3A_8] : memref<2x32768xi32, #tpu.memory_space<hbm>> -> memref<1x1024xi32, #tpu.memory_space<hbm>>
      %dma_wait3A_21 = tpu.memref_squeeze %dma_wait3A : memref<1x1024xi32, #tpu.memory_space<hbm>> -> memref<1024xi32, #tpu.memory_space<hbm>>
      %dma_wait3A_22 = tpu.memref_slice %arg2[%run_scoped3A, %mul3A_8] : memref<2x32768xi32, #tpu.memory_space<hbm>> -> memref<1x1024xi32, #tpu.memory_space<hbm>>
      %dma_wait3A_23 = tpu.memref_squeeze %dma_wait3A_22 : memref<1x1024xi32, #tpu.memory_space<hbm>> -> memref<1024xi32, #tpu.memory_space<hbm>>
      tpu.wait_dma2 semaphore(%run_scoped3A_17 : memref<!tpu.dma_semaphore, #tpu.memory_space<semaphore_mem>>) src(%dma_wait3A_23 : memref<1024xi32, #tpu.memory_space<hbm>>) dst(%arg5 : memref<1024xi32, #tpu.memory_space<vmem>>)
      tpu.yield
    }) : () -> ()
    %broadcast_in_dim3A = arith.constant 1.000000e+00 : f32
    %broadcast_in_dim3A_9 = vector.broadcast %broadcast_in_dim3A : f32 to vector<16xf32>
    %scan3A_10 = arith.constant 0 : i32
    %scan3A_11 = arith.constant 0 : i32
    %scan3A_12 = arith.constant 64 : i32
    %scan3A_13 = arith.addi %scan3A_11, %scan3A_12 : i32
    %scan3A_14 = arith.constant 1 : i32
    %scan3A_15 = scf.for %scan3A_17 = %scan3A_11 to %scan3A_13 step %scan3A_14 iter_args(%scan3A_18 = %scan3A_10) -> (i32)  : i32 {
      %mul3A_19 = arith.constant 16 : i32
      %mul3A_20 = arith.muli %scan3A_17, %mul3A_19 : i32
      %get3A = arith.index_cast %mul3A_20 : i32 to index
      %get3A_21 = tpu.vector_load %arg5[%get3A] {strides = array<i32>} : memref<1024xi32, #tpu.memory_space<vmem>>, vector<16xi32>,
      tpu.vector_store_idx %arg4[%get3A_21], %broadcast_in_dim3A_9 {add = true} : memref<8192xf32, #tpu.memory_space<vmem>>[vector<16xi32>], vector<16xf32>,
      %scan3A_22 = arith.constant 0 : i32
      scf.yield %scan3A_22 : i32
    }
    %scan3A_16 = arith.constant 64 : i32
    "tpu.region"() ({
      %run_scoped3A_17 = tpu.sem_alloc : memref<!tpu.dma_semaphore, #tpu.memory_space<semaphore_mem>>
      %dma_start3A = arith.constant 0 : i32
      %dma_start3A_18 = tpu.memref_slice %arg3[%add3A, %dma_start3A] : memref<32x8192xf32, #tpu.memory_space<hbm>> -> memref<1x8192xf32, #tpu.memory_space<hbm>>
      %dma_start3A_19 = tpu.memref_squeeze %dma_start3A_18 : memref<1x8192xf32, #tpu.memory_space<hbm>> -> memref<8192xf32, #tpu.memory_space<hbm>>
      %dma_start3A_20 = arith.constant 0 : i32
      %dma_start3A_21 = tpu.memref_slice %arg3[%add3A, %dma_start3A_20] : memref<32x8192xf32, #tpu.memory_space<hbm>> -> memref<1x8192xf32, #tpu.memory_space<hbm>>
      %dma_start3A_22 = tpu.memref_squeeze %dma_start3A_21 : memref<1x8192xf32, #tpu.memory_space<hbm>> -> memref<8192xf32, #tpu.memory_space<hbm>>
      tpu.enqueue_dma source(%arg4 : memref<8192xf32, #tpu.memory_space<vmem>>) target(%dma_start3A_22 : memref<8192xf32, #tpu.memory_space<hbm>>) target_semaphore(%run_scoped3A_17 : memref<!tpu.dma_semaphore, #tpu.memory_space<semaphore_mem>>)
      %dma_wait3A = arith.constant 0 : i32
      %dma_wait3A_23 = tpu.memref_slice %arg3[%add3A, %dma_wait3A] : memref<32x8192xf32, #tpu.memory_space<hbm>> -> memref<1x8192xf32, #tpu.memory_space<hbm>>
      %dma_wait3A_24 = tpu.memref_squeeze %dma_wait3A_23 : memref<1x8192xf32, #tpu.memory_space<hbm>> -> memref<8192xf32, #tpu.memory_space<hbm>>
      %dma_wait3A_25 = arith.constant 0 : i32
      %dma_wait3A_26 = tpu.memref_slice %arg3[%add3A, %dma_wait3A_25] : memref<32x8192xf32, #tpu.memory_space<hbm>> -> memref<1x8192xf32, #tpu.memory_space<hbm>>
      %dma_wait3A_27 = tpu.memref_squeeze %dma_wait3A_26 : memref<1x8192xf32, #tpu.memory_space<hbm>> -> memref<8192xf32, #tpu.memory_space<hbm>>
      tpu.wait_dma2 semaphore(%run_scoped3A_17 : memref<!tpu.dma_semaphore, #tpu.memory_space<semaphore_mem>>) src(%arg4 : memref<8192xf32, #tpu.memory_space<vmem>>) dst(%dma_wait3A_27 : memref<8192xf32, #tpu.memory_space<hbm>>)
      tpu.yield
    }) : () -> ()
    return
  }
}

module attributes {stable_mosaic.version = 14 : i64} {
  func.func @body(%arg0: i32, %arg1: memref<1024x2048xf32, #tpu.memory_space<vmem>>, %arg2: memref<2048x256xf32, #tpu.memory_space<vmem>>, %arg3: memref<2x1024x128xf32, #tpu.memory_space<vmem>>) attributes {dimension_semantics = [#tpu.dimension_semantics<arbitrary>], iteration_bounds = array<i64: 3>, scalar_prefetch = 0 : i64, scratch_operands = 0 : i64, tpu.core_type = #tpu.core_type<tc>, window_params = [{transform_indices = @transform_0, window_bounds = array<i64: 1024, 2048>}, {pipeline_mode = #tpu.pipeline_mode<synchronous>, transform_indices = @transform_1, window_bounds = array<i64: 2048, 256>}, {transform_indices = @transform_2, window_bounds = array<i64: 2, 1024, 128>}]} {
    %get3A = arith.constant 0 : index
    %get3A_0 = arith.constant 0 : index
    %get3A_1 = vector.load %arg1[%get3A, %get3A_0] : memref<1024x2048xf32, #tpu.memory_space<vmem>>, vector<1024x2048xf32>
    %get3A_2 = arith.constant 0 : index
    %get3A_3 = arith.constant 0 : index
    %get3A_4 = vector.load %arg2[%get3A_2, %get3A_3] : memref<2048x256xf32, #tpu.memory_space<vmem>>, vector<2048x256xf32>
    %dot_general3A = arith.constant dense<0.000000e+00> : vector<1024x256xf32>
    %dot_general3A_5 = tpu.matmul %get3A_1, %get3A_4, %dot_general3A {dimension_numbers = #tpu.dot_dimension_numbers<[1], [0], [0], [1], [0, 0, 1, 1], [], []>, transpose_lhs_hint = false} : vector<1024x2048xf32>, vector<2048x256xf32>, vector<1024x256xf32> -> vector<1024x256xf32>
    %slice3A = vector.extract_strided_slice %dot_general3A_5 {offsets = [0, 0], sizes = [1024, 128], strides = [1, 1]} : vector<1024x256xf32> to vector<1024x128xf32>
    %swap3A = arith.constant 0 : index
    %swap3A_6 = arith.constant 0 : index
    %swap3A_7 = arith.constant 0 : index
    %swap3A_8 = vector.load %arg3[%swap3A, %swap3A_6, %swap3A_7] : memref<2x1024x128xf32, #tpu.memory_space<vmem>>, vector<1x1024x128xf32>
    %swap3A_9 = vector.shape_cast %swap3A_8 : vector<1x1024x128xf32> to vector<1024x128xf32>
    %swap3A_10 = vector.shape_cast %slice3A : vector<1024x128xf32> to vector<1x1024x128xf32>
    tpu.vector_store %arg3[%swap3A, %swap3A_6, %swap3A_7], %swap3A_10 {strides = array<i32>} : memref<2x1024x128xf32, #tpu.memory_space<vmem>>, vector<1x1024x128xf32>,
    %slice3A_11 = vector.extract_strided_slice %dot_general3A_5 {offsets = [0, 128], sizes = [1024, 128], strides = [1, 1]} : vector<1024x256xf32> to vector<1024x128xf32>
    %swap3A_12 = arith.constant 1 : index
    %swap3A_13 = arith.constant 0 : index
    %swap3A_14 = arith.constant 0 : index
    %swap3A_15 = vector.load %arg3[%swap3A_12, %swap3A_13, %swap3A_14] : memref<2x1024x128xf32, #tpu.memory_space<vmem>>, vector<1x1024x128xf32>
    %swap3A_16 = vector.shape_cast %swap3A_15 : vector<1x1024x128xf32> to vector<1024x128xf32>
    %swap3A_17 = vector.shape_cast %slice3A_11 : vector<1024x128xf32> to vector<1x1024x128xf32>
    tpu.vector_store %arg3[%swap3A_12, %swap3A_13, %swap3A_14], %swap3A_17 {strides = array<i32>} : memref<2x1024x128xf32, #tpu.memory_space<vmem>>, vector<1x1024x128xf32>,
    return
  }
  func.func @transform_0(%arg0: i32) -> (i32, i32) {
    %add3A = arith.constant 5 : i32
    %add3A_0 = arith.addi %add3A, %arg0 : i32
    %c0_i32 = arith.constant 0 : i32
    %c0_i32_1 = arith.constant 0 : i32
    return %add3A_0, %c0_i32 : i32, i32
  }
  func.func @transform_1(%arg0: i32) -> (i32, i32) {
    %c0_i32 = arith.constant 0 : i32
    %c0_i32_0 = arith.constant 0 : i32
    %c0_i32_1 = arith.constant 0 : i32
    return %c0_i32, %c0_i32_0 : i32, i32
  }
  func.func @transform_2(%arg0: i32) -> (i32, i32, i32) {
    %c0_i32 = arith.constant 0 : i32
    %c0_i32_0 = arith.constant 0 : i32
    %c0_i32_1 = arith.constant 0 : i32
    return %c0_i32, %arg0, %c0_i32_0 : i32, i32, i32
  }
}

module attributes {stable_mosaic.version = 14 : i64} {
  func.func @body(%arg0: i32, %arg1: memref<1024x2048xf32, #tpu.memory_space<vmem>>, %arg2: memref<2048x256xf32, #tpu.memory_space<vmem>>, %arg3: memref<32x1024xf32, #tpu.memory_space<vmem>>, %arg4: memref<2x1024x128xf32, #tpu.memory_space<vmem>>, %arg5: memref<2x1024x128xf32, #tpu.memory_space<vmem>>) attributes {dimension_semantics = [#tpu.dimension_semantics<arbitrary>], iteration_bounds = array<i64: 8>, scalar_prefetch = 0 : i64, scratch_operands = 0 : i64, tpu.core_type = #tpu.core_type<tc>, window_params = [{transform_indices = @transform_0, window_bounds = array<i64: 1024, 2048>}, {pipeline_mode = #tpu.pipeline_mode<synchronous>, transform_indices = @transform_1, window_bounds = array<i64: 2048, 256>}, {transform_indices = @transform_2, window_bounds = array<i64: 32, 1024>}, {transform_indices = @transform_3, window_bounds = array<i64: 2, 1024, 128>}, {transform_indices = @transform_4, window_bounds = array<i64: 2, 1024, 128>}]} {
    %get3A = arith.constant 0 : index
    %get3A_0 = arith.constant 0 : index
    %get3A_1 = vector.load %arg3[%get3A, %get3A_0] : memref<32x1024xf32, #tpu.memory_space<vmem>>, vector<32x1024xf32>
    %reduce_sum3A = arith.constant dense<0.000000e+00> : vector<1024xf32>
    %reduce_sum3A_2 = vector.multi_reduction <add>, %get3A_1, %reduce_sum3A [0] : vector<32x1024xf32> to vector<1024xf32>
    %add3A = arith.constant 1.000000e+00 : f32
    %add3A_3 = vector.broadcast %add3A : f32 to vector<1024xf32>
    %add3A_4 = arith.addf %reduce_sum3A_2, %add3A_3 : vector<1024xf32>
    %rsqrt3A = math.rsqrt %add3A_4 : vector<1024xf32>
    %broadcast_in_dim3A = vector.shape_cast %rsqrt3A : vector<1024xf32> to vector<1024x1xf32>
    %lt3A = arith.constant 5 : i32
    %lt3A_5 = arith.cmpi slt, %arg0, %lt3A : i32
    %convert_element_type3A = arith.extui %lt3A_5 : i1 to i32
    %cond3A = arith.constant 0 : i32
    %cond3A_6 = arith.cmpi ne, %convert_element_type3A, %cond3A : i32
    scf.if %cond3A_6 {
      %get3A_11 = arith.constant 0 : index
      %get3A_12 = arith.constant 0 : index
      %get3A_13 = vector.load %arg1[%get3A_11, %get3A_12] : memref<1024x2048xf32, #tpu.memory_space<vmem>>, vector<1024x2048xf32>
      %get3A_14 = arith.constant 0 : index
      %get3A_15 = arith.constant 0 : index
      %get3A_16 = vector.load %arg2[%get3A_14, %get3A_15] : memref<2048x256xf32, #tpu.memory_space<vmem>>, vector<2048x256xf32>
      %dot_general3A = arith.constant dense<0.000000e+00> : vector<1024x256xf32>
      %dot_general3A_17 = tpu.matmul %get3A_13, %get3A_16, %dot_general3A {dimension_numbers = #tpu.dot_dimension_numbers<[1], [0], [0], [1], [0, 0, 1, 1], [], []>, transpose_lhs_hint = false} : vector<1024x2048xf32>, vector<2048x256xf32>, vector<1024x256xf32> -> vector<1024x256xf32>
      %slice3A = vector.extract_strided_slice %dot_general3A_17 {offsets = [0, 0], sizes = [1024, 128], strides = [1, 1]} : vector<1024x256xf32> to vector<1024x128xf32>
      %mul3A = vector.broadcast %broadcast_in_dim3A : vector<1024x1xf32> to vector<1024x128xf32>
      %mul3A_18 = arith.mulf %slice3A, %mul3A : vector<1024x128xf32>
      %swap3A = arith.constant 0 : index
      %swap3A_19 = arith.constant 0 : index
      %swap3A_20 = arith.constant 0 : index
      %swap3A_21 = vector.load %arg5[%swap3A, %swap3A_19, %swap3A_20] : memref<2x1024x128xf32, #tpu.memory_space<vmem>>, vector<1x1024x128xf32>
      %swap3A_22 = vector.shape_cast %swap3A_21 : vector<1x1024x128xf32> to vector<1024x128xf32>
      %swap3A_23 = vector.shape_cast %mul3A_18 : vector<1024x128xf32> to vector<1x1024x128xf32>
      tpu.vector_store %arg5[%swap3A, %swap3A_19, %swap3A_20], %swap3A_23 {strides = array<i32>} : memref<2x1024x128xf32, #tpu.memory_space<vmem>>, vector<1x1024x128xf32>,
      %slice3A_24 = vector.extract_strided_slice %dot_general3A_17 {offsets = [0, 128], sizes = [1024, 128], strides = [1, 1]} : vector<1024x256xf32> to vector<1024x128xf32>
      %mul3A_25 = vector.broadcast %broadcast_in_dim3A : vector<1024x1xf32> to vector<1024x128xf32>
      %mul3A_26 = arith.mulf %slice3A_24, %mul3A_25 : vector<1024x128xf32>
      %swap3A_27 = arith.constant 1 : index
      %swap3A_28 = arith.constant 0 : index
      %swap3A_29 = arith.constant 0 : index
      %swap3A_30 = vector.load %arg5[%swap3A_27, %swap3A_28, %swap3A_29] : memref<2x1024x128xf32, #tpu.memory_space<vmem>>, vector<1x1024x128xf32>
      %swap3A_31 = vector.shape_cast %swap3A_30 : vector<1x1024x128xf32> to vector<1024x128xf32>
      %swap3A_32 = vector.shape_cast %mul3A_26 : vector<1024x128xf32> to vector<1x1024x128xf32>
      tpu.vector_store %arg5[%swap3A_27, %swap3A_28, %swap3A_29], %swap3A_32 {strides = array<i32>} : memref<2x1024x128xf32, #tpu.memory_space<vmem>>, vector<1x1024x128xf32>,
    } else {
    }
    %ge3A = arith.constant 5 : i32
    %ge3A_7 = arith.cmpi sge, %arg0, %ge3A : i32
    %convert_element_type3A_8 = arith.extui %ge3A_7 : i1 to i32
    %cond3A_9 = arith.constant 0 : i32
    %cond3A_10 = arith.cmpi ne, %convert_element_type3A_8, %cond3A_9 : i32
    scf.if %cond3A_10 {
      %get3A_11 = arith.constant 0 : index
      %get3A_12 = arith.constant 0 : index
      %get3A_13 = arith.constant 0 : index
      %get3A_14 = vector.load %arg4[%get3A_11, %get3A_12, %get3A_13] : memref<2x1024x128xf32, #tpu.memory_space<vmem>>, vector<1x1024x128xf32>
      %get3A_15 = vector.shape_cast %get3A_14 : vector<1x1024x128xf32> to vector<1024x128xf32>
      %mul3A = vector.broadcast %broadcast_in_dim3A : vector<1024x1xf32> to vector<1024x128xf32>
      %mul3A_16 = arith.mulf %get3A_15, %mul3A : vector<1024x128xf32>
      %swap3A = arith.constant 0 : index
      %swap3A_17 = arith.constant 0 : index
      %swap3A_18 = arith.constant 0 : index
      %swap3A_19 = vector.load %arg5[%swap3A, %swap3A_17, %swap3A_18] : memref<2x1024x128xf32, #tpu.memory_space<vmem>>, vector<1x1024x128xf32>
      %swap3A_20 = vector.shape_cast %swap3A_19 : vector<1x1024x128xf32> to vector<1024x128xf32>
      %swap3A_21 = vector.shape_cast %mul3A_16 : vector<1024x128xf32> to vector<1x1024x128xf32>
      tpu.vector_store %arg5[%swap3A, %swap3A_17, %swap3A_18], %swap3A_21 {strides = array<i32>} : memref<2x1024x128xf32, #tpu.memory_space<vmem>>, vector<1x1024x128xf32>,
      %get3A_22 = arith.constant 1 : index
      %get3A_23 = arith.constant 0 : index
      %get3A_24 = arith.constant 0 : index
      %get3A_25 = vector.load %arg4[%get3A_22, %get3A_23, %get3A_24] : memref<2x1024x128xf32, #tpu.memory_space<vmem>>, vector<1x1024x128xf32>
      %get3A_26 = vector.shape_cast %get3A_25 : vector<1x1024x128xf32> to vector<1024x128xf32>
      %mul3A_27 = vector.broadcast %broadcast_in_dim3A : vector<1024x1xf32> to vector<1024x128xf32>
      %mul3A_28 = arith.mulf %get3A_26, %mul3A_27 : vector<1024x128xf32>
      %swap3A_29 = arith.constant 1 : index
      %swap3A_30 = arith.constant 0 : index
      %swap3A_31 = arith.constant 0 : index
      %swap3A_32 = vector.load %arg5[%swap3A_29, %swap3A_30, %swap3A_31] : memref<2x1024x128xf32, #tpu.memory_space<vmem>>, vector<1x1024x128xf32>
      %swap3A_33 = vector.shape_cast %swap3A_32 : vector<1x1024x128xf32> to vector<1024x128xf32>
      %swap3A_34 = vector.shape_cast %mul3A_28 : vector<1024x128xf32> to vector<1x1024x128xf32>
      tpu.vector_store %arg5[%swap3A_29, %swap3A_30, %swap3A_31], %swap3A_34 {strides = array<i32>} : memref<2x1024x128xf32, #tpu.memory_space<vmem>>, vector<1x1024x128xf32>,
    } else {
    }
    return
  }
  func.func @transform_0(%arg0: i32) -> (i32, i32) {
    %min3A = arith.constant 4 : i32
    %min3A_0 = arith.minsi %arg0, %min3A : i32
    %c0_i32 = arith.constant 0 : i32
    %c0_i32_1 = arith.constant 0 : i32
    return %min3A_0, %c0_i32 : i32, i32
  }
  func.func @transform_1(%arg0: i32) -> (i32, i32) {
    %c0_i32 = arith.constant 0 : i32
    %c0_i32_0 = arith.constant 0 : i32
    %c0_i32_1 = arith.constant 0 : i32
    return %c0_i32, %c0_i32_0 : i32, i32
  }
  func.func @transform_2(%arg0: i32) -> (i32, i32) {
    %c0_i32 = arith.constant 0 : i32
    %c0_i32_0 = arith.constant 0 : i32
    return %c0_i32, %arg0 : i32, i32
  }
  func.func @transform_3(%arg0: i32) -> (i32, i32, i32) {
    %sub3A = arith.constant 5 : i32
    %sub3A_0 = arith.subi %arg0, %sub3A : i32
    %max3A = arith.constant 0 : i32
    %max3A_1 = arith.maxsi %sub3A_0, %max3A : i32
    %c0_i32 = arith.constant 0 : i32
    %c0_i32_2 = arith.constant 0 : i32
    %c0_i32_3 = arith.constant 0 : i32
    return %c0_i32, %max3A_1, %c0_i32_2 : i32, i32, i32
  }
  func.func @transform_4(%arg0: i32) -> (i32, i32, i32) {
    %c0_i32 = arith.constant 0 : i32
    %c0_i32_0 = arith.constant 0 : i32
    %c0_i32_1 = arith.constant 0 : i32
    return %c0_i32, %arg0, %c0_i32_0 : i32, i32, i32
  }
}

module attributes {stable_mosaic.version = 14 : i64} {
  func.func @body(%arg0: i32, %arg1: memref<1024x128xf32, #tpu.memory_space<vmem>>, %arg2: memref<1024x128xf32, #tpu.memory_space<vmem>>, %arg3: memref<32x1024xf32, #tpu.memory_space<vmem>>, %arg4: memref<2x128xf32, #tpu.memory_space<vmem>>, %arg5: memref<1x256xf32, #tpu.memory_space<vmem>>, %arg6: memref<1x256xf32, #tpu.memory_space<vmem>>, %arg7: memref<394x1024xf32, #tpu.memory_space<vmem>>, %arg8: memref<394x1xf32, #tpu.memory_space<vmem>>, %arg9: memref<394x2048xf32, #tpu.memory_space<vmem>>, %arg10: memref<2048x1024xf32, #tpu.memory_space<vmem>>, %arg11: memref<8x256xf32, #tpu.memory_space<vmem>>) attributes {dimension_semantics = [#tpu.dimension_semantics<arbitrary>], iteration_bounds = array<i64: 12>, scalar_prefetch = 0 : i64, scratch_operands = 2 : i64, tpu.core_type = #tpu.core_type<tc>, window_params = [{transform_indices = @transform_0, window_bounds = array<i64: 1024, 128>}, {transform_indices = @transform_1, window_bounds = array<i64: 1024, 128>}, {transform_indices = @transform_2, window_bounds = array<i64: 32, 1024>}, {pipeline_mode = #tpu.pipeline_mode<synchronous>, transform_indices = @transform_3, window_bounds = array<i64: 2, 128>}, {pipeline_mode = #tpu.pipeline_mode<synchronous>, transform_indices = @transform_4, window_bounds = array<i64: 1, 256>}, {pipeline_mode = #tpu.pipeline_mode<synchronous>, transform_indices = @transform_5, window_bounds = array<i64: 1, 256>}, {pipeline_mode = #tpu.pipeline_mode<synchronous>, transform_indices = @transform_6, window_bounds = array<i64: 394, 1024>}, {pipeline_mode = #tpu.pipeline_mode<synchronous>, transform_indices = @transform_7, window_bounds = array<i64: 394, 1>}, {transform_indices = @transform_8, window_bounds = array<i64: 394, 2048>}]} {
    %eq3A = arith.constant 0 : i32
    %eq3A_0 = arith.cmpi eq, %arg0, %eq3A : i32
    %convert_element_type3A = arith.extui %eq3A_0 : i1 to i32
    %cond3A = arith.constant 0 : i32
    %cond3A_1 = arith.cmpi ne, %convert_element_type3A, %cond3A : i32
    scf.if %cond3A_1 {
      %broadcast_in_dim3A = arith.constant 0.000000e+00 : f32
      %broadcast_in_dim3A_10 = vector.broadcast %broadcast_in_dim3A : f32 to vector<8x256xf32>
      %swap3A = arith.constant 0 : index
      %swap3A_11 = arith.constant 0 : index
      %swap3A_12 = vector.load %arg11[%swap3A, %swap3A_11] : memref<8x256xf32, #tpu.memory_space<vmem>>, vector<8x256xf32>
      tpu.vector_store %arg11[%swap3A, %swap3A_11], %broadcast_in_dim3A_10 {strides = array<i32>} : memref<8x256xf32, #tpu.memory_space<vmem>>, vector<8x256xf32>,
    } else {
    }
    %lt3A = arith.constant 8 : i32
    %lt3A_2 = arith.cmpi slt, %arg0, %lt3A : i32
    %convert_element_type3A_3 = arith.extui %lt3A_2 : i1 to i32
    %cond3A_4 = arith.constant 0 : i32
    %cond3A_5 = arith.cmpi ne, %convert_element_type3A_3, %cond3A_4 : i32
    scf.if %cond3A_5 {
      %get3A = arith.constant 0 : index
      %get3A_10 = arith.constant 0 : index
      %get3A_11 = vector.load %arg3[%get3A, %get3A_10] : memref<32x1024xf32, #tpu.memory_space<vmem>>, vector<32x1024xf32>
      %reduce_sum3A = arith.constant dense<0.000000e+00> : vector<1024xf32>
      %reduce_sum3A_12 = vector.multi_reduction <add>, %get3A_11, %reduce_sum3A [0] : vector<32x1024xf32> to vector<1024xf32>
      %add3A = arith.constant 1.000000e+00 : f32
      %add3A_13 = vector.broadcast %add3A : f32 to vector<1024xf32>
      %add3A_14 = arith.addf %reduce_sum3A_12, %add3A_13 : vector<1024xf32>
      %rsqrt3A = math.rsqrt %add3A_14 : vector<1024xf32>
      %broadcast_in_dim3A = vector.shape_cast %rsqrt3A : vector<1024xf32> to vector<1024x1xf32>
      %get3A_15 = arith.constant 0 : index
      %get3A_16 = arith.constant 0 : index
      %get3A_17 = vector.load %arg1[%get3A_15, %get3A_16] : memref<1024x128xf32, #tpu.memory_space<vmem>>, vector<1024x128xf32>
      %mul3A = vector.broadcast %broadcast_in_dim3A : vector<1024x1xf32> to vector<1024x128xf32>
      %mul3A_18 = arith.mulf %mul3A, %get3A_17 : vector<1024x128xf32>
      %get3A_19 = arith.constant 0 : index
      %get3A_20 = arith.constant 0 : index
      %get3A_21 = vector.load %arg4[%get3A_19, %get3A_20] : memref<2x128xf32, #tpu.memory_space<vmem>>, vector<1x128xf32>
      %add3A_22 = vector.broadcast %get3A_21 : vector<1x128xf32> to vector<1024x128xf32>
      %add3A_23 = arith.addf %mul3A_18, %add3A_22 : vector<1024x128xf32>
      %max3A = arith.constant 0.000000e+00 : f32
      %max3A_24 = vector.broadcast %max3A : f32 to vector<1024x128xf32>
      %max3A_25 = arith.maximumf %add3A_23, %max3A_24 : vector<1024x128xf32>
      %get3A_26 = arith.constant 0 : index
      %get3A_27 = arith.constant 0 : index
      %get3A_28 = vector.load %arg2[%get3A_26, %get3A_27] : memref<1024x128xf32, #tpu.memory_space<vmem>>, vector<1024x128xf32>
      %mul3A_29 = vector.broadcast %broadcast_in_dim3A : vector<1024x1xf32> to vector<1024x128xf32>
      %mul3A_30 = arith.mulf %mul3A_29, %get3A_28 : vector<1024x128xf32>
      %get3A_31 = arith.constant 1 : index
      %get3A_32 = arith.constant 0 : index
      %get3A_33 = vector.load %arg4[%get3A_31, %get3A_32] : memref<2x128xf32, #tpu.memory_space<vmem>>, vector<1x128xf32>
      %add3A_34 = vector.broadcast %get3A_33 : vector<1x128xf32> to vector<1024x128xf32>
      %add3A_35 = arith.addf %mul3A_30, %add3A_34 : vector<1024x128xf32>
      %max3A_36 = arith.constant 0.000000e+00 : f32
      %max3A_37 = vector.broadcast %max3A_36 : f32 to vector<1024x128xf32>
      %max3A_38 = arith.maximumf %add3A_35, %max3A_37 : vector<1024x128xf32>
      %concatenate3A = tpu.concatenate %max3A_25, %max3A_38 in 1 : vector<1024x128xf32>, vector<1024x128xf32> -> vector<1024x256xf32>
      %reshape3A = vector.shape_cast %concatenate3A : vector<1024x256xf32> to vector<256x1024xf32>
      %mul3A_39 = arith.constant 256 : i32
      %mul3A_40 = arith.muli %arg0, %mul3A_39 : i32
      %swap3A = arith.index_cast %mul3A_40 : i32 to index
      %swap3A_41 = arith.constant 0 : index
      %swap3A_42 = vector.load %arg10[%swap3A, %swap3A_41] : memref<2048x1024xf32, #tpu.memory_space<vmem>>, vector<256x1024xf32>
      tpu.vector_store %arg10[%swap3A, %swap3A_41], %reshape3A {strides = array<i32>} : memref<2048x1024xf32, #tpu.memory_space<vmem>>, vector<256x1024xf32>,
      %reduce_sum3A_43 = arith.constant dense<0.000000e+00> : vector<128xf32>
      %reduce_sum3A_44 = vector.multi_reduction <add>, %max3A_25, %reduce_sum3A_43 [0] : vector<1024x128xf32> to vector<128xf32>
      %reduce_sum3A_45 = arith.constant dense<0.000000e+00> : vector<128xf32>
      %reduce_sum3A_46 = vector.multi_reduction <add>, %max3A_38, %reduce_sum3A_45 [0] : vector<1024x128xf32> to vector<128xf32>
      %concatenate3A_47 = tpu.concatenate %reduce_sum3A_44, %reduce_sum3A_46 in 0 : vector<128xf32>, vector<128xf32> -> vector<256xf32>
      %mul3A_48 = arith.mulf %max3A_25, %max3A_25 : vector<1024x128xf32>
      %reduce_sum3A_49 = arith.constant dense<0.000000e+00> : vector<128xf32>
      %reduce_sum3A_50 = vector.multi_reduction <add>, %mul3A_48, %reduce_sum3A_49 [0] : vector<1024x128xf32> to vector<128xf32>
      %mul3A_51 = arith.mulf %max3A_38, %max3A_38 : vector<1024x128xf32>
      %reduce_sum3A_52 = arith.constant dense<0.000000e+00> : vector<128xf32>
      %reduce_sum3A_53 = vector.multi_reduction <add>, %mul3A_51, %reduce_sum3A_52 [0] : vector<1024x128xf32> to vector<128xf32>
      %concatenate3A_54 = tpu.concatenate %reduce_sum3A_50, %reduce_sum3A_53 in 0 : vector<128xf32>, vector<128xf32> -> vector<256xf32>
      %get3A_55 = arith.constant 0 : index
      %get3A_56 = arith.constant 0 : index
      %get3A_57 = vector.load %arg11[%get3A_55, %get3A_56] : memref<8x256xf32, #tpu.memory_space<vmem>>, vector<1x256xf32>
      %broadcast_in_dim3A_58 = vector.shape_cast %concatenate3A_47 : vector<256xf32> to vector<1x256xf32>
      %add3A_59 = arith.addf %get3A_57, %broadcast_in_dim3A_58 : vector<1x256xf32>
      %swap3A_60 = arith.constant 0 : index
      %swap3A_61 = arith.constant 0 : index
      %swap3A_62 = vector.load %arg11[%swap3A_60, %swap3A_61] : memref<8x256xf32, #tpu.memory_space<vmem>>, vector<1x256xf32>
      tpu.vector_store %arg11[%swap3A_60, %swap3A_61], %add3A_59 {strides = array<i32>} : memref<8x256xf32, #tpu.memory_space<vmem>>, vector<1x256xf32>,
      %get3A_63 = arith.constant 1 : index
      %get3A_64 = arith.constant 0 : index
      %get3A_65 = vector.load %arg11[%get3A_63, %get3A_64] : memref<8x256xf32, #tpu.memory_space<vmem>>, vector<1x256xf32>
      %broadcast_in_dim3A_66 = vector.shape_cast %concatenate3A_54 : vector<256xf32> to vector<1x256xf32>
      %add3A_67 = arith.addf %get3A_65, %broadcast_in_dim3A_66 : vector<1x256xf32>
      %swap3A_68 = arith.constant 1 : index
      %swap3A_69 = arith.constant 0 : index
      %swap3A_70 = vector.load %arg11[%swap3A_68, %swap3A_69] : memref<8x256xf32, #tpu.memory_space<vmem>>, vector<1x256xf32>
      tpu.vector_store %arg11[%swap3A_68, %swap3A_69], %add3A_67 {strides = array<i32>} : memref<8x256xf32, #tpu.memory_space<vmem>>, vector<1x256xf32>,
    } else {
    }
    %ge3A = arith.constant 8 : i32
    %ge3A_6 = arith.cmpi sge, %arg0, %ge3A : i32
    %convert_element_type3A_7 = arith.extui %ge3A_6 : i1 to i32
    %cond3A_8 = arith.constant 0 : i32
    %cond3A_9 = arith.cmpi ne, %convert_element_type3A_7, %cond3A_8 : i32
    scf.if %cond3A_9 {
      %sub3A = arith.constant 8 : i32
      %sub3A_10 = arith.subi %arg0, %sub3A : i32
      %get3A = arith.constant 0 : index
      %get3A_11 = arith.constant 0 : index
      %get3A_12 = vector.load %arg11[%get3A, %get3A_11] : memref<8x256xf32, #tpu.memory_space<vmem>>, vector<1x256xf32>
      %mul3A = arith.constant 1.22070313E-4 : f32
      %mul3A_13 = vector.broadcast %mul3A : f32 to vector<1x256xf32>
      %mul3A_14 = arith.mulf %get3A_12, %mul3A_13 : vector<1x256xf32>
      %get3A_15 = arith.constant 1 : index
      %get3A_16 = arith.constant 0 : index
      %get3A_17 = vector.load %arg11[%get3A_15, %get3A_16] : memref<8x256xf32, #tpu.memory_space<vmem>>, vector<1x256xf32>
      %mul3A_18 = arith.constant 1.22070313E-4 : f32
      %mul3A_19 = vector.broadcast %mul3A_18 : f32 to vector<1x256xf32>
      %mul3A_20 = arith.mulf %get3A_17, %mul3A_19 : vector<1x256xf32>
      %mul3A_21 = arith.mulf %mul3A_14, %mul3A_14 : vector<1x256xf32>
      %sub3A_22 = arith.subf %mul3A_20, %mul3A_21 : vector<1x256xf32>
      %add3A = arith.constant 9.99999974E-6 : f32
      %add3A_23 = vector.broadcast %add3A : f32 to vector<1x256xf32>
      %add3A_24 = arith.addf %sub3A_22, %add3A_23 : vector<1x256xf32>
      %rsqrt3A = math.rsqrt %add3A_24 : vector<1x256xf32>
      %get3A_25 = arith.constant 0 : index
      %get3A_26 = arith.constant 0 : index
      %get3A_27 = vector.load %arg5[%get3A_25, %get3A_26] : memref<1x256xf32, #tpu.memory_space<vmem>>, vector<1x256xf32>
      %mul3A_28 = arith.mulf %get3A_27, %rsqrt3A : vector<1x256xf32>
      %get3A_29 = arith.constant 0 : index
      %get3A_30 = arith.constant 0 : index
      %get3A_31 = vector.load %arg6[%get3A_29, %get3A_30] : memref<1x256xf32, #tpu.memory_space<vmem>>, vector<1x256xf32>
      %mul3A_32 = arith.mulf %mul3A_14, %mul3A_28 : vector<1x256xf32>
      %sub3A_33 = arith.subf %get3A_31, %mul3A_32 : vector<1x256xf32>
      %concatenate3A = tpu.concatenate %mul3A_28, %mul3A_28, %mul3A_28, %mul3A_28 in 1 : vector<1x256xf32>, vector<1x256xf32>, vector<1x256xf32>, vector<1x256xf32> -> vector<1x1024xf32>
      %concatenate3A_34 = tpu.concatenate %sub3A_33, %sub3A_33, %sub3A_33, %sub3A_33 in 1 : vector<1x256xf32>, vector<1x256xf32>, vector<1x256xf32>, vector<1x256xf32> -> vector<1x1024xf32>
      %mul3A_35 = arith.constant 512 : i32
      %mul3A_36 = arith.muli %sub3A_10, %mul3A_35 : i32
      %get3A_37 = arith.index_cast %mul3A_36 : i32 to index
      %get3A_38 = arith.constant 0 : index
      %get3A_39 = vector.load %arg10[%get3A_37, %get3A_38] : memref<2048x1024xf32, #tpu.memory_space<vmem>>, vector<512x1024xf32>
      %mul3A_40 = vector.broadcast %concatenate3A : vector<1x1024xf32> to vector<512x1024xf32>
      %mul3A_41 = arith.mulf %get3A_39, %mul3A_40 : vector<512x1024xf32>
      %add3A_42 = vector.broadcast %concatenate3A_34 : vector<1x1024xf32> to vector<512x1024xf32>
      %add3A_43 = arith.addf %mul3A_41, %add3A_42 : vector<512x1024xf32>
      %get3A_44 = arith.constant 0 : index
      %get3A_45 = arith.constant 0 : index
      %get3A_46 = vector.load %arg7[%get3A_44, %get3A_45] : memref<394x1024xf32, #tpu.memory_space<vmem>>, vector<394x1024xf32>
      %dot_general3A = arith.constant dense<0.000000e+00> : vector<394x512xf32>
      %dot_general3A_47 = tpu.matmul %get3A_46, %add3A_43, %dot_general3A {dimension_numbers = #tpu.dot_dimension_numbers<[1], [1], [0], [0], [0, 0, 1, 0], [], []>, transpose_lhs_hint = false} : vector<394x1024xf32>, vector<512x1024xf32>, vector<394x512xf32> -> vector<394x512xf32>
      %get3A_48 = arith.constant 0 : index
      %get3A_49 = arith.constant 0 : index
      %get3A_50 = vector.load %arg8[%get3A_48, %get3A_49] : memref<394x1xf32, #tpu.memory_space<vmem>>, vector<394x1xf32>
      %add3A_51 = vector.broadcast %get3A_50 : vector<394x1xf32> to vector<394x512xf32>
      %add3A_52 = arith.addf %dot_general3A_47, %add3A_51 : vector<394x512xf32>
      %reduce_max3A = arith.constant dense<0xFF800000> : vector<512xf32>
      %reduce_max3A_53 = vector.multi_reduction <maximumf>, %add3A_52, %reduce_max3A [0] : vector<394x512xf32> to vector<512xf32>
      %broadcast_in_dim3A = vector.shape_cast %reduce_max3A_53 : vector<512xf32> to vector<1x512xf32>
      %sub3A_54 = vector.broadcast %broadcast_in_dim3A : vector<1x512xf32> to vector<394x512xf32>
      %sub3A_55 = arith.subf %add3A_52, %sub3A_54 : vector<394x512xf32>
      %exp3A = math.exp %sub3A_55 : vector<394x512xf32>
      %reduce_sum3A = arith.constant dense<0.000000e+00> : vector<512xf32>
      %reduce_sum3A_56 = vector.multi_reduction <add>, %exp3A, %reduce_sum3A [0] : vector<394x512xf32> to vector<512xf32>
      %broadcast_in_dim3A_57 = vector.shape_cast %reduce_sum3A_56 : vector<512xf32> to vector<1x512xf32>
      %log3A = math.log %broadcast_in_dim3A_57 : vector<1x512xf32>
      %add3A_58 = arith.addf %broadcast_in_dim3A, %log3A : vector<1x512xf32>
      %sub3A_59 = vector.broadcast %add3A_58 : vector<1x512xf32> to vector<394x512xf32>
      %sub3A_60 = arith.subf %add3A_52, %sub3A_59 : vector<394x512xf32>
      %iota3A = tpu.iota {dimensions = array<i32: 0>} : vector<512x2048xi32>
      %iota3A_61 = tpu.iota {dimensions = array<i32: 1>} : vector<512x2048xi32>
      %jit3A = arith.constant 4 : i32
      %div3A = vector.broadcast %jit3A : i32 to vector<512x2048xi32>
      %div3A_62 = arith.divsi %iota3A_61, %div3A : vector<512x2048xi32>
      %sign3A = arith.constant 0 : i32
      %sign3A_63 = vector.broadcast %sign3A : i32 to vector<512x2048xi32>
      %sign3A_64 = arith.cmpi sgt, %iota3A_61, %sign3A_63 : vector<512x2048xi32>
      %sign3A_65 = arith.extui %sign3A_64 : vector<512x2048xi1> to vector<512x2048xi32>
      %sign3A_66 = arith.constant 0 : i32
      %sign3A_67 = vector.broadcast %sign3A_66 : i32 to vector<512x2048xi32>
      %sign3A_68 = arith.cmpi slt, %iota3A_61, %sign3A_67 : vector<512x2048xi32>
      %sign3A_69 = arith.extui %sign3A_68 : vector<512x2048xi1> to vector<512x2048xi32>
      %sign3A_70 = arith.subi %sign3A_65, %sign3A_69 : vector<512x2048xi32>
      %sign3A_71 = arith.constant 0 : i32
      %sign3A_72 = arith.cmpi sgt, %jit3A, %sign3A_71 : i32
      %sign3A_73 = arith.extui %sign3A_72 : i1 to i32
      %sign3A_74 = arith.constant 0 : i32
      %sign3A_75 = arith.cmpi slt, %jit3A, %sign3A_74 : i32
      %sign3A_76 = arith.extui %sign3A_75 : i1 to i32
      %sign3A_77 = arith.subi %sign3A_73, %sign3A_76 : i32
      %ne3A = vector.broadcast %sign3A_77 : i32 to vector<512x2048xi32>
      %ne3A_78 = arith.cmpi ne, %sign3A_70, %ne3A : vector<512x2048xi32>
      %rem3A = vector.broadcast %jit3A : i32 to vector<512x2048xi32>
      %rem3A_79 = arith.remsi %iota3A_61, %rem3A : vector<512x2048xi32>
      %ne3A_80 = arith.constant 0 : i32
      %ne3A_81 = vector.broadcast %ne3A_80 : i32 to vector<512x2048xi32>
      %ne3A_82 = arith.cmpi ne, %rem3A_79, %ne3A_81 : vector<512x2048xi32>
      %and3A = arith.andi %ne3A_78, %ne3A_82 : vector<512x2048xi1>
      %sub3A_83 = arith.constant 1 : i32
      %sub3A_84 = vector.broadcast %sub3A_83 : i32 to vector<512x2048xi32>
      %sub3A_85 = arith.subi %div3A_62, %sub3A_84 : vector<512x2048xi32>
      %select_n3A = arith.select %and3A, %sub3A_85, %div3A_62 : vector<512x2048xi1>, vector<512x2048xi32>
      %eq3A_86 = arith.cmpi eq, %iota3A, %select_n3A : vector<512x2048xi32>
      %convert_element_type3A_87 = arith.extui %eq3A_86 : vector<512x2048xi1> to vector<512x2048xi32>
      %convert_element_type3A_88 = arith.sitofp %convert_element_type3A_87 : vector<512x2048xi32> to vector<512x2048xf32>
      %dot_general3A_89 = arith.constant dense<0.000000e+00> : vector<394x2048xf32>
      %dot_general3A_90 = tpu.matmul %sub3A_60, %convert_element_type3A_88, %dot_general3A_89 {dimension_numbers = #tpu.dot_dimension_numbers<[1], [0], [0], [1], [0, 0, 1, 1], [], []>, transpose_lhs_hint = false} : vector<394x512xf32>, vector<512x2048xf32>, vector<394x2048xf32> -> vector<394x2048xf32>
      %swap3A = arith.constant 0 : index
      %swap3A_91 = arith.constant 0 : index
      %swap3A_92 = vector.load %arg9[%swap3A, %swap3A_91] : memref<394x2048xf32, #tpu.memory_space<vmem>>, vector<394x2048xf32>
      tpu.vector_store %arg9[%swap3A, %swap3A_91], %dot_general3A_90 {strides = array<i32>} : memref<394x2048xf32, #tpu.memory_space<vmem>>, vector<394x2048xf32>,
    } else {
    }
    return
  }
  func.func @transform_0(%arg0: i32) -> (i32, i32) {
    %min3A = arith.constant 7 : i32
    %min3A_0 = arith.minsi %arg0, %min3A : i32
    %c0_i32 = arith.constant 0 : i32
    %c0_i32_1 = arith.constant 0 : i32
    return %min3A_0, %c0_i32 : i32, i32
  }
  func.func @transform_1(%arg0: i32) -> (i32, i32) {
    %min3A = arith.constant 7 : i32
    %min3A_0 = arith.minsi %arg0, %min3A : i32
    %add3A = arith.constant 8 : i32
    %add3A_1 = arith.addi %add3A, %min3A_0 : i32
    %c0_i32 = arith.constant 0 : i32
    %c0_i32_2 = arith.constant 0 : i32
    return %add3A_1, %c0_i32 : i32, i32
  }
  func.func @transform_2(%arg0: i32) -> (i32, i32) {
    %min3A = arith.constant 7 : i32
    %min3A_0 = arith.minsi %arg0, %min3A : i32
    %c0_i32 = arith.constant 0 : i32
    %c0_i32_1 = arith.constant 0 : i32
    return %c0_i32, %min3A_0 : i32, i32
  }
  func.func @transform_3(%arg0: i32) -> (i32, i32) {
    %c0_i32 = arith.constant 0 : i32
    %c0_i32_0 = arith.constant 0 : i32
    %c0_i32_1 = arith.constant 0 : i32
    return %c0_i32, %c0_i32_0 : i32, i32
  }
  func.func @transform_4(%arg0: i32) -> (i32, i32) {
    %c0_i32 = arith.constant 0 : i32
    %c0_i32_0 = arith.constant 0 : i32
    %c0_i32_1 = arith.constant 0 : i32
    return %c0_i32, %c0_i32_0 : i32, i32
  }
  func.func @transform_5(%arg0: i32) -> (i32, i32) {
    %c0_i32 = arith.constant 0 : i32
    %c0_i32_0 = arith.constant 0 : i32
    %c0_i32_1 = arith.constant 0 : i32
    return %c0_i32, %c0_i32_0 : i32, i32
  }
  func.func @transform_6(%arg0: i32) -> (i32, i32) {
    %c0_i32 = arith.constant 0 : i32
    %c0_i32_0 = arith.constant 0 : i32
    %c0_i32_1 = arith.constant 0 : i32
    return %c0_i32, %c0_i32_0 : i32, i32
  }
  func.func @transform_7(%arg0: i32) -> (i32, i32) {
    %c0_i32 = arith.constant 0 : i32
    %c0_i32_0 = arith.constant 0 : i32
    %c0_i32_1 = arith.constant 0 : i32
    return %c0_i32, %c0_i32_0 : i32, i32
  }
  func.func @transform_8(%arg0: i32) -> (i32, i32) {
    %sub3A = arith.constant 8 : i32
    %sub3A_0 = arith.subi %arg0, %sub3A : i32
    %max3A = arith.constant 0 : i32
    %max3A_1 = arith.maxsi %sub3A_0, %max3A : i32
    %c0_i32 = arith.constant 0 : i32
    %c0_i32_2 = arith.constant 0 : i32
    return %c0_i32, %max3A_1 : i32, i32
  }
}

</mosaic_0001>

<sc_bundles>
// kernel: kernel.10.cloned.1.call-start
scs
__scs_entry_jumppad:
0x0: {  	(pc) =	sbr.rel $0x88, $3  }
0x1: {  	(tag) =	ssettag $0x0;
	lr =	simm.s32 $0x1  }
0x2: {  	[smem:$0x3F99] =	sst lr;
	_ =	strace $0xD0000000  }
0x3: {  	_ = 	snop  }
0x4: {  	_ = 	snop  }
0x5: {  	_ = 	snop  }
0x6: {  	_ = 	snop  }
0x7: {  	_ = 	snop  }
__scs_overlays_trampoline_lowered:
0x8: {  	[smem:$0x3FA8] =	sst s0  }
0x9: {  	[smem:$0x3FA9] =	sst s1  }
0xa: {  	[smem:$0x3FAA] =	sst s2  }
0xb: {  	[smem:$0x3FAB] =	sst s3  }
0xc: {  	[smem:$0x3FAC] =	sst s4  }
0xd: {  	[smem:$0x3FAD] =	sst s5  }
0xe: {  	[smem:$0x3FAE] =	sst s6  }
0xf: {  	[smem:$0x3FAF] =	sst s7  }
0x10: {  	[smem:$0x3FB0] =	sst s8  }
0x11: {  	[smem:$0x3FB1] =	sst s9;
	s0 =	simm.s32 @!p0 $0x0  }
0x12: {  	s1 =	sld [smem:$0x3F97];
	s0 =	simm.s32 @p0 $0x1  }
0x13: {  	[smem:$0x3FB2] =	sst s0;
	s0 =	simm.s32 @!p1 $0x0  }
0x14: {  	s2 =	sld [smem:$0x3F96];
	s0 =	simm.s32 @p1 $0x1  }
0x15: {  	[smem:$0x3FB3] =	sst s0;
	s0 =	simm.s32 @!p2 $0x0  }
0x16: {  	s3 =	sld [smem:$0x3FDB];
	s0 =	simm.s32 @p2 $0x1  }
0x17: {  	s4 =	simm.s32 $0x1BF5;
	[smem:$0x3FB5] =	sst s0  }
0x18: {  	s0 =	sld [smem:$0x3F98];
	_ =	swait.ge [sflag:s4], $0x0  }
0x19: {  	s7 =	sld [smem:$0x3F99]  }
0x1a: {  	s8 =	sadd.s32 $0xFFFFE003, lr  }
0x1b: {  	s9 =	sadd.s32 $0xFFFFFEF7, lr;
	s5 =	simm.s32 $0xFFFFFFFF;
	p2 =	slt.u32 s8, $0xFFFFF086  }
0x1c: {  	p1 =	slt.u32 s9, $0xF7A;
	s5 =	simm.s32 @!p2 $0x0  }
0x1d: {  	s5 =	simm.s32 @p1 $0x1;
	p0 =	seq.s32 s7, s2  }
0x1e: {  	s7 =	smul.u32 @!p0 $0xF7A, s2;
	p2 =	seq.s32 @!p0 s5, $0x0  }
0x1f: {  	s9 =	smul.u32 $0xF7A, s1;
	s8 =	simm.s32 @!p0 $0x1BF5;
	p2 =	por !p2, p0  }
0x20: {  	[sflag:s8] =	ssyncset.s32 @!p0 $0xFFFFF086;
	s6 =	sadd.s32 @!p0 s3, s7;
	s7 =	simm.s32 @!p0 $0x108  }
0x21: {  	s3 =	sadd.s32 s3, s9;
	s6 =	sadd.s32 @!p0 $0x88, s6;
	s7 =	simm.s32 @p2 $0x1082  }
0x22: {  	[simem:s7], [sflag:s8] =	dma.local @!p0 [hbm:s6], $0xF7A  }
0x23: {  	s9 =	sor.u32 $0xD0000000, s2;
	s6 =	simm.s32 $0x108;
	_ =	swait.ge @!p0 [sflag:s8], $0x0  }
0x24: {  	s3 =	sadd.s32 $0x88, s3;
	s6 =	simm.s32 @!p1 $0x1082;
	[sflag:s4] =	ssyncset.s32 $0xFFFFF086  }
0x25: {  	[simem:s6], [sflag:s4] =	dma.local [hbm:s3], $0xF7A  }
0x26: {  	[smem:$0x3F99] =	sst s1;
	(tag) =	ssettag s2;
	_ =	strace s9  }
0x27: {  	s1 =	sld [smem:$0x3FA9]  }
0x28: {  	s2 =	sld [smem:$0x3FAA]  }
0x29: {  	s4 =	sld [smem:$0x3FAC]  }
0x2a: {  	p0 =	seq.s32 s5, $0x0;
	s5 =	sld [smem:$0x3FAD]  }
0x2b: {  	s6 =	sld [smem:$0x3FAE]  }
0x2c: {  	s7 =	sld [smem:$0x3FAF]  }
0x2d: {  	s3 =	simm.s32 $0x108;
	s8 =	sld [smem:$0x3FB0]  }
0x2e: {  	s3 =	simm.s32 @!p0 $0x1082;
	s9 =	sld [smem:$0x3FB1]  }
0x2f: {  	lr =	sadd.s32 s0, s3;
	s0 =	sld [smem:$0x3FA8]  }
0x30: {  	s3 =	sld [smem:$0x3FAB]  }
0x31: {  	[smem:$0x3FB4] =	sst s10  }
0x32: {  	s10 =	sld [smem:$0x3FB2];
	_ =	sdelay $0x3  }
0x33: {  	p0 =	seq.s32 s10, $0x1;
	s10 =	sld [smem:$0x3FB4];
	_ =	sdelay $0x3  }
0x34: {  	[smem:$0x3FB4] =	sst s10  }
0x35: {  	s10 =	sld [smem:$0x3FB3];
	_ =	sdelay $0x3  }
0x36: {  	p1 =	seq.s32 s10, $0x1;
	s10 =	sld [smem:$0x3FB4];
	_ =	sdelay $0x3  }
0x37: {  	[smem:$0x3FB4] =	sst s10  }
0x38: {  	s10 =	sld [smem:$0x3FB5]  }
0x39: {  	_ = 	snop;
	(pc) =	sbr.ind lr, $3  }
0x3a: {  	_ = 	snop  }
0x3b: {  	_ = 	snop  }
0x3c: {  	p2 =	seq.s32 s10, $0x1;
	s10 =	sld [smem:$0x3FB4]  }
0x3d: {  	_ =	shalt  }
0x3e: {  	_ =	shalt  }
0x3f: {  	_ =	shalt  }
0x40: {  	_ =	shalt  }
0x41: {  	_ =	shalt  }
0x42: {  	_ =	shalt  }
0x43: {  	_ =	shalt  }
0x44: {  	_ =	shalt  }
0x45: {  	_ =	shalt  }
0x46: {  	_ =	shalt  }
0x47: {  	_ =	shalt  }
0x48: {  	_ =	shalt  }
0x49: {  	_ =	shalt  }
0x4a: {  	_ =	shalt  }
0x4b: {  	_ =	shalt  }
0x4c: {  	_ =	shalt  }
0x4d: {  	_ =	shalt  }
0x4e: {  	_ =	shalt  }
0x4f: {  	_ =	shalt  }
0x50: {  	_ =	shalt  }
0x51: {  	_ =	shalt  }
0x52: {  	_ =	shalt  }
0x53: {  	_ =	shalt  }
0x54: {  	_ =	shalt  }
0x55: {  	_ =	shalt  }
0x56: {  	_ =	shalt  }
0x57: {  	_ =	shalt  }
0x58: {  	_ =	shalt  }
0x59: {  	_ =	shalt  }
0x5a: {  	_ =	shalt  }
0x5b: {  	_ =	shalt  }
0x5c: {  	_ =	shalt  }
0x5d: {  	_ =	shalt  }
0x5e: {  	_ =	shalt  }
0x5f: {  	_ =	shalt  }
0x60: {  	_ =	shalt  }
0x61: {  	_ =	shalt  }
0x62: {  	_ =	shalt  }
0x63: {  	_ =	shalt  }
0x64: {  	_ =	shalt  }
0x65: {  	_ =	shalt  }
0x66: {  	_ =	shalt  }
0x67: {  	_ =	shalt  }
0x68: {  	_ =	shalt  }
0x69: {  	_ =	shalt  }
0x6a: {  	_ =	shalt  }
0x6b: {  	_ =	shalt  }
0x6c: {  	_ =	shalt  }
0x6d: {  	_ =	shalt  }
0x6e: {  	_ =	shalt  }
0x6f: {  	_ =	shalt  }
0x70: {  	_ =	shalt  }
0x71: {  	_ =	shalt  }
0x72: {  	_ =	shalt  }
0x73: {  	_ =	shalt  }
0x74: {  	_ =	shalt  }
0x75: {  	_ =	shalt  }
0x76: {  	_ =	shalt  }
0x77: {  	_ =	shalt  }
0x78: {  	_ =	shalt  }
0x79: {  	_ =	shalt  }
0x7a: {  	_ =	shalt  }
0x7b: {  	_ =	shalt  }
0x7c: {  	_ =	shalt  }
0x7d: {  	_ =	shalt  }
0x7e: {  	_ =	shalt  }
0x7f: {  	_ =	shalt  }
0x80: {  	_ =	shalt  }
0x81: {  	_ =	shalt  }
0x82: {  	_ =	shalt  }
0x83: {  	_ =	shalt  }
0x84: {  	_ =	shalt  }
0x85: {  	_ =	shalt  }
0x86: {  	_ =	shalt  }
0x87: {  	_ =	shalt  }
.Lfunc_end0:
.L_simem_size_0:
called_computation.1_lowered:
.L_overlay_start_0:
0x88: {  	s2 =	sld [smem:$0x3FD9]  }
0x89: {  	s3 =	sld [smem:$0x3FFE];
	_ =	sdelay $0x1  }
0x8a: {  	s1 =	srdreg.scid  }
0x8b: {  	s0 =	sand.u32 $0x1, s1  }
0x8c: {  	s17 =	sshll.u32 s0, $0xA;
	s2 =	sadd.s32 s3, s2  }
0x8d: {  	s2 =	sadd.s32 s2, s17  }
0x8e: {  	[smem:$0x3FC0] =	sst s2  }
0x8f: {  	_ = 	snop  }
0x90: {  	s2 =	sld [smem:$0x3FC8]  }
0x91: {  	s18 =	sld [smem:$0x3FD0];
	(tm) =	ssettm $0x1  }
0x92: {  	s4 =	sld [smem:$0x3FFB];
	_ =	sdelay $0x3  }
0x93: {  	_ =	strace s4  }
0x94: {  	s4 =	sld [smem:$0x3FFC];
	_ =	sdelay $0x3  }
0x95: {  	_ =	strace s4  }
0x96: {  	s4 =	sld [smem:$0x3FFD];
	_ =	sdelay $0x3  }
0x97: {  	_ =	strace s4  }
0x98: {  	_ =	strace $0x8FFFFFFF  }
0x99: {  	s19 =	sld [smem:$0x3FDB];
	_ =	sdelay $0x1  }
0x9a: {  	s5 =	simm.s32 $_scs_section_size  }
0x9b: {  	s6 =	simm.s32 $_size__tile_overlayer_lowered;
	s7 =	simm.s32 $_tile_overlayer_lowered  }
0x9c: {  	s22 =	simm.s32 $0x1BFF;
	s21 =	sshll.u32 s7, $0x1;
	s4 =	sadd.s32 s5, s19  }
0x9d: {  	s8 =	simm.s32 $0x0;
	s20 =	sshll.u32 s6, $0x1;
	s6 =	sadd.s32 s21, s4  }
0x9e: {  	[timem:s8], [sflag:s22] =	dma.local [hbm:s6], s20  }
0x9f: {  	_ =	swait.ge [sflag:s22], s20  }
0xa0: {  	s5 =	ssub.s32 $0x0, s20;
	[sflag:s22] =	ssyncset.done $0x0  }
0xa1: {  	[sflag:s22] =	ssyncadd.s32 s5;
	_ =	sdelay $0x1  }
0xa2: {  	s23 =	simm.s32 $0x1B8B  }
0xa3: {  	_ =	swait.ge [sflag:s23], $0x1  }
0xa4: {  	[sflag:s23] =	ssyncset.done $0x0  }
0xa5: {  	s25 =	simm.s32 $0x1B8E;
	s24 =	sld [smem:$0x3FFE];
	[sflag:s23] =	ssyncadd.s32 $0xFFFFFFFF  }
0xa6: {  	s26 =	simm.s32 $execute0_lowered;
	[smem:$0x3FD2] =	sst s25  }
0xa7: {  	s6 =	sshll.u32 s26, $0x1;
	_ =	strace $0x80000049;
	[dreg:$0x1] =	wrdreg $0xFFFFFFFF  }
0xa8: {  	s28 =	simm.s32 $_size_execute0_lowered;
	s4 =	sadd.s32 s4, s6;
	[dreg:$0x0] =	wrdreg $0x0  }
0xa9: {  	s6 =	sshll.u32 s28, $0x1;
	[dreg:$0x2] =	wrdreg s4  }
0xaa: {  	[dreg:$0x3] =	wrdreg s6  }
0xab: {  	[dreg:$0x4] =	wrdreg $0xC0  }
0xac: {  	_ =	task [dreg:s8], $0x5FFFF  }
0xad: {  	[dreg:$0x1] =	wrdreg $0xFFFFFFFF  }
0xae: {  	[dreg:$0x0] =	wrdreg $0x60  }
0xaf: {  	[dreg:$0x2] =	wrdreg s18  }
0xb0: {  	[dreg:$0x3] =	wrdreg s2  }
0xb1: {  	[dreg:$0x4] =	wrdreg s24  }
0xb2: {  	[dreg:$0x5] =	wrdreg $0xD0000  }
0xb3: {  	[dreg:$0x6] =	wrdreg $0x9  }
0xb4: {  	_ =	task.clear_ibuf [dreg:s8], $0x7FFFF;
	_ =	strace $0x90000049  }
0xb5: {  	s29 =	simm.s32 $0x9;
	_ =	strace $0x8000004B  }
0xb6: {  	_ =	swait.ge [sflag:s29], $0x1  }
0xb7: {  	[sflag:s29] =	ssyncadd.s32 $0xFFFFFFFF  }
0xb8: {  	_ =	strace $0x9000004B  }
0xb9: {  	_ =	sfence  }
0xba: {  	s30 =	sld [smem:$0x0];
	_ =	sdelay $0x2  }
0xbb: {  	s31 =	sshll.u32 s1, $0xD;
	s1 =	sshrl.u32 s1, $0x2  }
0xbc: {  	s3 =	sand.u32 $0x4000, s31;
	s1 =	sadd.s32 s1, s30  }
0xbd: {  	s0 =	sor.u32 s3, s0;
	s1 =	sshll.u32 s1, $0x11  }
0xbe: {  	s0 =	sor.u32 s1, s0  }
0xbf: {  	s0 =	sadd.s32 $0x8F2B, s0  }
0xc0: {  	[sflag:s0] =	ssyncadd.remote.s32 $0x1  }
0xc1: {  	_ =	sfence.sel $0xFFFF  }
0xc2: {  	[dreg:$0x0] =	wrdreg $0xFFFFFFFF;
	(pc) =	sbr.abs _section_cstart, $3  }
0xc3: {  	[dreg:$0x1] =	wrdreg $0xFFFFFFFF  }
0xc4: {  	_ =	task.clear_ibuf [dreg:s8], $0x2FFFF;
	_ =	strace $0x9FFFFFFF  }
0xc5: {  	(tm) =	ssettm $0x7FFFFFFF  }
tec
execute0_lowered:
.L_overlay_start_1:
0x0: {  	(tag) =	ssettag $0x1  }
0x1: {  	s1 =	rddreg [dreg:$0x0]  }
0x2: {  	s0 =	rddreg [dreg:$0x1]  }
0x3: {  	s2 =	rddreg [dreg:$0x2]  }
0x4: {  	s3 =	rddreg [dreg:$0x3]  }
0x5: {  	s5 =	srdreg.scid;
	s9 =	stileid.u32  }
0x6: {  	s4 =	simm.s32 $0x0;
	s5 =	sand.u32 $0x1, s5;
	s6 =	sshll.u32 s9, $0xD  }
0x7: {  	[smem:$0x7FF] =	sst s4;
	s12 =	sshll.u32 s9, $0x10;
	s14 =	sshll.u32 s9, $0x6  }
0x8: {  	s7 =	sshll.u32 s5, $0x11;
	s8 =	ssub.s32 $0x2, s5;
	_ =	strace $0x8000004A  }
0x9: {  	s28 =	sshll.u32 s5, $0xD;
	s5 =	sadd.s32 s12, s3;
	[dreg:$0x6] =	wrdreg s14  }
0xa: {  	s13 =	sshll.u32 s9, $0x9;
	s16 =	sor.u32 $0x1C04, s14;
	[dreg:$0x5] =	wrdreg s5  }
0xb: {  	s6 =	sor.u32 s7, s6;
	s7 =	sadd.s32 s0, s13;
	[dreg:$0x8] =	wrdreg s16  }
0xc: {  	s15 =	sadd.s32 s1, s6;
	[smem:$0x7FC] =	sst s7  }
0xd: {  	s17 =	sadd.s32 $0x10, s7;
	[dreg:$0x7] =	wrdreg s15  }
0xe: {  	s18 =	sadd.s32 $0x20, s7;
	[dreg:$0x9] =	wrdreg s17  }
0xf: {  	s19 =	sadd.s32 $0x30, s7;
	[dreg:$0xa] =	wrdreg s18  }
0x10: {  	s20 =	sadd.s32 $0x40, s7;
	[dreg:$0xb] =	wrdreg s19  }
0x11: {  	s21 =	sadd.s32 $0x50, s7;
	[dreg:$0xc] =	wrdreg s20  }
0x12: {  	s22 =	sadd.s32 $0x60, s7;
	[dreg:$0xd] =	wrdreg s21  }
0x13: {  	s23 =	sadd.s32 $0x70, s7;
	[dreg:$0xe] =	wrdreg s22  }
0x14: {  	s24 =	sadd.s32 $0x80, s7;
	[dreg:$0xf] =	wrdreg s23  }
0x15: {  	s25 =	sadd.s32 $0x90, s7;
	[dreg:$0x10] =	wrdreg s24  }
0x16: {  	s26 =	sadd.s32 $0xA0, s7;
	[dreg:$0x11] =	wrdreg s25  }
0x17: {  	s1 =	sadd.s32 $0xB0, s7;
	[dreg:$0x12] =	wrdreg s26  }
0x18: {  	s3 =	sadd.s32 $0xC0, s7;
	[dreg:$0x13] =	wrdreg s1  }
0x19: {  	s5 =	sadd.s32 $0xD0, s7;
	[dreg:$0x14] =	wrdreg s3  }
0x1a: {  	s9 =	sadd.s32 $0xE0, s7;
	[dreg:$0x15] =	wrdreg s5  }
0x1b: {  	s11 =	sshrl.u32 s8, $0x1;
	s10 =	sadd.s32 $0xF0, s7;
	[dreg:$0x18] =	wrdreg s9  }
0x1c: {  	s8 =	ssub.s32 s8, s11;
	s11 =	sadd.s32 $0x100, s7;
	[dreg:$0x19] =	wrdreg s10  }
0x1d: {  	s12 =	sadd.s32 $0x110, s7;
	[dreg:$0x1a] =	wrdreg s11  }
0x1e: {  	s13 =	sadd.s32 $0x120, s7;
	[dreg:$0x1b] =	wrdreg s12  }
0x1f: {  	s29 =	simm.s32 $0xC00;
	s14 =	sadd.s32 $0x130, s7;
	[dreg:$0x1c] =	wrdreg s13  }
0x20: {  	s2 =	sadd.s32 s6, s2;
	s16 =	sadd.s32 $0x150, s7;
	[dreg:$0x1d] =	wrdreg s14  }
0x21: {  	s31 =	simm.s32 $0xC80;
	s6 =	sadd.s32 $0x1C00, s2;
	[dreg:$0x1f] =	wrdreg s16  }
0x22: {  	s30 =	simm.s32 $0xE00;
	s8 =	smax.u32 s8, $0x1;
	[dreg:$0x16] =	wrdreg s6  }
0x23: {  	v0 =	vmov s28;
	s28 =	simm.s32 $0x3;
	s15 =	sadd.s32 $0x140, s7;
	[dreg:$0x17] =	wrdreg s8  }
0x24: {  	s17 =	sadd.s32 $0x160, s7;
	s18 =	sadd.s32 $0x170, s7;
	[dreg:$0x1e] =	wrdreg s15  }
0x25: {  	s19 =	sadd.s32 $0x180, s7;
	s20 =	sadd.s32 $0x190, s7;
	[smem:$0x7F3] =	sst s17  }
0x26: {  	s21 =	sadd.s32 $0x1A0, s7;
	s22 =	sadd.s32 $0x1B0, s7;
	[smem:$0x7F4] =	sst s18  }
0x27: {  	s23 =	sadd.s32 $0x1C0, s7;
	s24 =	sadd.s32 $0x1D0, s7;
	[smem:$0x7F5] =	sst s19  }
0x28: {  	s25 =	sadd.s32 $0x1E0, s7;
	s26 =	sadd.s32 $0x1F0, s7;
	[smem:$0x7F6] =	sst s20  }
0x29: {  	s10 =	simm.s32 $0x900;
	s13 =	simm.s32 $0xA00;
	[smem:$0x7F7] =	sst s21  }
0x2a: {  	s14 =	simm.s32 $0xA80;
	s16 =	simm.s32 $0xB80;
	[smem:$0x7F8] =	sst s22  }
0x2b: {  	s7 =	simm.s32 $0x480;
	s1 =	simm.s32 $0xD80;
	[smem:$0x7F9] =	sst s23  }
0x2c: {  	s3 =	simm.s32 $0x600;
	s11 =	simm.s32 $0x680;
	[smem:$0x7FA] =	sst s24  }
0x2d: {  	s12 =	simm.s32 $0xE80;
	s5 =	simm.s32 $0x780;
	[smem:$0x7FB] =	sst s25  }
0x2e: {  	s9 =	simm.s32 $0xF80;
	[smem:$0x7FD] =	sst s26;
	s18 =	simm.s32 $0x80  }
0x2f: {  	s17 =	simm.s32 $0x980;
	s15 =	simm.s32 $0xB00;
	s20 =	simm.s32 $0x380  }
0x30: {  	s25 =	simm.s32 $0x400;
	s24 =	simm.s32 $0x500;
	s26 =	simm.s32 $0xD00  }
0x31: {  	s23 =	simm.s32 $0x580;
	s6 =	simm.s32 $0x700;
	s19 =	simm.s32 $0xF00  }
0x32: {  	s21 =	simm.s32 $0x1;
	s22 =	simm.s32 $0x2;
	s8 =	simm.s32 $0x0  }
.LBB2_1:
0x33: {  	[smem:$0x7F1] =	sst s8  }
0x34: {  	s0 =	rddreg [dreg:$0x5]  }
0x35: {  	s2 =	rddreg [dreg:$0x8]  }
0x36: {  	s8 =	sshrl.u32 s0, $0x3;
	s0 =	rddreg [dreg:$0x7]  }
0x37: {  	[smem:$0x7F2] =	sst s8  }
0x38: {  	[spmem:s8], [sflag:s2] =	dma.local [hbm:s0], $0x2000  }
0x39: {  	s0 =	sld [smem:$0x7FC];
	_ =	sdelay $0x2  }
0x3a: {  	[tilespmem:s4], [sflag:$0x1] =	stream.linear.gather [hbm4b:s0+s4], $0x80, $0x38;
	[tilespmem:$0x1D000] =	vst v63  }
0x3b: {  	s8 =	simm.s32 $0x800;
	s2 =	rddreg [dreg:$0x9]  }
0x3c: {  	[tilespmem:s8], [sflag:$0x2] =	stream.linear.gather [hbm4b:s2+s4], $0x80, $0x38;
	[tilespmem:$0x1D000] =	vst v63  }
0x3d: {  	s8 =	rddreg [dreg:$0xa]  }
0x3e: {  	[tilespmem:s18], [sflag:$0x1] =	stream.linear.gather [hbm4b:s8+s4], $0x80, $0x38;
	[tilespmem:$0x1D000] =	vst v63  }
0x3f: {  	s2 =	rddreg [dreg:$0xb];
	s8 =	simm.s32 $0x880  }
0x40: {  	[tilespmem:s8], [sflag:$0x2] =	stream.linear.gather [hbm4b:s2+s4], $0x80, $0x38;
	[tilespmem:$0x1D000] =	vst v63  }
0x41: {  	s2 =	rddreg [dreg:$0xc];
	s8 =	simm.s32 $0x100  }
0x42: {  	[tilespmem:s8], [sflag:$0x1] =	stream.linear.gather [hbm4b:s2+s4], $0x80, $0x38;
	[tilespmem:$0x1D000] =	vst v63  }
0x43: {  	s8 =	rddreg [dreg:$0xd]  }
0x44: {  	s2 =	rddreg [dreg:$0xe]  }
0x45: {  	[tilespmem:s10], [sflag:$0x2] =	stream.linear.gather [hbm4b:s8+s4], $0x80, $0x38;
	[tilespmem:$0x1D000] =	vst v63  }
0x46: {  	s8 =	simm.s32 $0x180;
	s10 =	rddreg [dreg:$0xf]  }
0x47: {  	[tilespmem:s8], [sflag:$0x1] =	stream.linear.gather [hbm4b:s2+s4], $0x80, $0x38;
	[tilespmem:$0x1D000] =	vst v63  }
0x48: {  	s2 =	rddreg [dreg:$0x10]  }
0x49: {  	[tilespmem:s17], [sflag:$0x2] =	stream.linear.gather [hbm4b:s10+s4], $0x80, $0x38;
	[tilespmem:$0x1D000] =	vst v63  }
0x4a: {  	s8 =	simm.s32 $0x200;
	s10 =	rddreg [dreg:$0x11]  }
0x4b: {  	[tilespmem:s8], [sflag:$0x1] =	stream.linear.gather [hbm4b:s2+s4], $0x80, $0x38;
	[tilespmem:$0x1D000] =	vst v63  }
0x4c: {  	s8 =	rddreg [dreg:$0x13]  }
0x4d: {  	[tilespmem:s13], [sflag:$0x2] =	stream.linear.gather [hbm4b:s10+s4], $0x80, $0x38;
	[tilespmem:$0x1D000] =	vst v63  }
0x4e: {  	s17 =	simm.s32 $0x280;
	s13 =	rddreg [dreg:$0x12]  }
0x4f: {  	[tilespmem:s17], [sflag:$0x1] =	stream.linear.gather [hbm4b:s13+s4], $0x80, $0x38;
	[tilespmem:$0x1D000] =	vst v63  }
0x50: {  	s2 =	rddreg [dreg:$0x1d]  }
0x51: {  	[tilespmem:s14], [sflag:$0x2] =	stream.linear.gather [hbm4b:s8+s4], $0x80, $0x38;
	[tilespmem:$0x1D000] =	vst v63  }
0x52: {  	s10 =	rddreg [dreg:$0x14];
	s13 =	simm.s32 $0x300  }
0x53: {  	[tilespmem:s13], [sflag:$0x1] =	stream.linear.gather [hbm4b:s10+s4], $0x80, $0x38;
	[tilespmem:$0x1D000] =	vst v63  }
0x54: {  	s14 =	rddreg [dreg:$0x15]  }
0x55: {  	[tilespmem:s15], [sflag:$0x2] =	stream.linear.gather [hbm4b:s14+s4], $0x80, $0x38;
	[tilespmem:$0x1D000] =	vst v63  }
0x56: {  	s15 =	rddreg [dreg:$0x18]  }
0x57: {  	[tilespmem:s20], [sflag:$0x1] =	stream.linear.gather [hbm4b:s15+s4], $0x80, $0x38;
	[tilespmem:$0x1D000] =	vst v63  }
0x58: {  	s17 =	rddreg [dreg:$0x19]  }
0x59: {  	[tilespmem:s16], [sflag:$0x2] =	stream.linear.gather [hbm4b:s17+s4], $0x80, $0x38;
	[tilespmem:$0x1D000] =	vst v63  }
0x5a: {  	s20 =	rddreg [dreg:$0x1a]  }
0x5b: {  	[tilespmem:s25], [sflag:$0x1] =	stream.linear.gather [hbm4b:s20+s4], $0x80, $0x38;
	[tilespmem:$0x1D000] =	vst v63  }
0x5c: {  	s25 =	rddreg [dreg:$0x1b]  }
0x5d: {  	[tilespmem:s29], [sflag:$0x2] =	stream.linear.gather [hbm4b:s25+s4], $0x80, $0x38;
	[tilespmem:$0x1D000] =	vst v63  }
0x5e: {  	s29 =	rddreg [dreg:$0x1c]  }
0x5f: {  	[tilespmem:s7], [sflag:$0x1] =	stream.linear.gather [hbm4b:s29+s4], $0x80, $0x38;
	[tilespmem:$0x1D000] =	vst v63  }
0x60: {  	s8 =	rddreg [dreg:$0x1f]  }
0x61: {  	[tilespmem:s31], [sflag:$0x2] =	stream.linear.gather [hbm4b:s2+s4], $0x80, $0x38;
	[tilespmem:$0x1D000] =	vst v63  }
0x62: {  	s7 =	rddreg [dreg:$0x1e]  }
0x63: {  	[tilespmem:s24], [sflag:$0x1] =	stream.linear.gather [hbm4b:s7+s4], $0x80, $0x38;
	[tilespmem:$0x1D000] =	vst v63  }
0x64: {  	s10 =	sld [smem:$0x7F3]  }
0x65: {  	[tilespmem:s26], [sflag:$0x2] =	stream.linear.gather [hbm4b:s8+s4], $0x80, $0x38;
	[tilespmem:$0x1D000] =	vst v63  }
0x66: {  	s13 =	sld [smem:$0x7F4]  }
0x67: {  	[tilespmem:s23], [sflag:$0x1] =	stream.linear.gather [hbm4b:s10+s4], $0x80, $0x38;
	[tilespmem:$0x1D000] =	vst v63  }
0x68: {  	s14 =	sld [smem:$0x7F5]  }
0x69: {  	[tilespmem:s1], [sflag:$0x2] =	stream.linear.gather [hbm4b:s13+s4], $0x80, $0x38;
	[tilespmem:$0x1D000] =	vst v63  }
0x6a: {  	s15 =	sld [smem:$0x7F6]  }
0x6b: {  	[tilespmem:s3], [sflag:$0x1] =	stream.linear.gather [hbm4b:s14+s4], $0x80, $0x38;
	[tilespmem:$0x1D000] =	vst v63  }
0x6c: {  	s16 =	sld [smem:$0x7F7]  }
0x6d: {  	[tilespmem:s30], [sflag:$0x2] =	stream.linear.gather [hbm4b:s15+s4], $0x80, $0x38;
	[tilespmem:$0x1D000] =	vst v63  }
0x6e: {  	s17 =	sld [smem:$0x7F8]  }
0x6f: {  	[tilespmem:s11], [sflag:$0x1] =	stream.linear.gather [hbm4b:s16+s4], $0x80, $0x38;
	[tilespmem:$0x1D000] =	vst v63  }
0x70: {  	s20 =	sld [smem:$0x7F9]  }
0x71: {  	[tilespmem:s12], [sflag:$0x2] =	stream.linear.gather [hbm4b:s17+s4], $0x80, $0x38;
	[tilespmem:$0x1D000] =	vst v63  }
0x72: {  	s23 =	sld [smem:$0x7FA]  }
0x73: {  	[tilespmem:s6], [sflag:$0x1] =	stream.linear.gather [hbm4b:s20+s4], $0x80, $0x38;
	[tilespmem:$0x1D000] =	vst v63  }
0x74: {  	s24 =	sld [smem:$0x7FB]  }
0x75: {  	[tilespmem:s19], [sflag:$0x2] =	stream.linear.gather [hbm4b:s23+s4], $0x80, $0x38;
	[tilespmem:$0x1D000] =	vst v63  }
0x76: {  	s25 =	sld [smem:$0x7FD]  }
0x77: {  	[tilespmem:s5], [sflag:$0x1] =	stream.linear.gather [hbm4b:s24+s4], $0x80, $0x38;
	[tilespmem:$0x1D000] =	vst v63  }
0x78: {  	_ = 	snop  }
0x79: {  	[tilespmem:s9], [sflag:$0x2] =	stream.linear.gather [hbm4b:s25+s4], $0x80, $0x38;
	[tilespmem:$0x1D000] =	vst v63  }
0x7a: {  	_ =	swait.ge [sflag:s21], $0x80  }
0x7b: {  	[sflag:s21] =	ssyncset.done $0x0  }
0x7c: {  	[sflag:s21] =	ssyncadd.s32 $0xFFFFFF80  }
0x7d: {  	_ =	swait.ge [sflag:s22], $0x80  }
0x7e: {  	[sflag:s22] =	ssyncset.done $0x0  }
0x7f: {  	[sflag:s22] =	ssyncadd.s32 $0xFFFFFF80  }
0x80: {  	_ =	swait.ge [sflag:s21], $0x80  }
0x81: {  	[sflag:s21] =	ssyncset.done $0x0  }
0x82: {  	[sflag:s21] =	ssyncadd.s32 $0xFFFFFF80  }
0x83: {  	_ =	swait.ge [sflag:s22], $0x80  }
0x84: {  	[sflag:s22] =	ssyncset.done $0x0  }
0x85: {  	[sflag:s22] =	ssyncadd.s32 $0xFFFFFF80  }
0x86: {  	_ =	swait.ge [sflag:s21], $0x80  }
0x87: {  	[sflag:s21] =	ssyncset.done $0x0  }
0x88: {  	[sflag:s21] =	ssyncadd.s32 $0xFFFFFF80  }
0x89: {  	_ =	swait.ge [sflag:s22], $0x80  }
0x8a: {  	[sflag:s22] =	ssyncset.done $0x0  }
0x8b: {  	[sflag:s22] =	ssyncadd.s32 $0xFFFFFF80  }
0x8c: {  	_ =	swait.ge [sflag:s21], $0x80  }
0x8d: {  	[sflag:s21] =	ssyncset.done $0x0  }
0x8e: {  	[sflag:s21] =	ssyncadd.s32 $0xFFFFFF80  }
0x8f: {  	_ =	swait.ge [sflag:s22], $0x80  }
0x90: {  	[sflag:s22] =	ssyncset.done $0x0  }
0x91: {  	[sflag:s22] =	ssyncadd.s32 $0xFFFFFF80  }
0x92: {  	_ =	swait.ge [sflag:s21], $0x80  }
0x93: {  	[sflag:s21] =	ssyncset.done $0x0  }
0x94: {  	[sflag:s21] =	ssyncadd.s32 $0xFFFFFF80  }
0x95: {  	_ =	swait.ge [sflag:s22], $0x80  }
0x96: {  	[sflag:s22] =	ssyncset.done $0x0  }
0x97: {  	[sflag:s22] =	ssyncadd.s32 $0xFFFFFF80  }
0x98: {  	_ =	swait.ge [sflag:s21], $0x80  }
0x99: {  	[sflag:s21] =	ssyncset.done $0x0  }
0x9a: {  	[sflag:s21] =	ssyncadd.s32 $0xFFFFFF80  }
0x9b: {  	_ =	swait.ge [sflag:s22], $0x80  }
0x9c: {  	[sflag:s22] =	ssyncset.done $0x0  }
0x9d: {  	[sflag:s22] =	ssyncadd.s32 $0xFFFFFF80  }
0x9e: {  	_ =	swait.ge [sflag:s21], $0x80  }
0x9f: {  	[sflag:s21] =	ssyncset.done $0x0  }
0xa0: {  	[sflag:s21] =	ssyncadd.s32 $0xFFFFFF80  }
0xa1: {  	_ =	swait.ge [sflag:s22], $0x80  }
0xa2: {  	[sflag:s22] =	ssyncset.done $0x0  }
0xa3: {  	[sflag:s22] =	ssyncadd.s32 $0xFFFFFF80  }
0xa4: {  	_ =	swait.ge [sflag:s21], $0x80  }
0xa5: {  	[sflag:s21] =	ssyncset.done $0x0  }
0xa6: {  	[sflag:s21] =	ssyncadd.s32 $0xFFFFFF80  }
0xa7: {  	_ =	swait.ge [sflag:s22], $0x80  }
0xa8: {  	[sflag:s22] =	ssyncset.done $0x0  }
0xa9: {  	[sflag:s22] =	ssyncadd.s32 $0xFFFFFF80  }
0xaa: {  	_ =	swait.ge [sflag:s21], $0x80  }
0xab: {  	[sflag:s21] =	ssyncset.done $0x0  }
0xac: {  	[sflag:s21] =	ssyncadd.s32 $0xFFFFFF80  }
0xad: {  	_ =	swait.ge [sflag:s22], $0x80  }
0xae: {  	[sflag:s22] =	ssyncset.done $0x0  }
0xaf: {  	[sflag:s22] =	ssyncadd.s32 $0xFFFFFF80  }
0xb0: {  	_ =	swait.ge [sflag:s21], $0x80  }
0xb1: {  	[sflag:s21] =	ssyncset.done $0x0  }
0xb2: {  	[sflag:s21] =	ssyncadd.s32 $0xFFFFFF80  }
0xb3: {  	_ =	swait.ge [sflag:s22], $0x80  }
0xb4: {  	[sflag:s22] =	ssyncset.done $0x0  }
0xb5: {  	[sflag:s22] =	ssyncadd.s32 $0xFFFFFF80  }
0xb6: {  	_ =	swait.ge [sflag:s21], $0x80  }
0xb7: {  	[sflag:s21] =	ssyncset.done $0x0  }
0xb8: {  	[sflag:s21] =	ssyncadd.s32 $0xFFFFFF80  }
0xb9: {  	_ =	swait.ge [sflag:s22], $0x80  }
0xba: {  	[sflag:s22] =	ssyncset.done $0x0  }
0xbb: {  	[sflag:s22] =	ssyncadd.s32 $0xFFFFFF80  }
0xbc: {  	_ =	swait.ge [sflag:s21], $0x80  }
0xbd: {  	[sflag:s21] =	ssyncset.done $0x0  }
0xbe: {  	[sflag:s21] =	ssyncadd.s32 $0xFFFFFF80  }
0xbf: {  	_ =	swait.ge [sflag:s22], $0x80  }
0xc0: {  	[sflag:s22] =	ssyncset.done $0x0  }
0xc1: {  	[sflag:s22] =	ssyncadd.s32 $0xFFFFFF80  }
0xc2: {  	_ =	swait.ge [sflag:s21], $0x80  }
0xc3: {  	[sflag:s21] =	ssyncset.done $0x0  }
0xc4: {  	[sflag:s21] =	ssyncadd.s32 $0xFFFFFF80  }
0xc5: {  	_ =	swait.ge [sflag:s22], $0x80  }
0xc6: {  	[sflag:s22] =	ssyncset.done $0x0  }
0xc7: {  	[sflag:s22] =	ssyncadd.s32 $0xFFFFFF80  }
0xc8: {  	_ =	swait.ge [sflag:s21], $0x80  }
0xc9: {  	[sflag:s21] =	ssyncset.done $0x0  }
0xca: {  	[sflag:s21] =	ssyncadd.s32 $0xFFFFFF80  }
0xcb: {  	_ =	swait.ge [sflag:s22], $0x80  }
0xcc: {  	[sflag:s22] =	ssyncset.done $0x0  }
0xcd: {  	[sflag:s22] =	ssyncadd.s32 $0xFFFFFF80  }
0xce: {  	_ =	swait.ge [sflag:s21], $0x80  }
0xcf: {  	[sflag:s21] =	ssyncset.done $0x0  }
0xd0: {  	[sflag:s21] =	ssyncadd.s32 $0xFFFFFF80  }
0xd1: {  	_ =	swait.ge [sflag:s22], $0x80  }
0xd2: {  	[sflag:s22] =	ssyncset.done $0x0  }
0xd3: {  	[sflag:s22] =	ssyncadd.s32 $0xFFFFFF80  }
0xd4: {  	_ =	swait.ge [sflag:s21], $0x80  }
0xd5: {  	[sflag:s21] =	ssyncset.done $0x0  }
0xd6: {  	[sflag:s21] =	ssyncadd.s32 $0xFFFFFF80  }
0xd7: {  	s26 =	sand.u32 $0x1E00, s4;
	_ =	swait.ge [sflag:s22], $0x80  }
0xd8: {  	s29 =	sand.u32 $0x70, s4;
	s0 =	sshrl.u32 s26, $0x2;
	[sflag:s22] =	ssyncset.done $0x0  }
0xd9: {  	s31 =	simm.s32 $0x40;
	s0 =	sor.u32 s29, s0;
	[sflag:s22] =	ssyncadd.s32 $0xFFFFFF80  }
0xda: {  	s2 =	simm.s32 $0x10;
	s7 =	simm.s32 $0x480;
	s8 =	sand.u32 $0x1E00, s31;
	v1 =	vld [tilespmem:s0+$0x0]  }
0xdb: {  	s26 =	simm.s32 $0x580;
	s10 =	simm.s32 $0x180;
	s1 =	simm.s32 $0x600  }
0xdc: {  	s14 =	simm.s32 $0x300;
	s15 =	simm.s32 $0x380;
	s30 =	simm.s32 $0x680  }
0xdd: {  	s16 =	simm.s32 $0x400;
	s12 =	simm.s32 $0x200;
	s6 =	simm.s32 $0x280  }
0xde: {  	s19 =	simm.s32 $0x780;
	s5 =	simm.s32 $0x80;
	s24 =	simm.s32 $0x500  }
.LBB2_2:
0xdf: {  	p0 =	sne.s32 s5, $0x1FC0;
	s9 =	sand.u32 $0x70, s2;
	s8 =	sshrl.u32 s8, $0x2;
	v1 =	vadd.s32 v0, v1  }
0xe0: {  	[tilespmem:s0+$0x0] =	vst v1;
	s0 =	sor.u32 s9, s8  }
.Ltmp0:
0xe1: {  	v1 =	vld [tilespmem:s0+$0x0];
	(pc) =	sbr.rel @p0 .LBB2_2-.Ltmp0, $2  }
0xe2: {  	_ =	sdelay $0x2  }
0xe3: {  	s2 =	sadd.s32 $0x10, s2;
	s8 =	sand.u32 $0x1E00, s5;
	s5 =	sadd.s32 $0x40, s5  }
0xe4: {  	s2 =	sand.u32 $0x70, s2;
	s5 =	sshrl.u32 s8, $0x2;
	v1 =	vadd.s32 v0, v1  }
0xe5: {  	s2 =	sor.u32 s2, s5;
	[tilespmem:s0+$0x0] =	vst v1  }
0xe6: {  	v1 =	vld [tilespmem:s2+$0x0];
	_ =	sdelay $0x4  }
0xe7: {  	v1 =	vadd.s32 v0, v1  }
0xe8: {  	s8 =	simm.s32 $0x1000;
	s0 =	rddreg [dreg:$0x0];
	[tilespmem:s2+$0x0] =	vst v1  }
0xe9: {  	[tilespmem:s8], [sflag:$0x1] =	stream.indirect.gather [hbm4b:s0+s18], $0x80, s4, s18, $0xb8;
	[tilespmem:$0x1D000] =	vst v63  }
0xea: {  	s20 =	simm.s32 $0x4;
	s5 =	simm.s32 $0x5000  }
0xeb: {  	[tilespmem:s5], [sflag:$0x2] =	stream.indirect.gather [hbm4b:s0+s18], $0x80, s18, s18, $0xb8;
	[tilespmem:$0x1D000] =	vst v63  }
0xec: {  	_ =	swait.ge [sflag:s20], $0x2000  }
0xed: {  	[sflag:s20] =	ssyncset.done $0x0  }
0xee: {  	[sflag:s20] =	ssyncadd.s32 $0xFFFFE000  }
0xef: {  	[bflag:$0x0] =	sbarrier.arrive $0xFFFF  }
0xf0: {  	_ =	swait.ge [sflag:s21], $0x4000  }
0xf1: {  	[sflag:s21] =	ssyncset.done $0x0  }
0xf2: {  	[sflag:s21] =	ssyncadd.s32 $0xFFFFC000  }
0xf3: {  	s3 =	simm.s32 $0x800;
	s2 =	rddreg [dreg:$0x3]  }
0xf4: {  	[spmem:s2] =	stream.indirect.scatter.add.f32 [tilespmem:s8], [sflag:$0x3], $0x80, s3, s18, $0xb8;
	[tilespmem:$0x1D000] =	vst v63  }
0xf5: {  	s23 =	simm.s32 $0x100;
	s9 =	simm.s32 $0x9000  }
0xf6: {  	[tilespmem:s9], [sflag:$0x1] =	stream.indirect.gather [hbm4b:s0+s18], $0x80, s23, s18, $0xb8;
	[tilespmem:$0x1D000] =	vst v63  }
0xf7: {  	_ =	swait.ge [sflag:s22], $0x4000  }
0xf8: {  	[sflag:s22] =	ssyncset.done $0x0  }
0xf9: {  	[sflag:s22] =	ssyncadd.s32 $0xFFFFC000  }
0xfa: {  	_ =	swait.ge [sflag:s28], $0x4000  }
0xfb: {  	[sflag:s28] =	ssyncset.done $0x0  }
0xfc: {  	s25 =	simm.s32 $0x880;
	[sflag:s28] =	ssyncadd.s32 $0xFFFFC000  }
0xfd: {  	[spmem:s2] =	stream.indirect.scatter.add.f32 [tilespmem:s5], [sflag:$0x3], $0x80, s25, s18, $0xb8;
	[tilespmem:$0x1D000] =	vst v63  }
0xfe: {  	_ = 	snop  }
0xff: {  	[tilespmem:s8], [sflag:$0x2] =	stream.indirect.gather [hbm4b:s0+s18], $0x80, s10, s18, $0xb8;
	[tilespmem:$0x1D000] =	vst v63  }
0x100: {  	_ =	swait.ge [sflag:s21], $0x4000  }
0x101: {  	[sflag:s21] =	ssyncset.done $0x0  }
0x102: {  	[sflag:s21] =	ssyncadd.s32 $0xFFFFC000  }
0x103: {  	_ =	swait.ge [sflag:s28], $0x4000  }
0x104: {  	[sflag:s28] =	ssyncset.done $0x0  }
0x105: {  	s10 =	simm.s32 $0x900;
	[sflag:s28] =	ssyncadd.s32 $0xFFFFC000  }
0x106: {  	[spmem:s2] =	stream.indirect.scatter.add.f32 [tilespmem:s9], [sflag:$0x3], $0x80, s10, s18, $0xb8;
	[tilespmem:$0x1D000] =	vst v63  }
0x107: {  	_ = 	snop  }
0x108: {  	[tilespmem:s5], [sflag:$0x1] =	stream.indirect.gather [hbm4b:s0+s18], $0x80, s12, s18, $0xb8;
	[tilespmem:$0x1D000] =	vst v63  }
0x109: {  	_ =	swait.ge [sflag:s22], $0x4000  }
0x10a: {  	[sflag:s22] =	ssyncset.done $0x0  }
0x10b: {  	[sflag:s22] =	ssyncadd.s32 $0xFFFFC000  }
0x10c: {  	_ =	swait.ge [sflag:s28], $0x4000  }
0x10d: {  	[sflag:s28] =	ssyncset.done $0x0  }
0x10e: {  	s17 =	simm.s32 $0x980;
	[sflag:s28] =	ssyncadd.s32 $0xFFFFC000  }
0x10f: {  	[spmem:s2] =	stream.indirect.scatter.add.f32 [tilespmem:s8], [sflag:$0x3], $0x80, s17, s18, $0xb8;
	[tilespmem:$0x1D000] =	vst v63  }
0x110: {  	_ = 	snop  }
0x111: {  	[tilespmem:s9], [sflag:$0x2] =	stream.indirect.gather [hbm4b:s0+s18], $0x80, s6, s18, $0xb8;
	[tilespmem:$0x1D000] =	vst v63  }
0x112: {  	_ =	swait.ge [sflag:s21], $0x4000  }
0x113: {  	[sflag:s21] =	ssyncset.done $0x0  }
0x114: {  	[sflag:s21] =	ssyncadd.s32 $0xFFFFC000  }
0x115: {  	_ =	swait.ge [sflag:s28], $0x4000  }
0x116: {  	[sflag:s28] =	ssyncset.done $0x0  }
0x117: {  	s13 =	simm.s32 $0xA00;
	[sflag:s28] =	ssyncadd.s32 $0xFFFFC000  }
0x118: {  	[spmem:s2] =	stream.indirect.scatter.add.f32 [tilespmem:s5], [sflag:$0x3], $0x80, s13, s18, $0xb8;
	[tilespmem:$0x1D000] =	vst v63  }
0x119: {  	_ = 	snop  }
0x11a: {  	[tilespmem:s8], [sflag:$0x1] =	stream.indirect.gather [hbm4b:s0+s18], $0x80, s14, s18, $0xb8;
	[tilespmem:$0x1D000] =	vst v63  }
0x11b: {  	_ =	swait.ge [sflag:s22], $0x4000  }
0x11c: {  	[sflag:s22] =	ssyncset.done $0x0  }
0x11d: {  	[sflag:s22] =	ssyncadd.s32 $0xFFFFC000  }
0x11e: {  	_ =	swait.ge [sflag:s28], $0x4000  }
0x11f: {  	[sflag:s28] =	ssyncset.done $0x0  }
0x120: {  	s14 =	simm.s32 $0xA80;
	[sflag:s28] =	ssyncadd.s32 $0xFFFFC000  }
0x121: {  	[spmem:s2] =	stream.indirect.scatter.add.f32 [tilespmem:s9], [sflag:$0x3], $0x80, s14, s18, $0xb8;
	[tilespmem:$0x1D000] =	vst v63  }
0x122: {  	_ = 	snop  }
0x123: {  	[tilespmem:s5], [sflag:$0x2] =	stream.indirect.gather [hbm4b:s0+s18], $0x80, s15, s18, $0xb8;
	[tilespmem:$0x1D000] =	vst v63  }
0x124: {  	_ =	swait.ge [sflag:s21], $0x4000  }
0x125: {  	[sflag:s21] =	ssyncset.done $0x0  }
0x126: {  	[sflag:s21] =	ssyncadd.s32 $0xFFFFC000  }
0x127: {  	_ =	swait.ge [sflag:s28], $0x4000  }
0x128: {  	[sflag:s28] =	ssyncset.done $0x0  }
0x129: {  	s15 =	simm.s32 $0xB00;
	[sflag:s28] =	ssyncadd.s32 $0xFFFFC000  }
0x12a: {  	[spmem:s2] =	stream.indirect.scatter.add.f32 [tilespmem:s8], [sflag:$0x3], $0x80, s15, s18, $0xb8;
	[tilespmem:$0x1D000] =	vst v63  }
0x12b: {  	_ = 	snop  }
0x12c: {  	[tilespmem:s9], [sflag:$0x1] =	stream.indirect.gather [hbm4b:s0+s18], $0x80, s16, s18, $0xb8;
	[tilespmem:$0x1D000] =	vst v63  }
0x12d: {  	_ =	swait.ge [sflag:s22], $0x4000  }
0x12e: {  	[sflag:s22] =	ssyncset.done $0x0  }
0x12f: {  	[sflag:s22] =	ssyncadd.s32 $0xFFFFC000  }
0x130: {  	_ =	swait.ge [sflag:s28], $0x4000  }
0x131: {  	[sflag:s28] =	ssyncset.done $0x0  }
0x132: {  	s16 =	simm.s32 $0xB80;
	[sflag:s28] =	ssyncadd.s32 $0xFFFFC000  }
0x133: {  	[spmem:s2] =	stream.indirect.scatter.add.f32 [tilespmem:s5], [sflag:$0x3], $0x80, s16, s18, $0xb8;
	[tilespmem:$0x1D000] =	vst v63  }
0x134: {  	_ = 	snop  }
0x135: {  	[tilespmem:s8], [sflag:$0x2] =	stream.indirect.gather [hbm4b:s0+s18], $0x80, s7, s18, $0xb8;
	[tilespmem:$0x1D000] =	vst v63  }
0x136: {  	_ =	swait.ge [sflag:s21], $0x4000  }
0x137: {  	[sflag:s21] =	ssyncset.done $0x0  }
0x138: {  	[sflag:s21] =	ssyncadd.s32 $0xFFFFC000  }
0x139: {  	_ =	swait.ge [sflag:s28], $0x4000  }
0x13a: {  	[sflag:s28] =	ssyncset.done $0x0  }
0x13b: {  	s29 =	simm.s32 $0xC00;
	[sflag:s28] =	ssyncadd.s32 $0xFFFFC000  }
0x13c: {  	[spmem:s2] =	stream.indirect.scatter.add.f32 [tilespmem:s9], [sflag:$0x3], $0x80, s29, s18, $0xb8;
	[tilespmem:$0x1D000] =	vst v63  }
0x13d: {  	_ = 	snop  }
0x13e: {  	[tilespmem:s5], [sflag:$0x1] =	stream.indirect.gather [hbm4b:s0+s18], $0x80, s24, s18, $0xb8;
	[tilespmem:$0x1D000] =	vst v63  }
0x13f: {  	_ =	swait.ge [sflag:s22], $0x4000  }
0x140: {  	[sflag:s22] =	ssyncset.done $0x0  }
0x141: {  	[sflag:s22] =	ssyncadd.s32 $0xFFFFC000  }
0x142: {  	_ =	swait.ge [sflag:s28], $0x4000  }
0x143: {  	[sflag:s28] =	ssyncset.done $0x0  }
0x144: {  	s31 =	simm.s32 $0xC80;
	[sflag:s28] =	ssyncadd.s32 $0xFFFFC000  }
0x145: {  	[spmem:s2] =	stream.indirect.scatter.add.f32 [tilespmem:s8], [sflag:$0x3], $0x80, s31, s18, $0xb8;
	[tilespmem:$0x1D000] =	vst v63  }
0x146: {  	_ = 	snop  }
0x147: {  	[tilespmem:s9], [sflag:$0x2] =	stream.indirect.gather [hbm4b:s0+s18], $0x80, s26, s18, $0xb8;
	[tilespmem:$0x1D000] =	vst v63  }
0x148: {  	_ =	swait.ge [sflag:s21], $0x4000  }
0x149: {  	[sflag:s21] =	ssyncset.done $0x0  }
0x14a: {  	[sflag:s21] =	ssyncadd.s32 $0xFFFFC000  }
0x14b: {  	_ =	swait.ge [sflag:s28], $0x4000  }
0x14c: {  	[sflag:s28] =	ssyncset.done $0x0  }
0x14d: {  	s26 =	simm.s32 $0xD00;
	[sflag:s28] =	ssyncadd.s32 $0xFFFFC000  }
0x14e: {  	[spmem:s2] =	stream.indirect.scatter.add.f32 [tilespmem:s5], [sflag:$0x3], $0x80, s26, s18, $0xb8;
	[tilespmem:$0x1D000] =	vst v63  }
0x14f: {  	_ = 	snop  }
0x150: {  	[tilespmem:s8], [sflag:$0x1] =	stream.indirect.gather [hbm4b:s0+s18], $0x80, s1, s18, $0xb8;
	[tilespmem:$0x1D000] =	vst v63  }
0x151: {  	_ =	swait.ge [sflag:s22], $0x4000  }
0x152: {  	[sflag:s22] =	ssyncset.done $0x0  }
0x153: {  	[sflag:s22] =	ssyncadd.s32 $0xFFFFC000  }
0x154: {  	_ =	swait.ge [sflag:s28], $0x4000  }
0x155: {  	[sflag:s28] =	ssyncset.done $0x0  }
0x156: {  	s1 =	simm.s32 $0xD80;
	[sflag:s28] =	ssyncadd.s32 $0xFFFFC000  }
0x157: {  	[spmem:s2] =	stream.indirect.scatter.add.f32 [tilespmem:s9], [sflag:$0x3], $0x80, s1, s18, $0xb8;
	[tilespmem:$0x1D000] =	vst v63  }
0x158: {  	_ = 	snop  }
0x159: {  	[tilespmem:s5], [sflag:$0x2] =	stream.indirect.gather [hbm4b:s0+s18], $0x80, s30, s18, $0xb8;
	[tilespmem:$0x1D000] =	vst v63  }
0x15a: {  	_ =	swait.ge [sflag:s21], $0x4000  }
0x15b: {  	[sflag:s21] =	ssyncset.done $0x0  }
0x15c: {  	[sflag:s21] =	ssyncadd.s32 $0xFFFFC000  }
0x15d: {  	_ =	swait.ge [sflag:s28], $0x4000  }
0x15e: {  	[sflag:s28] =	ssyncset.done $0x0  }
0x15f: {  	s30 =	simm.s32 $0xE00;
	[sflag:s28] =	ssyncadd.s32 $0xFFFFC000  }
0x160: {  	[spmem:s2] =	stream.indirect.scatter.add.f32 [tilespmem:s8], [sflag:$0x3], $0x80, s30, s18, $0xb8;
	[tilespmem:$0x1D000] =	vst v63  }
0x161: {  	s6 =	simm.s32 $0x700  }
0x162: {  	[tilespmem:s9], [sflag:$0x1] =	stream.indirect.gather [hbm4b:s0+s18], $0x80, s6, s18, $0xb8;
	[tilespmem:$0x1D000] =	vst v63  }
0x163: {  	_ =	swait.ge [sflag:s22], $0x4000  }
0x164: {  	[sflag:s22] =	ssyncset.done $0x0  }
0x165: {  	[sflag:s22] =	ssyncadd.s32 $0xFFFFC000  }
0x166: {  	_ =	swait.ge [sflag:s28], $0x4000  }
0x167: {  	[sflag:s28] =	ssyncset.done $0x0  }
0x168: {  	s12 =	simm.s32 $0xE80;
	[sflag:s28] =	ssyncadd.s32 $0xFFFFC000  }
0x169: {  	[spmem:s2] =	stream.indirect.scatter.add.f32 [tilespmem:s5], [sflag:$0x3], $0x80, s12, s18, $0xb8;
	[tilespmem:$0x1D000] =	vst v63  }
0x16a: {  	_ = 	snop  }
0x16b: {  	[tilespmem:s8], [sflag:$0x2] =	stream.indirect.gather [hbm4b:s0+s18], $0x80, s19, s18, $0xb8;
	[tilespmem:$0x1D000] =	vst v63  }
0x16c: {  	_ =	swait.ge [sflag:s21], $0x4000  }
0x16d: {  	[sflag:s21] =	ssyncset.done $0x0  }
0x16e: {  	[sflag:s21] =	ssyncadd.s32 $0xFFFFC000  }
0x16f: {  	_ =	swait.ge [sflag:s28], $0x4000  }
0x170: {  	[sflag:s28] =	ssyncset.done $0x0  }
0x171: {  	s19 =	simm.s32 $0xF00;
	[sflag:s28] =	ssyncadd.s32 $0xFFFFC000  }
0x172: {  	[spmem:s2] =	stream.indirect.scatter.add.f32 [tilespmem:s9], [sflag:$0x3], $0x80, s19, s18, $0xb8;
	[tilespmem:$0x1D000] =	vst v63  }
0x173: {  	_ =	swait.ge [sflag:s22], $0x4000  }
0x174: {  	[sflag:s22] =	ssyncset.done $0x0  }
0x175: {  	[sflag:s22] =	ssyncadd.s32 $0xFFFFC000  }
0x176: {  	_ =	swait.ge [sflag:s28], $0x4000  }
0x177: {  	[sflag:s28] =	ssyncset.done $0x0  }
0x178: {  	s9 =	simm.s32 $0xF80;
	[sflag:s28] =	ssyncadd.s32 $0xFFFFC000  }
0x179: {  	[spmem:s2] =	stream.indirect.scatter.add.f32 [tilespmem:s8], [sflag:$0x3], $0x80, s9, s18, $0xb8;
	[tilespmem:$0x1D000] =	vst v63  }
0x17a: {  	_ =	swait.ge [sflag:s28], $0x4000  }
0x17b: {  	[sflag:s28] =	ssyncset.done $0x0  }
0x17c: {  	[sflag:s28] =	ssyncadd.s32 $0xFFFFC000  }
0x17d: {  	[bflag:$0x0] =	sbarrier.arrive $0xFFFF  }
0x17e: {  	s8 =	rddreg [dreg:$0x6]  }
0x17f: {  	s0 =	sor.u32 $0x1C05, s8;
	s8 =	sld [smem:$0x7F2];
	_ =	sdelay $0x1  }
0x180: {  	s2 =	rddreg [dreg:$0x16]  }
0x181: {  	[hbm:s2], [sflag:s0] =	dma.local [spmem:s8], $0x2000  }
0x182: {  	s2 =	simm.s32 $0x5  }
0x183: {  	_ =	swait.ge [sflag:s2], $0x2000  }
0x184: {  	s0 =	sld [smem:$0x7F1];
	_ =	sdelay $0x2  }
0x185: {  	s8 =	sadd.s32 $0x1, s0;
	s0 =	rddreg [dreg:$0x17]  }
0x186: {  	p0 =	sne.s32 s8, s0  }
.Ltmp1:
0x187: {  	_ = 	snop;
	(pc) =	sbr.rel @p0 .LBB2_1-.Ltmp1, $4  }
0x188: {  	s11 =	simm.s32 $0x680  }
0x189: {  	s20 =	simm.s32 $0x380;
	s3 =	simm.s32 $0x600;
	s23 =	simm.s32 $0x580  }
0x18a: {  	s25 =	simm.s32 $0x400;
	s7 =	simm.s32 $0x480;
	[sflag:s2] =	ssyncset.done $0x0  }
0x18b: {  	s24 =	simm.s32 $0x500;
	s5 =	simm.s32 $0x780;
	[sflag:s2] =	ssyncadd.s32 $0xFFFFE000  }
0x18c: {  	_ =	sfence.sel $0x180000  }
0x18d: {  	[bflag:$0x0] =	sbarrier.arrive $0xFFFF  }
0x18e: {  	_ =	strace $0x9000004A  }
0x18f: {  	s0 =	stileid.u32;
	[bflag:$0x2] =	sbarrier.arrive $0xFFFF  }
0x190: {  	p0 =	sne.s32 s0, $0x0;
	s0 =	rddreg [dreg:$0x4]  }
0x191: {  	s0 =	sadd.s32 @!p0 $0x100000, s0  }
0x192: {  	[sflag:s0] =	ssyncadd.tile.s32 @!p0 $0x1;
	_ =	shalt  }
.Lfunc_end2:
_tile_overlayer_lowered:
.L_overlay_start_2:
0x193: {  	(tag) =	ssettag $0x2  }
0x194: {  	s0 =	rddreg [dreg:$0x0];
	s2 =	stileid.u32  }
0x195: {  	s1 =	rddreg [dreg:$0x1];
	p0 =	sne.s32 s2, $0x0  }
0x196: {  	s3 =	rddreg [dreg:$0x2];
	[bflag:$0x3] =	sbarrier.arrive $0xFFFF;
	s2 =	simm.s32 @!p0 $0x1C05  }
0x197: {  	[timem:s3], [sflag:s2] =	dma.local @!p0 [hbm:s0], s1  }
0x198: {  	s0 =	simm.s32 @!p0 $0x5  }
0x199: {  	_ =	swait.ge @!p0 [sflag:s0], s1  }
0x19a: {  	s1 =	ssub.s32 @!p0 $0x0, s1;
	[sflag:s0] =	ssyncset.done @!p0 $0x0  }
0x19b: {  	[sflag:s0] =	ssyncadd.s32 @!p0 s1  }
0x19c: {  	[bflag:$0x3] =	sbarrier.arrive $0xFFFF  }
0x19d: {  	_ =	shalt  }

// kernel: kernel.7.cloned.1.call-start
scs
__scs_entry_jumppad:
0x0: {  	(pc) =	sbr.rel $0x88, $3  }
0x1: {  	(tag) =	ssettag $0x0;
	lr =	simm.s32 $0x1  }
0x2: {  	[smem:$0x3F99] =	sst lr;
	_ =	strace $0xD0000000  }
0x3: {  	_ = 	snop  }
0x4: {  	_ = 	snop  }
0x5: {  	_ = 	snop  }
0x6: {  	_ = 	snop  }
0x7: {  	_ = 	snop  }
__scs_overlays_trampoline_lowered:
0x8: {  	[smem:$0x3FA8] =	sst s0  }
0x9: {  	[smem:$0x3FA9] =	sst s1  }
0xa: {  	[smem:$0x3FAA] =	sst s2  }
0xb: {  	[smem:$0x3FAB] =	sst s3  }
0xc: {  	[smem:$0x3FAC] =	sst s4  }
0xd: {  	[smem:$0x3FAD] =	sst s5  }
0xe: {  	[smem:$0x3FAE] =	sst s6  }
0xf: {  	[smem:$0x3FAF] =	sst s7  }
0x10: {  	[smem:$0x3FB0] =	sst s8  }
0x11: {  	[smem:$0x3FB1] =	sst s9;
	s0 =	simm.s32 @!p0 $0x0  }
0x12: {  	s1 =	sld [smem:$0x3F97];
	s0 =	simm.s32 @p0 $0x1  }
0x13: {  	[smem:$0x3FB2] =	sst s0;
	s0 =	simm.s32 @!p1 $0x0  }
0x14: {  	s2 =	sld [smem:$0x3F96];
	s0 =	simm.s32 @p1 $0x1  }
0x15: {  	[smem:$0x3FB3] =	sst s0;
	s0 =	simm.s32 @!p2 $0x0  }
0x16: {  	s3 =	sld [smem:$0x3FDB];
	s0 =	simm.s32 @p2 $0x1  }
0x17: {  	s4 =	simm.s32 $0x1BF5;
	[smem:$0x3FB5] =	sst s0  }
0x18: {  	s0 =	sld [smem:$0x3F98];
	_ =	swait.ge [sflag:s4], $0x0  }
0x19: {  	s7 =	sld [smem:$0x3F99]  }
0x1a: {  	s8 =	sadd.s32 $0xFFFFE003, lr  }
0x1b: {  	s9 =	sadd.s32 $0xFFFFFEF7, lr;
	s5 =	simm.s32 $0xFFFFFFFF;
	p2 =	slt.u32 s8, $0xFFFFF086  }
0x1c: {  	p1 =	slt.u32 s9, $0xF7A;
	s5 =	simm.s32 @!p2 $0x0  }
0x1d: {  	s5 =	simm.s32 @p1 $0x1;
	p0 =	seq.s32 s7, s2  }
0x1e: {  	s7 =	smul.u32 @!p0 $0xF7A, s2;
	p2 =	seq.s32 @!p0 s5, $0x0  }
0x1f: {  	s9 =	smul.u32 $0xF7A, s1;
	s8 =	simm.s32 @!p0 $0x1BF5;
	p2 =	por !p2, p0  }
0x20: {  	[sflag:s8] =	ssyncset.s32 @!p0 $0xFFFFF086;
	s6 =	sadd.s32 @!p0 s3, s7;
	s7 =	simm.s32 @!p0 $0x108  }
0x21: {  	s3 =	sadd.s32 s3, s9;
	s6 =	sadd.s32 @!p0 $0x88, s6;
	s7 =	simm.s32 @p2 $0x1082  }
0x22: {  	[simem:s7], [sflag:s8] =	dma.local @!p0 [hbm:s6], $0xF7A  }
0x23: {  	s9 =	sor.u32 $0xD0000000, s2;
	s6 =	simm.s32 $0x108;
	_ =	swait.ge @!p0 [sflag:s8], $0x0  }
0x24: {  	s3 =	sadd.s32 $0x88, s3;
	s6 =	simm.s32 @!p1 $0x1082;
	[sflag:s4] =	ssyncset.s32 $0xFFFFF086  }
0x25: {  	[simem:s6], [sflag:s4] =	dma.local [hbm:s3], $0xF7A  }
0x26: {  	[smem:$0x3F99] =	sst s1;
	(tag) =	ssettag s2;
	_ =	strace s9  }
0x27: {  	s1 =	sld [smem:$0x3FA9]  }
0x28: {  	s2 =	sld [smem:$0x3FAA]  }
0x29: {  	s4 =	sld [smem:$0x3FAC]  }
0x2a: {  	p0 =	seq.s32 s5, $0x0;
	s5 =	sld [smem:$0x3FAD]  }
0x2b: {  	s6 =	sld [smem:$0x3FAE]  }
0x2c: {  	s7 =	sld [smem:$0x3FAF]  }
0x2d: {  	s3 =	simm.s32 $0x108;
	s8 =	sld [smem:$0x3FB0]  }
0x2e: {  	s3 =	simm.s32 @!p0 $0x1082;
	s9 =	sld [smem:$0x3FB1]  }
0x2f: {  	lr =	sadd.s32 s0, s3;
	s0 =	sld [smem:$0x3FA8]  }
0x30: {  	s3 =	sld [smem:$0x3FAB]  }
0x31: {  	[smem:$0x3FB4] =	sst s10  }
0x32: {  	s10 =	sld [smem:$0x3FB2];
	_ =	sdelay $0x3  }
0x33: {  	p0 =	seq.s32 s10, $0x1;
	s10 =	sld [smem:$0x3FB4];
	_ =	sdelay $0x3  }
0x34: {  	[smem:$0x3FB4] =	sst s10  }
0x35: {  	s10 =	sld [smem:$0x3FB3];
	_ =	sdelay $0x3  }
0x36: {  	p1 =	seq.s32 s10, $0x1;
	s10 =	sld [smem:$0x3FB4];
	_ =	sdelay $0x3  }
0x37: {  	[smem:$0x3FB4] =	sst s10  }
0x38: {  	s10 =	sld [smem:$0x3FB5]  }
0x39: {  	_ = 	snop;
	(pc) =	sbr.ind lr, $3  }
0x3a: {  	_ = 	snop  }
0x3b: {  	_ = 	snop  }
0x3c: {  	p2 =	seq.s32 s10, $0x1;
	s10 =	sld [smem:$0x3FB4]  }
0x3d: {  	_ =	shalt  }
0x3e: {  	_ =	shalt  }
0x3f: {  	_ =	shalt  }
0x40: {  	_ =	shalt  }
0x41: {  	_ =	shalt  }
0x42: {  	_ =	shalt  }
0x43: {  	_ =	shalt  }
0x44: {  	_ =	shalt  }
0x45: {  	_ =	shalt  }
0x46: {  	_ =	shalt  }
0x47: {  	_ =	shalt  }
0x48: {  	_ =	shalt  }
0x49: {  	_ =	shalt  }
0x4a: {  	_ =	shalt  }
0x4b: {  	_ =	shalt  }
0x4c: {  	_ =	shalt  }
0x4d: {  	_ =	shalt  }
0x4e: {  	_ =	shalt  }
0x4f: {  	_ =	shalt  }
0x50: {  	_ =	shalt  }
0x51: {  	_ =	shalt  }
0x52: {  	_ =	shalt  }
0x53: {  	_ =	shalt  }
0x54: {  	_ =	shalt  }
0x55: {  	_ =	shalt  }
0x56: {  	_ =	shalt  }
0x57: {  	_ =	shalt  }
0x58: {  	_ =	shalt  }
0x59: {  	_ =	shalt  }
0x5a: {  	_ =	shalt  }
0x5b: {  	_ =	shalt  }
0x5c: {  	_ =	shalt  }
0x5d: {  	_ =	shalt  }
0x5e: {  	_ =	shalt  }
0x5f: {  	_ =	shalt  }
0x60: {  	_ =	shalt  }
0x61: {  	_ =	shalt  }
0x62: {  	_ =	shalt  }
0x63: {  	_ =	shalt  }
0x64: {  	_ =	shalt  }
0x65: {  	_ =	shalt  }
0x66: {  	_ =	shalt  }
0x67: {  	_ =	shalt  }
0x68: {  	_ =	shalt  }
0x69: {  	_ =	shalt  }
0x6a: {  	_ =	shalt  }
0x6b: {  	_ =	shalt  }
0x6c: {  	_ =	shalt  }
0x6d: {  	_ =	shalt  }
0x6e: {  	_ =	shalt  }
0x6f: {  	_ =	shalt  }
0x70: {  	_ =	shalt  }
0x71: {  	_ =	shalt  }
0x72: {  	_ =	shalt  }
0x73: {  	_ =	shalt  }
0x74: {  	_ =	shalt  }
0x75: {  	_ =	shalt  }
0x76: {  	_ =	shalt  }
0x77: {  	_ =	shalt  }
0x78: {  	_ =	shalt  }
0x79: {  	_ =	shalt  }
0x7a: {  	_ =	shalt  }
0x7b: {  	_ =	shalt  }
0x7c: {  	_ =	shalt  }
0x7d: {  	_ =	shalt  }
0x7e: {  	_ =	shalt  }
0x7f: {  	_ =	shalt  }
0x80: {  	_ =	shalt  }
0x81: {  	_ =	shalt  }
0x82: {  	_ =	shalt  }
0x83: {  	_ =	shalt  }
0x84: {  	_ =	shalt  }
0x85: {  	_ =	shalt  }
0x86: {  	_ =	shalt  }
0x87: {  	_ =	shalt  }
.Lfunc_end0:
.L_simem_size_0:
called_computation_lowered:
.L_overlay_start_0:
0x88: {  	s2 =	sld [smem:$0x3FD9]  }
0x89: {  	s3 =	sld [smem:$0x3FFE];
	_ =	sdelay $0x1  }
0x8a: {  	s1 =	srdreg.scid  }
0x8b: {  	s0 =	sand.u32 $0x1, s1  }
0x8c: {  	s18 =	sshll.u32 s0, $0xA;
	s2 =	sadd.s32 s3, s2  }
0x8d: {  	s2 =	sadd.s32 s2, s18  }
0x8e: {  	[smem:$0x3FC0] =	sst s2  }
0x8f: {  	_ = 	snop  }
0x90: {  	s2 =	sld [smem:$0x3FC8]  }
0x91: {  	s19 =	sld [smem:$0x3FD0];
	(tm) =	ssettm $0x1  }
0x92: {  	s4 =	sld [smem:$0x3FFB];
	_ =	sdelay $0x3  }
0x93: {  	_ =	strace s4  }
0x94: {  	s4 =	sld [smem:$0x3FFC];
	_ =	sdelay $0x3  }
0x95: {  	_ =	strace s4  }
0x96: {  	s4 =	sld [smem:$0x3FFD];
	_ =	sdelay $0x3  }
0x97: {  	_ =	strace s4  }
0x98: {  	_ =	strace $0x8FFFFFFF  }
0x99: {  	s20 =	sld [smem:$0x3FDB];
	_ =	sdelay $0x1  }
0x9a: {  	s5 =	simm.s32 $_scs_section_size  }
0x9b: {  	s6 =	simm.s32 $_size__tile_overlayer_lowered;
	s7 =	simm.s32 $_tile_overlayer_lowered  }
0x9c: {  	s23 =	simm.s32 $0x1BFF;
	s22 =	sshll.u32 s7, $0x1;
	s4 =	sadd.s32 s5, s20  }
0x9d: {  	s8 =	simm.s32 $0x0;
	s21 =	sshll.u32 s6, $0x1;
	s6 =	sadd.s32 s22, s4  }
0x9e: {  	[timem:s8], [sflag:s23] =	dma.local [hbm:s6], s21  }
0x9f: {  	_ =	swait.ge [sflag:s23], s21  }
0xa0: {  	s5 =	ssub.s32 $0x0, s21;
	[sflag:s23] =	ssyncset.done $0x0  }
0xa1: {  	[sflag:s23] =	ssyncadd.s32 s5;
	_ =	sdelay $0x1  }
0xa2: {  	s24 =	simm.s32 $0x1B8B  }
0xa3: {  	_ =	swait.ge [sflag:s24], $0x1  }
0xa4: {  	[sflag:s24] =	ssyncset.done $0x0  }
0xa5: {  	s25 =	simm.s32 $0x1B8E;
	[sflag:s24] =	ssyncadd.s32 $0xFFFFFFFF  }
0xa6: {  	s26 =	simm.s32 $execute0_lowered;
	[smem:$0x3FD2] =	sst s25  }
0xa7: {  	s5 =	sshll.u32 s26, $0x1;
	_ =	strace $0x80000046;
	[dreg:$0x1] =	wrdreg $0xFFFFFFFF  }
0xa8: {  	s28 =	simm.s32 $_size_execute0_lowered;
	s4 =	sadd.s32 s4, s5;
	[dreg:$0x0] =	wrdreg $0x0  }
0xa9: {  	s5 =	sshll.u32 s28, $0x1;
	[dreg:$0x2] =	wrdreg s4  }
0xaa: {  	[dreg:$0x3] =	wrdreg s5  }
0xab: {  	[dreg:$0x4] =	wrdreg $0xC0  }
0xac: {  	_ =	task [dreg:s8], $0x5FFFF  }
0xad: {  	[dreg:$0x1] =	wrdreg $0xFFFFFFFF  }
0xae: {  	[dreg:$0x0] =	wrdreg $0x60  }
0xaf: {  	[dreg:$0x2] =	wrdreg s2  }
0xb0: {  	[dreg:$0x3] =	wrdreg s19  }
0xb1: {  	[dreg:$0x4] =	wrdreg $0x9  }
0xb2: {  	_ =	task.clear_ibuf [dreg:s8], $0x5FFFF;
	_ =	strace $0x90000046  }
0xb3: {  	s29 =	simm.s32 $0x9;
	_ =	strace $0x80000048  }
0xb4: {  	_ =	swait.ge [sflag:s29], $0x1  }
0xb5: {  	[sflag:s29] =	ssyncadd.s32 $0xFFFFFFFF  }
0xb6: {  	_ =	strace $0x90000048  }
0xb7: {  	_ =	sfence  }
0xb8: {  	s30 =	sld [smem:$0x0];
	_ =	sdelay $0x2  }
0xb9: {  	s31 =	sshll.u32 s1, $0xD;
	s1 =	sshrl.u32 s1, $0x2  }
0xba: {  	s3 =	sand.u32 $0x4000, s31;
	s1 =	sadd.s32 s1, s30  }
0xbb: {  	s0 =	sor.u32 s3, s0;
	s1 =	sshll.u32 s1, $0x11  }
0xbc: {  	s0 =	sor.u32 s1, s0  }
0xbd: {  	s0 =	sadd.s32 $0x8F2B, s0  }
0xbe: {  	[sflag:s0] =	ssyncadd.remote.s32 $0x1  }
0xbf: {  	_ =	sfence.sel $0xFFFF  }
0xc0: {  	[dreg:$0x0] =	wrdreg $0xFFFFFFFF;
	(pc) =	sbr.abs _section_cstart, $3  }
0xc1: {  	[dreg:$0x1] =	wrdreg $0xFFFFFFFF  }
0xc2: {  	_ =	task.clear_ibuf [dreg:s8], $0x2FFFF;
	_ =	strace $0x9FFFFFFF  }
0xc3: {  	(tm) =	ssettm $0x7FFFFFFF  }
tec
execute0_lowered:
.L_overlay_start_1:
0x0: {  	(tag) =	ssettag $0x1  }
0x1: {  	s3 =	rddreg [dreg:$0x0]  }
0x2: {  	s4 =	rddreg [dreg:$0x1]  }
0x3: {  	s0 =	rddreg [dreg:$0x2]  }
0x4: {  	s1 =	simm.s32 $0x0;
	s2 =	srdreg.scid;
	s9 =	simm.s32 $0x1  }
0x5: {  	s10 =	simm.s32 $0x400;
	s11 =	simm.s32 $0x0;
	s5 =	sand.u32 $0x1, s2  }
0x6: {  	[smem:$0x7FF] =	sst s1;
	s2 =	stileid.u32;
	s6 =	ssub.s32 $0x2, s5  }
0x7: {  	_ =	strace $0x80000047;
	s5 =	sshll.u32 s5, $0x4;
	s7 =	sshrl.u32 s6, $0x1  }
0x8: {  	s31 =	sshll.u32 s2, $0x4;
	s5 =	sor.u32 s2, s5;
	s6 =	ssub.s32 s6, s7  }
0x9: {  	s8 =	sshll.u32 s5, $0x8;
	s5 =	sshll.u32 s5, $0xA;
	s7 =	sand.u32 $0x70, s31  }
0xa: {  	s3 =	sadd.s32 s8, s3;
	s5 =	sand.u32 $0x6000, s5;
	s4 =	sadd.s32 s4, s7  }
0xb: {  	s7 =	simm.s32 $0x100;
	s8 =	simm.s32 $0x2000;
	s3 =	sadd.s32 $0x10, s3  }
0xc: {  	v0 =	vimm.f32 $0.0e+00;
	v1 =	vimm.f32 $1.000000000e+00;
	s4 =	sadd.s32 s5, s4;
	s5 =	smax.u32 s6, $0x1;
	s6 =	simm.s32 $0x80  }
.LBB2_1:
0xd: {  	s12 =	simm.s32 $0x40;
	s13 =	simm.s32 $0x0  }
.LBB2_2:
0xe: {  	p0 =	sne.s32 s12, $0x7FC0;
	[tilespmem:s13+$0x0] =	vst v0;
	s13 =	smov.u32 s12;
	s12 =	sadd.s32 $0x40, s12  }
.Ltmp0:
0xf: {  	(pc) =	sbr.rel @p0 .LBB2_2-.Ltmp0, $2  }
0x10: {  	_ =	sdelay $0x2  }
0x11: {  	s13 =	sshra.s32 s13, $0x2  }
0x12: {  	[tilespmem:s13+$0x0] =	vst v0  }
0x13: {  	[tilespmem:s8], [sflag:$0x1] =	stream.strided.gather [hbm4b:s3+s6], $0x400, s7, s6, $0x38;
	[tilespmem:$0x2400] =	vst v63  }
0x14: {  	_ =	swait.ge [sflag:s9], $0x400  }
0x15: {  	[sflag:s9] =	ssyncset.done $0x0  }
0x16: {  	s13 =	simm.s32 $0x0;
	s12 =	simm.s32 $0x40;
	[sflag:s9] =	ssyncadd.s32 $0xFFFFFC00  }
.LBB2_4:
0x17: {  	p0 =	sne.s32 s12, $0xFC0;
	v2 =	vld [tilespmem:s13+$0x2000];
	_ =	sdelay $0x3  }
.Ltmp1:
0x18: {  	(pc) =	sbr.rel @p0 .LBB2_4-.Ltmp1, $2  }
0x19: {  	_ =	sdelay $0x2  }
0x1a: {  	s13 =	sshra.s32 s12, $0x2;
	s12 =	sadd.s32 $0x40, s12;
	[tilespmem:v2+s1+$0x0] =	vst.idx.add.f32.msk $0xffff, v1  }
0x1b: {  	v2 =	vld [tilespmem:s13+$0x2000];
	_ =	sdelay $0x5  }
0x1c: {  	s11 =	sadd.s32 $0x1, s11  }
0x1d: {  	p0 =	sne.s32 s11, s5  }
.Ltmp2:
0x1e: {  	[tilespmem:v2+s1+$0x0] =	vst.idx.add.f32.msk $0xffff, v1;
	(pc) =	sbr.rel @p0 .LBB2_1-.Ltmp2, $4  }
0x1f: {  	[hbm4b:s4+s6] =	stream.strided.scatter [tilespmem:s1], [sflag:$0x1], $0x2000, s10, s6, $0x38;
	[tilespmem:$0x2400] =	vst v63  }
0x20: {  	_ =	swait.ge [sflag:s9], $0x2000  }
0x21: {  	[sflag:s9] =	ssyncset.done $0x0  }
0x22: {  	[sflag:s9] =	ssyncadd.s32 $0xFFFFE000  }
0x23: {  	_ =	sfence.sel $0x180000  }
0x24: {  	[bflag:$0x0] =	sbarrier.arrive $0xFFFF  }
0x25: {  	p0 =	sne.s32 s2, $0x0;
	_ =	strace $0x90000047  }
0x26: {  	s0 =	sadd.s32 @!p0 $0x100000, s0;
	[bflag:$0x2] =	sbarrier.arrive $0xFFFF  }
0x27: {  	[sflag:s0] =	ssyncadd.tile.s32 @!p0 $0x1;
	_ =	shalt  }
.Lfunc_end2:
_tile_overlayer_lowered:
.L_overlay_start_2:
0x28: {  	(tag) =	ssettag $0x2  }
0x29: {  	s0 =	rddreg [dreg:$0x0];
	s2 =	stileid.u32  }
0x2a: {  	s1 =	rddreg [dreg:$0x1];
	p0 =	sne.s32 s2, $0x0  }
0x2b: {  	s3 =	rddreg [dreg:$0x2];
	[bflag:$0x3] =	sbarrier.arrive $0xFFFF;
	s2 =	simm.s32 @!p0 $0x1C01  }
0x2c: {  	[timem:s3], [sflag:s2] =	dma.local @!p0 [hbm:s0], s1  }
0x2d: {  	s0 =	simm.s32 @!p0 $0x1  }
0x2e: {  	_ =	swait.ge @!p0 [sflag:s0], s1  }
0x2f: {  	s1 =	ssub.s32 @!p0 $0x0, s1;
	[sflag:s0] =	ssyncset.done @!p0 $0x0  }
0x30: {  	[sflag:s0] =	ssyncadd.s32 @!p0 s1  }
0x31: {  	[bflag:$0x3] =	sbarrier.arrive $0xFFFF  }
0x32: {  	_ =	shalt  }

</sc_bundles>
